<compile_context>
chip_gen: v7x
topology: tpu7x:2x2x1
jax: 0.10.2.dev20260603
libtpu: 0.0.44.dev20260713+nightly
codegen_flags: <defaults>
</compile_context>

<pallas_src>
import functools

import jax
import jax.numpy as jnp
from jax import lax
from jax.experimental import pallas as pl
from jax.experimental.pallas import tpu as pltpu
from jax.experimental.pallas import tpu_sc as plsc

N_NODES = 10000
N_EDGES = 320000
IN_DIM = 128
HIDDEN = 64

NC = 2
NS = 16
NW = NC * NS

BURST = 128
NBUF = 5
NB = 80
EDGES_PER_TILE = NB * BURST
E_PAD = NW * EDGES_PER_TILE
N_PAD = 10112
ROWS_PER_TILE = N_PAD // NS
DEG_ROWS = 640
N_DEG = DEG_ROWS * 16
DEG_ROWS_PER_TILE = DEG_ROWS // NS
SETTLE_NS = 3000

EI_ROWS = N_EDGES // BURST
REAL_TAIL = EI_ROWS - (NW - 1) * NB


def _msg_body(h_ref, w1_ref, b1_ref, w2_ref, b2_ref, out_ref):
    m1 = jnp.dot(h_ref[...], w1_ref[...], preferred_element_type=jnp.float32)
    m1 = jnp.maximum(m1 + b1_ref[...], 0.0)
    m2 = jnp.dot(m1, w2_ref[...], preferred_element_type=jnp.float32)
    out_ref[...] = jnp.maximum(m2 + b2_ref[...], 0.0)


def _upd_body(h_ref, pa_ref, d0_ref, d1_ref, w3a_ref, w3b_ref, b3_ref, w4_ref,
              b4_ref, out_ref):
    p = (pa_ref[0, :N_NODES, :HIDDEN] + pa_ref[1, :N_NODES, :HIDDEN])
    deg = jnp.maximum(d0_ref[...] + d1_ref[...], 1.0)
    agg = p / deg
    z = jnp.dot(h_ref[...], w3a_ref[...], preferred_element_type=jnp.float32)
    z = z + jnp.dot(agg, w3b_ref[...], preferred_element_type=jnp.float32)
    z = jnp.maximum(z + b3_ref[...], 0.0)
    out_ref[...] = jnp.dot(z, w4_ref[...], preferred_element_type=jnp.float32) + b4_ref[...]


_sc_mesh = plsc.VectorSubcoreMesh(
    core_axis_name="c", subcore_axis_name="s", num_cores=NC, num_subcores=NS)


@functools.partial(
    pl.kernel,
    out_type=(jax.ShapeDtypeStruct((NC, N_PAD, 128), jnp.float32),
              jax.ShapeDtypeStruct((NC, DEG_ROWS, 16), jnp.float32)),
    mesh=_sc_mesh,
    scratch_types=[
        pltpu.VMEM((NB, 2, BURST), jnp.int32),
        [pltpu.VMEM((BURST, HIDDEN), jnp.float32) for _ in range(NBUF)],
        pltpu.VMEM((DEG_ROWS, 16), jnp.float32),
        pltpu.VMEM((5, BURST), jnp.int32),
        pltpu.VMEM((DEG_ROWS_PER_TILE, 16), jnp.float32),
        pltpu.VMEM((BURST, 128), jnp.float32),
        pltpu.VMEM_SHARED((N_PAD, HIDDEN), jnp.float32),
        pltpu.VMEM_SHARED((DEG_ROWS, 16), jnp.float32),
        [pltpu.SemaphoreType.DMA for _ in range(NBUF)],
        [pltpu.SemaphoreType.DMA for _ in range(NBUF)],
    ],
    compiler_params=pltpu.CompilerParams(
        needs_layout_passes=False, use_tc_tiling_on_sc=False),
)
def _sc_agg(m_hbm, ei_hbm, outa_hbm, outd_hbm,
            ev_v, gbufs, ldeg, didx, dbuf, wbuf, agg_sh, deg_sh, gsem, ssem):
    c = lax.axis_index("c")
    s = lax.axis_index("s")
    wid = s * NC + c

    zvec = jnp.zeros((16,), jnp.float32)
    ovec = jnp.ones((16,), jnp.float32)
    i16 = lax.iota(jnp.int32, 16)

    for r in range(DEG_ROWS_PER_TILE):
        dbuf[r, :] = zvec

    def _zero_gbuf0(r, carry):
        for jj in range(HIDDEN // 16):
            gbufs[0][r, pl.ds(jj * 16, 16)] = zvec
        for jj in range(128 // 16):
            wbuf[r, pl.ds(jj * 16, 16)] = zvec
        return carry

    lax.fori_loop(0, BURST, _zero_gbuf0, 0)

    r0 = s * ROWS_PER_TILE
    d0 = s * DEG_ROWS_PER_TILE
    for t in range(4):
        pltpu.sync_copy(gbufs[0], agg_sh.at[pl.ds(r0 + t * BURST, BURST)])
    pltpu.sync_copy(gbufs[0].at[pl.ds(0, ROWS_PER_TILE - 4 * BURST)],
                    agg_sh.at[pl.ds(r0 + 4 * BURST, ROWS_PER_TILE - 4 * BURST)])
    pltpu.sync_copy(dbuf, deg_sh.at[pl.ds(d0, DEG_ROWS_PER_TILE)])

    @pl.when(wid < NW - 1)
    def _load_full():
        pltpu.sync_copy(ei_hbm.at[pl.ds(wid * NB, NB)], ev_v)

    @pl.when(wid == NW - 1)
    def _load_tail():
        pltpu.sync_copy(ei_hbm.at[pl.ds((NW - 1) * NB, REAL_TAIL)],
                        ev_v.at[pl.ds(0, REAL_TAIL)])

        def _fill_pad(j, carry):
            base = j * BURST
            for k in range(BURST // 16):
                off = i16 + (base + k * 16)
                ev_v[j, 0, pl.ds(k * 16, 16)] = (
                    N_NODES + lax.rem(off, N_PAD - N_NODES))
                ev_v[j, 1, pl.ds(k * 16, 16)] = lax.rem(off, N_NODES)
            return carry

        lax.fori_loop(REAL_TAIL, NB, _fill_pad, 0)

    def _zero_ldeg(r, carry):
        ldeg[r, :] = zvec
        return carry

    lax.fori_loop(0, DEG_ROWS, _zero_ldeg, 0)
    for r in range(5):
        for k in range(BURST // 16):
            didx[r, pl.ds(k * 16, 16)] = i16 + (r * BURST + k * 16)

    plsc.subcore_barrier()

    def _deg_hist(j):
        for k in range(BURST // 16):
            rows16 = ev_v[j, 0, pl.ds(k * 16, 16)]
            rhi = lax.shift_right_logical(rows16, 4)
            rlo = jnp.bitwise_and(rows16, 15)
            plsc.addupdate_scatter(ldeg, [rhi, rlo], ovec)

    for b in range(NBUF):
        pltpu.async_copy(m_hbm.at[ev_v.at[b, 1]], gbufs[b], gsem[b])

    def _octet(i, carry):
        for b in range(NBUF):
            j = i * NBUF + b
            bp = (b - 1) % NBUF
            pltpu.make_async_copy(m_hbm.at[ev_v.at[j, 1]], gbufs[b], gsem[b]).wait()
            pltpu.async_copy(gbufs[b], agg_sh.at[ev_v.at[j, 0]], ssem[b], add=True)
            _deg_hist(j)
            jm1 = jnp.maximum(j - 1, 0)
            if b == 0:
                @pl.when(j >= 1)
                def _wait_prev():
                    pltpu.make_async_copy(
                        gbufs[bp], agg_sh.at[ev_v.at[jm1, 0]], ssem[bp]).wait()
            else:
                pltpu.make_async_copy(
                    gbufs[bp], agg_sh.at[ev_v.at[jm1, 0]], ssem[bp]).wait()

            @pl.when(jnp.logical_and(j >= 1, j + NBUF - 1 < NB))
            def _issue_next():
                pltpu.async_copy(
                    m_hbm.at[ev_v.at[j + NBUF - 1, 1]], gbufs[bp], gsem[bp])
        return carry

    lax.fori_loop(0, NB // NBUF, _octet, 0)
    pltpu.make_async_copy(
        gbufs[(NB - 1) % NBUF], agg_sh.at[ev_v.at[NB - 1, 0]],
        ssem[(NB - 1) % NBUF]).wait()

    for r in range(5):
        pltpu.sync_copy(ldeg.at[pl.ds(r * BURST, BURST)],
                        deg_sh.at[didx.at[r]], add=True)

    plsc.subcore_barrier()
    pltpu.sync_copy(agg_sh.at[pl.ds(r0, BURST)], gbufs[1])
    pl.delay(SETTLE_NS)
    plsc.subcore_barrier()

    for t in range(4):
        pltpu.sync_copy(agg_sh.at[pl.ds(r0 + t * BURST, BURST)],
                        wbuf.at[pl.ds(0, BURST), pl.ds(0, HIDDEN)])
        pltpu.sync_copy(wbuf, outa_hbm.at[c, pl.ds(r0 + t * BURST, BURST)])
    tail = ROWS_PER_TILE - 4 * BURST
    pltpu.sync_copy(agg_sh.at[pl.ds(r0 + 4 * BURST, tail)],
                    wbuf.at[pl.ds(0, tail), pl.ds(0, HIDDEN)])
    pltpu.sync_copy(wbuf.at[pl.ds(0, tail)],
                    outa_hbm.at[c, pl.ds(r0 + 4 * BURST, tail)])
    pltpu.sync_copy(deg_sh.at[pl.ds(d0, DEG_ROWS_PER_TILE)], dbuf)
    pltpu.sync_copy(dbuf, outd_hbm.at[c, pl.ds(d0, DEG_ROWS_PER_TILE)])


def kernel(h, edge_index, W1, b1, W2, b2, W3, b3, W4, b4):
    ei = edge_index.astype(jnp.int32)
    ei3 = ei.reshape(2, EI_ROWS, BURST).transpose(1, 0, 2)

    m_tab = pl.pallas_call(
        _msg_body,
        out_shape=jax.ShapeDtypeStruct((N_NODES, HIDDEN), jnp.float32),
    )(h, W1, b1.reshape(1, HIDDEN), W2, b2.reshape(1, HIDDEN))

    pagg, pdeg = _sc_agg(m_tab, ei3)
    degflat = pdeg.reshape(NC, N_DEG)
    dd0 = degflat[0, :N_NODES, None]
    dd1 = degflat[1, :N_NODES, None]

    out = pl.pallas_call(
        _upd_body,
        out_shape=jax.ShapeDtypeStruct((N_NODES, 2), jnp.float32),
    )(h, pagg, dd0, dd1, W3[:IN_DIM], W3[IN_DIM:], b3.reshape(1, HIDDEN),
      W4, b4.reshape(1, 2))
    return out

# --- scband reference (transcript-rebuilt; emitter-appended) ---
"""Pipeline reference for scband-gnnresidual-36455682408724 (READ-ONLY COPY).

The authoritative reference and input builder live on the scoring server;
editing this copy changes nothing except your own understanding.
"""

import jax, jax.numpy as jnp
import numpy as np

N_NODES = 10000
N_EDGES = 320000
IN_DIM = 128
HIDDEN = 64


def setup_inputs(seed: int = 0) -> dict:
    key = jax.random.key(seed)
    ks = jax.random.split(key, 12)
    h = jax.random.normal(ks[0], (N_NODES, IN_DIM), dtype=jnp.float32)
    edge_index = jax.random.randint(ks[1], (2, N_EDGES), 0, N_NODES, dtype=jnp.int64)
    # msg_mlp params: Linear(IN_DIM, HIDDEN), ReLU, Linear(HIDDEN, HIDDEN), ReLU
    W1 = jax.random.normal(ks[2], (IN_DIM, HIDDEN), dtype=jnp.float32) * (1.0 / np.sqrt(IN_DIM))
    b1 = jnp.zeros((HIDDEN,), dtype=jnp.float32)
    W2 = jax.random.normal(ks[3], (HIDDEN, HIDDEN), dtype=jnp.float32) * (1.0 / np.sqrt(HIDDEN))
    b2 = jnp.zeros((HIDDEN,), dtype=jnp.float32)
    # update_mlp params: Linear(IN_DIM+HIDDEN, HIDDEN), ReLU, Linear(HIDDEN, 2)
    W3 = jax.random.normal(ks[4], (IN_DIM + HIDDEN, HIDDEN), dtype=jnp.float32) * (1.0 / np.sqrt(IN_DIM + HIDDEN))
    b3 = jnp.zeros((HIDDEN,), dtype=jnp.float32)
    W4 = jax.random.normal(ks[5], (HIDDEN, 2), dtype=jnp.float32) * (1.0 / np.sqrt(HIDDEN))
    b4 = jnp.zeros((2,), dtype=jnp.float32)
    return {"h": h, "edge_index": edge_index, "W1": W1, "b1": b1, "W2": W2, "b2": b2, "W3": W3, "b3": b3, "W4": W4, "b4": b4}


def reference(h, edge_index, W1, b1, W2, b2, W3, b3, W4, b4):
    row = edge_index[0]
    col = edge_index[1]
    # msg_mlp applied to gathered source features
    hc = jnp.take(h, col, axis=0)
    m = jax.nn.relu(hc @ W1 + b1)
    m = jax.nn.relu(m @ W2 + b2)
    N = h.shape[0]
    # scatter-add aggregation over destination nodes
    agg = jnp.zeros((N, m.shape[1]), dtype=h.dtype).at[row].add(m)
    deg = jnp.bincount(row, length=N)
    deg = jnp.clip(deg, 1, None).astype(h.dtype)[:, None]
    agg = agg / deg
    z = jnp.concatenate([h, agg], axis=1)
    out = jax.nn.relu(z @ W3 + b3) @ W4 + b4
    return out

if __name__ == "__main__":
    import jax
    _d = setup_inputs()
    print(jax.jit(kernel)(*tuple(_d.values())))

</pallas_src>

<mosaic_0001>
#map = affine_map<(d0, d1) -> (0, 0)>
#map1 = affine_map<(d0, d1) -> (0, 0, 0)>
module attributes {stable_mosaic.version = 14 : i64} {
  func.func @_sc_agg(%arg0: i32, %arg1: i32, %arg2: memref<10000x64xf32, #tpu.memory_space<hbm>>, %arg3: memref<2500x2x128xi32, #tpu.memory_space<hbm>>, %arg4: memref<2x10112x128xf32, #tpu.memory_space<hbm>>, %arg5: memref<2x640x16xf32, #tpu.memory_space<hbm>>, %arg6: memref<80x2x128xi32, #tpu.memory_space<vmem>>, %arg7: memref<128x64xf32, #tpu.memory_space<vmem>>, %arg8: memref<128x64xf32, #tpu.memory_space<vmem>>, %arg9: memref<128x64xf32, #tpu.memory_space<vmem>>, %arg10: memref<128x64xf32, #tpu.memory_space<vmem>>, %arg11: memref<128x64xf32, #tpu.memory_space<vmem>>, %arg12: memref<640x16xf32, #tpu.memory_space<vmem>>, %arg13: memref<5x128xi32, #tpu.memory_space<vmem>>, %arg14: memref<40x16xf32, #tpu.memory_space<vmem>>, %arg15: memref<128x128xf32, #tpu.memory_space<vmem>>, %arg16: memref<10112x64xf32, #tpu.memory_space<vmem_shared>>, %arg17: memref<640x16xf32, #tpu.memory_space<vmem_shared>>, %arg18: memref<!tpu.dma_semaphore, #tpu.memory_space<semaphore_mem>>, %arg19: memref<!tpu.dma_semaphore, #tpu.memory_space<semaphore_mem>>, %arg20: memref<!tpu.dma_semaphore, #tpu.memory_space<semaphore_mem>>, %arg21: memref<!tpu.dma_semaphore, #tpu.memory_space<semaphore_mem>>, %arg22: memref<!tpu.dma_semaphore, #tpu.memory_space<semaphore_mem>>, %arg23: memref<!tpu.dma_semaphore, #tpu.memory_space<semaphore_mem>>, %arg24: memref<!tpu.dma_semaphore, #tpu.memory_space<semaphore_mem>>, %arg25: memref<!tpu.dma_semaphore, #tpu.memory_space<semaphore_mem>>, %arg26: memref<!tpu.dma_semaphore, #tpu.memory_space<semaphore_mem>>, %arg27: memref<!tpu.dma_semaphore, #tpu.memory_space<semaphore_mem>>) attributes {dimension_semantics = [#tpu.dimension_semantics<core_parallel>, #tpu.dimension_semantics<subcore_parallel>], iteration_bounds = array<i64: 2, 16>, scalar_prefetch = 0 : i64, scratch_operands = 22 : i64, tpu.core_type = #tpu.core_type<sc_vector_subcore>, window_params = [{transform_indices = #map}, {transform_indices = #map1}, {transform_indices = #map1}, {transform_indices = #map1}]} {
    %mul3A = arith.constant 2 : i32
    %mul3A_0 = arith.muli %arg1, %mul3A : i32
    %add3A = arith.addi %mul3A_0, %arg0 : i32
    %broadcast_in_dim3A = arith.constant 0.000000e+00 : f32
    %broadcast_in_dim3A_1 = vector.broadcast %broadcast_in_dim3A : f32 to vector<16xf32>
    %broadcast_in_dim3A_2 = arith.constant 1.000000e+00 : f32
    %broadcast_in_dim3A_3 = vector.broadcast %broadcast_in_dim3A_2 : f32 to vector<16xf32>
    %iota3A = tpu.iota {dimensions = array<i32: 0>} : vector<16xi32>
    %swap3A = arith.constant 0 : i32
    %swap3A_4 = arith.index_cast %swap3A : i32 to index
    %swap3A_5 = arith.constant 0 : index
    %swap3A_6 = tpu.vector_load %arg14[%swap3A_4, %swap3A_5] {strides = array<i32>} : memref<40x16xf32, #tpu.memory_space<vmem>>, vector<16xf32>,
    tpu.vector_store %arg14[%swap3A_4, %swap3A_5], %broadcast_in_dim3A_1 {strides = array<i32>} : memref<40x16xf32, #tpu.memory_space<vmem>>, vector<16xf32>,
    %swap3A_7 = arith.constant 1 : i32
    %swap3A_8 = arith.index_cast %swap3A_7 : i32 to index
    %swap3A_9 = arith.constant 0 : index
    %swap3A_10 = tpu.vector_load %arg14[%swap3A_8, %swap3A_9] {strides = array<i32>} : memref<40x16xf32, #tpu.memory_space<vmem>>, vector<16xf32>,
    tpu.vector_store %arg14[%swap3A_8, %swap3A_9], %broadcast_in_dim3A_1 {strides = array<i32>} : memref<40x16xf32, #tpu.memory_space<vmem>>, vector<16xf32>,
    %swap3A_11 = arith.constant 2 : i32
    %swap3A_12 = arith.index_cast %swap3A_11 : i32 to index
    %swap3A_13 = arith.constant 0 : index
    %swap3A_14 = tpu.vector_load %arg14[%swap3A_12, %swap3A_13] {strides = array<i32>} : memref<40x16xf32, #tpu.memory_space<vmem>>, vector<16xf32>,
    tpu.vector_store %arg14[%swap3A_12, %swap3A_13], %broadcast_in_dim3A_1 {strides = array<i32>} : memref<40x16xf32, #tpu.memory_space<vmem>>, vector<16xf32>,
    %swap3A_15 = arith.constant 3 : i32
    %swap3A_16 = arith.index_cast %swap3A_15 : i32 to index
    %swap3A_17 = arith.constant 0 : index
    %swap3A_18 = tpu.vector_load %arg14[%swap3A_16, %swap3A_17] {strides = array<i32>} : memref<40x16xf32, #tpu.memory_space<vmem>>, vector<16xf32>,
    tpu.vector_store %arg14[%swap3A_16, %swap3A_17], %broadcast_in_dim3A_1 {strides = array<i32>} : memref<40x16xf32, #tpu.memory_space<vmem>>, vector<16xf32>,
    %swap3A_19 = arith.constant 4 : i32
    %swap3A_20 = arith.index_cast %swap3A_19 : i32 to index
    %swap3A_21 = arith.constant 0 : index
    %swap3A_22 = tpu.vector_load %arg14[%swap3A_20, %swap3A_21] {strides = array<i32>} : memref<40x16xf32, #tpu.memory_space<vmem>>, vector<16xf32>,
    tpu.vector_store %arg14[%swap3A_20, %swap3A_21], %broadcast_in_dim3A_1 {strides = array<i32>} : memref<40x16xf32, #tpu.memory_space<vmem>>, vector<16xf32>,
    %swap3A_23 = arith.constant 5 : i32
    %swap3A_24 = arith.index_cast %swap3A_23 : i32 to index
    %swap3A_25 = arith.constant 0 : index
    %swap3A_26 = tpu.vector_load %arg14[%swap3A_24, %swap3A_25] {strides = array<i32>} : memref<40x16xf32, #tpu.memory_space<vmem>>, vector<16xf32>,
    tpu.vector_store %arg14[%swap3A_24, %swap3A_25], %broadcast_in_dim3A_1 {strides = array<i32>} : memref<40x16xf32, #tpu.memory_space<vmem>>, vector<16xf32>,
    %swap3A_27 = arith.constant 6 : i32
    %swap3A_28 = arith.index_cast %swap3A_27 : i32 to index
    %swap3A_29 = arith.constant 0 : index
    %swap3A_30 = tpu.vector_load %arg14[%swap3A_28, %swap3A_29] {strides = array<i32>} : memref<40x16xf32, #tpu.memory_space<vmem>>, vector<16xf32>,
    tpu.vector_store %arg14[%swap3A_28, %swap3A_29], %broadcast_in_dim3A_1 {strides = array<i32>} : memref<40x16xf32, #tpu.memory_space<vmem>>, vector<16xf32>,
    %swap3A_31 = arith.constant 7 : i32
    %swap3A_32 = arith.index_cast %swap3A_31 : i32 to index
    %swap3A_33 = arith.constant 0 : index
    %swap3A_34 = tpu.vector_load %arg14[%swap3A_32, %swap3A_33] {strides = array<i32>} : memref<40x16xf32, #tpu.memory_space<vmem>>, vector<16xf32>,
    tpu.vector_store %arg14[%swap3A_32, %swap3A_33], %broadcast_in_dim3A_1 {strides = array<i32>} : memref<40x16xf32, #tpu.memory_space<vmem>>, vector<16xf32>,
    %swap3A_35 = arith.constant 8 : i32
    %swap3A_36 = arith.index_cast %swap3A_35 : i32 to index
    %swap3A_37 = arith.constant 0 : index
    %swap3A_38 = tpu.vector_load %arg14[%swap3A_36, %swap3A_37] {strides = array<i32>} : memref<40x16xf32, #tpu.memory_space<vmem>>, vector<16xf32>,
    tpu.vector_store %arg14[%swap3A_36, %swap3A_37], %broadcast_in_dim3A_1 {strides = array<i32>} : memref<40x16xf32, #tpu.memory_space<vmem>>, vector<16xf32>,
    %swap3A_39 = arith.constant 9 : i32
    %swap3A_40 = arith.index_cast %swap3A_39 : i32 to index
    %swap3A_41 = arith.constant 0 : index
    %swap3A_42 = tpu.vector_load %arg14[%swap3A_40, %swap3A_41] {strides = array<i32>} : memref<40x16xf32, #tpu.memory_space<vmem>>, vector<16xf32>,
    tpu.vector_store %arg14[%swap3A_40, %swap3A_41], %broadcast_in_dim3A_1 {strides = array<i32>} : memref<40x16xf32, #tpu.memory_space<vmem>>, vector<16xf32>,
    %swap3A_43 = arith.constant 10 : i32
    %swap3A_44 = arith.index_cast %swap3A_43 : i32 to index
    %swap3A_45 = arith.constant 0 : index
    %swap3A_46 = tpu.vector_load %arg14[%swap3A_44, %swap3A_45] {strides = array<i32>} : memref<40x16xf32, #tpu.memory_space<vmem>>, vector<16xf32>,
    tpu.vector_store %arg14[%swap3A_44, %swap3A_45], %broadcast_in_dim3A_1 {strides = array<i32>} : memref<40x16xf32, #tpu.memory_space<vmem>>, vector<16xf32>,
    %swap3A_47 = arith.constant 11 : i32
    %swap3A_48 = arith.index_cast %swap3A_47 : i32 to index
    %swap3A_49 = arith.constant 0 : index
    %swap3A_50 = tpu.vector_load %arg14[%swap3A_48, %swap3A_49] {strides = array<i32>} : memref<40x16xf32, #tpu.memory_space<vmem>>, vector<16xf32>,
    tpu.vector_store %arg14[%swap3A_48, %swap3A_49], %broadcast_in_dim3A_1 {strides = array<i32>} : memref<40x16xf32, #tpu.memory_space<vmem>>, vector<16xf32>,
    %swap3A_51 = arith.constant 12 : i32
    %swap3A_52 = arith.index_cast %swap3A_51 : i32 to index
    %swap3A_53 = arith.constant 0 : index
    %swap3A_54 = tpu.vector_load %arg14[%swap3A_52, %swap3A_53] {strides = array<i32>} : memref<40x16xf32, #tpu.memory_space<vmem>>, vector<16xf32>,
    tpu.vector_store %arg14[%swap3A_52, %swap3A_53], %broadcast_in_dim3A_1 {strides = array<i32>} : memref<40x16xf32, #tpu.memory_space<vmem>>, vector<16xf32>,
    %swap3A_55 = arith.constant 13 : i32
    %swap3A_56 = arith.index_cast %swap3A_55 : i32 to index
    %swap3A_57 = arith.constant 0 : index
    %swap3A_58 = tpu.vector_load %arg14[%swap3A_56, %swap3A_57] {strides = array<i32>} : memref<40x16xf32, #tpu.memory_space<vmem>>, vector<16xf32>,
    tpu.vector_store %arg14[%swap3A_56, %swap3A_57], %broadcast_in_dim3A_1 {strides = array<i32>} : memref<40x16xf32, #tpu.memory_space<vmem>>, vector<16xf32>,
    %swap3A_59 = arith.constant 14 : i32
    %swap3A_60 = arith.index_cast %swap3A_59 : i32 to index
    %swap3A_61 = arith.constant 0 : index
    %swap3A_62 = tpu.vector_load %arg14[%swap3A_60, %swap3A_61] {strides = array<i32>} : memref<40x16xf32, #tpu.memory_space<vmem>>, vector<16xf32>,
    tpu.vector_store %arg14[%swap3A_60, %swap3A_61], %broadcast_in_dim3A_1 {strides = array<i32>} : memref<40x16xf32, #tpu.memory_space<vmem>>, vector<16xf32>,
    %swap3A_63 = arith.constant 15 : i32
    %swap3A_64 = arith.index_cast %swap3A_63 : i32 to index
    %swap3A_65 = arith.constant 0 : index
    %swap3A_66 = tpu.vector_load %arg14[%swap3A_64, %swap3A_65] {strides = array<i32>} : memref<40x16xf32, #tpu.memory_space<vmem>>, vector<16xf32>,
    tpu.vector_store %arg14[%swap3A_64, %swap3A_65], %broadcast_in_dim3A_1 {strides = array<i32>} : memref<40x16xf32, #tpu.memory_space<vmem>>, vector<16xf32>,
    %swap3A_67 = arith.constant 16 : i32
    %swap3A_68 = arith.index_cast %swap3A_67 : i32 to index
    %swap3A_69 = arith.constant 0 : index
    %swap3A_70 = tpu.vector_load %arg14[%swap3A_68, %swap3A_69] {strides = array<i32>} : memref<40x16xf32, #tpu.memory_space<vmem>>, vector<16xf32>,
    tpu.vector_store %arg14[%swap3A_68, %swap3A_69], %broadcast_in_dim3A_1 {strides = array<i32>} : memref<40x16xf32, #tpu.memory_space<vmem>>, vector<16xf32>,
    %swap3A_71 = arith.constant 17 : i32
    %swap3A_72 = arith.index_cast %swap3A_71 : i32 to index
    %swap3A_73 = arith.constant 0 : index
    %swap3A_74 = tpu.vector_load %arg14[%swap3A_72, %swap3A_73] {strides = array<i32>} : memref<40x16xf32, #tpu.memory_space<vmem>>, vector<16xf32>,
    tpu.vector_store %arg14[%swap3A_72, %swap3A_73], %broadcast_in_dim3A_1 {strides = array<i32>} : memref<40x16xf32, #tpu.memory_space<vmem>>, vector<16xf32>,
    %swap3A_75 = arith.constant 18 : i32
    %swap3A_76 = arith.index_cast %swap3A_75 : i32 to index
    %swap3A_77 = arith.constant 0 : index
    %swap3A_78 = tpu.vector_load %arg14[%swap3A_76, %swap3A_77] {strides = array<i32>} : memref<40x16xf32, #tpu.memory_space<vmem>>, vector<16xf32>,
    tpu.vector_store %arg14[%swap3A_76, %swap3A_77], %broadcast_in_dim3A_1 {strides = array<i32>} : memref<40x16xf32, #tpu.memory_space<vmem>>, vector<16xf32>,
    %swap3A_79 = arith.constant 19 : i32
    %swap3A_80 = arith.index_cast %swap3A_79 : i32 to index
    %swap3A_81 = arith.constant 0 : index
    %swap3A_82 = tpu.vector_load %arg14[%swap3A_80, %swap3A_81] {strides = array<i32>} : memref<40x16xf32, #tpu.memory_space<vmem>>, vector<16xf32>,
    tpu.vector_store %arg14[%swap3A_80, %swap3A_81], %broadcast_in_dim3A_1 {strides = array<i32>} : memref<40x16xf32, #tpu.memory_space<vmem>>, vector<16xf32>,
    %swap3A_83 = arith.constant 20 : i32
    %swap3A_84 = arith.index_cast %swap3A_83 : i32 to index
    %swap3A_85 = arith.constant 0 : index
    %swap3A_86 = tpu.vector_load %arg14[%swap3A_84, %swap3A_85] {strides = array<i32>} : memref<40x16xf32, #tpu.memory_space<vmem>>, vector<16xf32>,
    tpu.vector_store %arg14[%swap3A_84, %swap3A_85], %broadcast_in_dim3A_1 {strides = array<i32>} : memref<40x16xf32, #tpu.memory_space<vmem>>, vector<16xf32>,
    %swap3A_87 = arith.constant 21 : i32
    %swap3A_88 = arith.index_cast %swap3A_87 : i32 to index
    %swap3A_89 = arith.constant 0 : index
    %swap3A_90 = tpu.vector_load %arg14[%swap3A_88, %swap3A_89] {strides = array<i32>} : memref<40x16xf32, #tpu.memory_space<vmem>>, vector<16xf32>,
    tpu.vector_store %arg14[%swap3A_88, %swap3A_89], %broadcast_in_dim3A_1 {strides = array<i32>} : memref<40x16xf32, #tpu.memory_space<vmem>>, vector<16xf32>,
    %swap3A_91 = arith.constant 22 : i32
    %swap3A_92 = arith.index_cast %swap3A_91 : i32 to index
    %swap3A_93 = arith.constant 0 : index
    %swap3A_94 = tpu.vector_load %arg14[%swap3A_92, %swap3A_93] {strides = array<i32>} : memref<40x16xf32, #tpu.memory_space<vmem>>, vector<16xf32>,
    tpu.vector_store %arg14[%swap3A_92, %swap3A_93], %broadcast_in_dim3A_1 {strides = array<i32>} : memref<40x16xf32, #tpu.memory_space<vmem>>, vector<16xf32>,
    %swap3A_95 = arith.constant 23 : i32
    %swap3A_96 = arith.index_cast %swap3A_95 : i32 to index
    %swap3A_97 = arith.constant 0 : index
    %swap3A_98 = tpu.vector_load %arg14[%swap3A_96, %swap3A_97] {strides = array<i32>} : memref<40x16xf32, #tpu.memory_space<vmem>>, vector<16xf32>,
    tpu.vector_store %arg14[%swap3A_96, %swap3A_97], %broadcast_in_dim3A_1 {strides = array<i32>} : memref<40x16xf32, #tpu.memory_space<vmem>>, vector<16xf32>,
    %swap3A_99 = arith.constant 24 : i32
    %swap3A_100 = arith.index_cast %swap3A_99 : i32 to index
    %swap3A_101 = arith.constant 0 : index
    %swap3A_102 = tpu.vector_load %arg14[%swap3A_100, %swap3A_101] {strides = array<i32>} : memref<40x16xf32, #tpu.memory_space<vmem>>, vector<16xf32>,
    tpu.vector_store %arg14[%swap3A_100, %swap3A_101], %broadcast_in_dim3A_1 {strides = array<i32>} : memref<40x16xf32, #tpu.memory_space<vmem>>, vector<16xf32>,
    %swap3A_103 = arith.constant 25 : i32
    %swap3A_104 = arith.index_cast %swap3A_103 : i32 to index
    %swap3A_105 = arith.constant 0 : index
    %swap3A_106 = tpu.vector_load %arg14[%swap3A_104, %swap3A_105] {strides = array<i32>} : memref<40x16xf32, #tpu.memory_space<vmem>>, vector<16xf32>,
    tpu.vector_store %arg14[%swap3A_104, %swap3A_105], %broadcast_in_dim3A_1 {strides = array<i32>} : memref<40x16xf32, #tpu.memory_space<vmem>>, vector<16xf32>,
    %swap3A_107 = arith.constant 26 : i32
    %swap3A_108 = arith.index_cast %swap3A_107 : i32 to index
    %swap3A_109 = arith.constant 0 : index
    %swap3A_110 = tpu.vector_load %arg14[%swap3A_108, %swap3A_109] {strides = array<i32>} : memref<40x16xf32, #tpu.memory_space<vmem>>, vector<16xf32>,
    tpu.vector_store %arg14[%swap3A_108, %swap3A_109], %broadcast_in_dim3A_1 {strides = array<i32>} : memref<40x16xf32, #tpu.memory_space<vmem>>, vector<16xf32>,
    %swap3A_111 = arith.constant 27 : i32
    %swap3A_112 = arith.index_cast %swap3A_111 : i32 to index
    %swap3A_113 = arith.constant 0 : index
    %swap3A_114 = tpu.vector_load %arg14[%swap3A_112, %swap3A_113] {strides = array<i32>} : memref<40x16xf32, #tpu.memory_space<vmem>>, vector<16xf32>,
    tpu.vector_store %arg14[%swap3A_112, %swap3A_113], %broadcast_in_dim3A_1 {strides = array<i32>} : memref<40x16xf32, #tpu.memory_space<vmem>>, vector<16xf32>,
    %swap3A_115 = arith.constant 28 : i32
    %swap3A_116 = arith.index_cast %swap3A_115 : i32 to index
    %swap3A_117 = arith.constant 0 : index
    %swap3A_118 = tpu.vector_load %arg14[%swap3A_116, %swap3A_117] {strides = array<i32>} : memref<40x16xf32, #tpu.memory_space<vmem>>, vector<16xf32>,
    tpu.vector_store %arg14[%swap3A_116, %swap3A_117], %broadcast_in_dim3A_1 {strides = array<i32>} : memref<40x16xf32, #tpu.memory_space<vmem>>, vector<16xf32>,
    %swap3A_119 = arith.constant 29 : i32
    %swap3A_120 = arith.index_cast %swap3A_119 : i32 to index
    %swap3A_121 = arith.constant 0 : index
    %swap3A_122 = tpu.vector_load %arg14[%swap3A_120, %swap3A_121] {strides = array<i32>} : memref<40x16xf32, #tpu.memory_space<vmem>>, vector<16xf32>,
    tpu.vector_store %arg14[%swap3A_120, %swap3A_121], %broadcast_in_dim3A_1 {strides = array<i32>} : memref<40x16xf32, #tpu.memory_space<vmem>>, vector<16xf32>,
    %swap3A_123 = arith.constant 30 : i32
    %swap3A_124 = arith.index_cast %swap3A_123 : i32 to index
    %swap3A_125 = arith.constant 0 : index
    %swap3A_126 = tpu.vector_load %arg14[%swap3A_124, %swap3A_125] {strides = array<i32>} : memref<40x16xf32, #tpu.memory_space<vmem>>, vector<16xf32>,
    tpu.vector_store %arg14[%swap3A_124, %swap3A_125], %broadcast_in_dim3A_1 {strides = array<i32>} : memref<40x16xf32, #tpu.memory_space<vmem>>, vector<16xf32>,
    %swap3A_127 = arith.constant 31 : i32
    %swap3A_128 = arith.index_cast %swap3A_127 : i32 to index
    %swap3A_129 = arith.constant 0 : index
    %swap3A_130 = tpu.vector_load %arg14[%swap3A_128, %swap3A_129] {strides = array<i32>} : memref<40x16xf32, #tpu.memory_space<vmem>>, vector<16xf32>,
    tpu.vector_store %arg14[%swap3A_128, %swap3A_129], %broadcast_in_dim3A_1 {strides = array<i32>} : memref<40x16xf32, #tpu.memory_space<vmem>>, vector<16xf32>,
    %swap3A_131 = arith.constant 32 : i32
    %swap3A_132 = arith.index_cast %swap3A_131 : i32 to index
    %swap3A_133 = arith.constant 0 : index
    %swap3A_134 = tpu.vector_load %arg14[%swap3A_132, %swap3A_133] {strides = array<i32>} : memref<40x16xf32, #tpu.memory_space<vmem>>, vector<16xf32>,
    tpu.vector_store %arg14[%swap3A_132, %swap3A_133], %broadcast_in_dim3A_1 {strides = array<i32>} : memref<40x16xf32, #tpu.memory_space<vmem>>, vector<16xf32>,
    %swap3A_135 = arith.constant 33 : i32
    %swap3A_136 = arith.index_cast %swap3A_135 : i32 to index
    %swap3A_137 = arith.constant 0 : index
    %swap3A_138 = tpu.vector_load %arg14[%swap3A_136, %swap3A_137] {strides = array<i32>} : memref<40x16xf32, #tpu.memory_space<vmem>>, vector<16xf32>,
    tpu.vector_store %arg14[%swap3A_136, %swap3A_137], %broadcast_in_dim3A_1 {strides = array<i32>} : memref<40x16xf32, #tpu.memory_space<vmem>>, vector<16xf32>,
    %swap3A_139 = arith.constant 34 : i32
    %swap3A_140 = arith.index_cast %swap3A_139 : i32 to index
    %swap3A_141 = arith.constant 0 : index
    %swap3A_142 = tpu.vector_load %arg14[%swap3A_140, %swap3A_141] {strides = array<i32>} : memref<40x16xf32, #tpu.memory_space<vmem>>, vector<16xf32>,
    tpu.vector_store %arg14[%swap3A_140, %swap3A_141], %broadcast_in_dim3A_1 {strides = array<i32>} : memref<40x16xf32, #tpu.memory_space<vmem>>, vector<16xf32>,
    %swap3A_143 = arith.constant 35 : i32
    %swap3A_144 = arith.index_cast %swap3A_143 : i32 to index
    %swap3A_145 = arith.constant 0 : index
    %swap3A_146 = tpu.vector_load %arg14[%swap3A_144, %swap3A_145] {strides = array<i32>} : memref<40x16xf32, #tpu.memory_space<vmem>>, vector<16xf32>,
    tpu.vector_store %arg14[%swap3A_144, %swap3A_145], %broadcast_in_dim3A_1 {strides = array<i32>} : memref<40x16xf32, #tpu.memory_space<vmem>>, vector<16xf32>,
    %swap3A_147 = arith.constant 36 : i32
    %swap3A_148 = arith.index_cast %swap3A_147 : i32 to index
    %swap3A_149 = arith.constant 0 : index
    %swap3A_150 = tpu.vector_load %arg14[%swap3A_148, %swap3A_149] {strides = array<i32>} : memref<40x16xf32, #tpu.memory_space<vmem>>, vector<16xf32>,
    tpu.vector_store %arg14[%swap3A_148, %swap3A_149], %broadcast_in_dim3A_1 {strides = array<i32>} : memref<40x16xf32, #tpu.memory_space<vmem>>, vector<16xf32>,
    %swap3A_151 = arith.constant 37 : i32
    %swap3A_152 = arith.index_cast %swap3A_151 : i32 to index
    %swap3A_153 = arith.constant 0 : index
    %swap3A_154 = tpu.vector_load %arg14[%swap3A_152, %swap3A_153] {strides = array<i32>} : memref<40x16xf32, #tpu.memory_space<vmem>>, vector<16xf32>,
    tpu.vector_store %arg14[%swap3A_152, %swap3A_153], %broadcast_in_dim3A_1 {strides = array<i32>} : memref<40x16xf32, #tpu.memory_space<vmem>>, vector<16xf32>,
    %swap3A_155 = arith.constant 38 : i32
    %swap3A_156 = arith.index_cast %swap3A_155 : i32 to index
    %swap3A_157 = arith.constant 0 : index
    %swap3A_158 = tpu.vector_load %arg14[%swap3A_156, %swap3A_157] {strides = array<i32>} : memref<40x16xf32, #tpu.memory_space<vmem>>, vector<16xf32>,
    tpu.vector_store %arg14[%swap3A_156, %swap3A_157], %broadcast_in_dim3A_1 {strides = array<i32>} : memref<40x16xf32, #tpu.memory_space<vmem>>, vector<16xf32>,
    %swap3A_159 = arith.constant 39 : i32
    %swap3A_160 = arith.index_cast %swap3A_159 : i32 to index
    %swap3A_161 = arith.constant 0 : index
    %swap3A_162 = tpu.vector_load %arg14[%swap3A_160, %swap3A_161] {strides = array<i32>} : memref<40x16xf32, #tpu.memory_space<vmem>>, vector<16xf32>,
    tpu.vector_store %arg14[%swap3A_160, %swap3A_161], %broadcast_in_dim3A_1 {strides = array<i32>} : memref<40x16xf32, #tpu.memory_space<vmem>>, vector<16xf32>,
    %scan3A = arith.constant 0 : i32
    %scan3A_163 = arith.constant 0 : i32
    %scan3A_164 = arith.constant 128 : i32
    %scan3A_165 = arith.addi %scan3A_163, %scan3A_164 : i32
    %scan3A_166 = arith.constant 1 : i32
    scf.for %scan3A_552 = %scan3A_163 to %scan3A_165 step %scan3A_166  : i32 {
      %swap3A_553 = arith.index_cast %scan3A_552 : i32 to index
      %swap3A_554 = arith.constant 0 : index
      %swap3A_555 = tpu.vector_load %arg7[%swap3A_553, %swap3A_554] {strides = array<i32>} : memref<128x64xf32, #tpu.memory_space<vmem>>, vector<16xf32>,
      tpu.vector_store %arg7[%swap3A_553, %swap3A_554], %broadcast_in_dim3A_1 {strides = array<i32>} : memref<128x64xf32, #tpu.memory_space<vmem>>, vector<16xf32>,
      %swap3A_556 = arith.index_cast %scan3A_552 : i32 to index
      %swap3A_557 = arith.constant 16 : index
      %swap3A_558 = tpu.vector_load %arg7[%swap3A_556, %swap3A_557] {strides = array<i32>} : memref<128x64xf32, #tpu.memory_space<vmem>>, vector<16xf32>,
      tpu.vector_store %arg7[%swap3A_556, %swap3A_557], %broadcast_in_dim3A_1 {strides = array<i32>} : memref<128x64xf32, #tpu.memory_space<vmem>>, vector<16xf32>,
      %swap3A_559 = arith.index_cast %scan3A_552 : i32 to index
      %swap3A_560 = arith.constant 32 : index
      %swap3A_561 = tpu.vector_load %arg7[%swap3A_559, %swap3A_560] {strides = array<i32>} : memref<128x64xf32, #tpu.memory_space<vmem>>, vector<16xf32>,
      tpu.vector_store %arg7[%swap3A_559, %swap3A_560], %broadcast_in_dim3A_1 {strides = array<i32>} : memref<128x64xf32, #tpu.memory_space<vmem>>, vector<16xf32>,
      %swap3A_562 = arith.index_cast %scan3A_552 : i32 to index
      %swap3A_563 = arith.constant 48 : index
      %swap3A_564 = tpu.vector_load %arg7[%swap3A_562, %swap3A_563] {strides = array<i32>} : memref<128x64xf32, #tpu.memory_space<vmem>>, vector<16xf32>,
      tpu.vector_store %arg7[%swap3A_562, %swap3A_563], %broadcast_in_dim3A_1 {strides = array<i32>} : memref<128x64xf32, #tpu.memory_space<vmem>>, vector<16xf32>,
      %swap3A_565 = arith.index_cast %scan3A_552 : i32 to index
      %swap3A_566 = arith.constant 0 : index
      %swap3A_567 = tpu.vector_load %arg15[%swap3A_565, %swap3A_566] {strides = array<i32>} : memref<128x128xf32, #tpu.memory_space<vmem>>, vector<16xf32>,
      tpu.vector_store %arg15[%swap3A_565, %swap3A_566], %broadcast_in_dim3A_1 {strides = array<i32>} : memref<128x128xf32, #tpu.memory_space<vmem>>, vector<16xf32>,
      %swap3A_568 = arith.index_cast %scan3A_552 : i32 to index
      %swap3A_569 = arith.constant 16 : index
      %swap3A_570 = tpu.vector_load %arg15[%swap3A_568, %swap3A_569] {strides = array<i32>} : memref<128x128xf32, #tpu.memory_space<vmem>>, vector<16xf32>,
      tpu.vector_store %arg15[%swap3A_568, %swap3A_569], %broadcast_in_dim3A_1 {strides = array<i32>} : memref<128x128xf32, #tpu.memory_space<vmem>>, vector<16xf32>,
      %swap3A_571 = arith.index_cast %scan3A_552 : i32 to index
      %swap3A_572 = arith.constant 32 : index
      %swap3A_573 = tpu.vector_load %arg15[%swap3A_571, %swap3A_572] {strides = array<i32>} : memref<128x128xf32, #tpu.memory_space<vmem>>, vector<16xf32>,
      tpu.vector_store %arg15[%swap3A_571, %swap3A_572], %broadcast_in_dim3A_1 {strides = array<i32>} : memref<128x128xf32, #tpu.memory_space<vmem>>, vector<16xf32>,
      %swap3A_574 = arith.index_cast %scan3A_552 : i32 to index
      %swap3A_575 = arith.constant 48 : index
      %swap3A_576 = tpu.vector_load %arg15[%swap3A_574, %swap3A_575] {strides = array<i32>} : memref<128x128xf32, #tpu.memory_space<vmem>>, vector<16xf32>,
      tpu.vector_store %arg15[%swap3A_574, %swap3A_575], %broadcast_in_dim3A_1 {strides = array<i32>} : memref<128x128xf32, #tpu.memory_space<vmem>>, vector<16xf32>,
      %swap3A_577 = arith.index_cast %scan3A_552 : i32 to index
      %swap3A_578 = arith.constant 64 : index
      %swap3A_579 = tpu.vector_load %arg15[%swap3A_577, %swap3A_578] {strides = array<i32>} : memref<128x128xf32, #tpu.memory_space<vmem>>, vector<16xf32>,
      tpu.vector_store %arg15[%swap3A_577, %swap3A_578], %broadcast_in_dim3A_1 {strides = array<i32>} : memref<128x128xf32, #tpu.memory_space<vmem>>, vector<16xf32>,
      %swap3A_580 = arith.index_cast %scan3A_552 : i32 to index
      %swap3A_581 = arith.constant 80 : index
      %swap3A_582 = tpu.vector_load %arg15[%swap3A_580, %swap3A_581] {strides = array<i32>} : memref<128x128xf32, #tpu.memory_space<vmem>>, vector<16xf32>,
      tpu.vector_store %arg15[%swap3A_580, %swap3A_581], %broadcast_in_dim3A_1 {strides = array<i32>} : memref<128x128xf32, #tpu.memory_space<vmem>>, vector<16xf32>,
      %swap3A_583 = arith.index_cast %scan3A_552 : i32 to index
      %swap3A_584 = arith.constant 96 : index
      %swap3A_585 = tpu.vector_load %arg15[%swap3A_583, %swap3A_584] {strides = array<i32>} : memref<128x128xf32, #tpu.memory_space<vmem>>, vector<16xf32>,
      tpu.vector_store %arg15[%swap3A_583, %swap3A_584], %broadcast_in_dim3A_1 {strides = array<i32>} : memref<128x128xf32, #tpu.memory_space<vmem>>, vector<16xf32>,
      %swap3A_586 = arith.index_cast %scan3A_552 : i32 to index
      %swap3A_587 = arith.constant 112 : index
      %swap3A_588 = tpu.vector_load %arg15[%swap3A_586, %swap3A_587] {strides = array<i32>} : memref<128x128xf32, #tpu.memory_space<vmem>>, vector<16xf32>,
      tpu.vector_store %arg15[%swap3A_586, %swap3A_587], %broadcast_in_dim3A_1 {strides = array<i32>} : memref<128x128xf32, #tpu.memory_space<vmem>>, vector<16xf32>,
    }
    %scan3A_167 = arith.constant 128 : i32
    %mul3A_168 = arith.constant 632 : i32
    %mul3A_169 = arith.muli %arg1, %mul3A_168 : i32
    %mul3A_170 = arith.constant 40 : i32
    %mul3A_171 = arith.muli %arg1, %mul3A_170 : i32
    %add3A_172 = arith.constant 0 : i32
    %add3A_173 = arith.addi %mul3A_169, %add3A_172 : i32
    "tpu.region"() ({
      %run_scoped3A_552 = tpu.sem_alloc : memref<!tpu.dma_semaphore, #tpu.memory_space<semaphore_mem>>
      %dma_start3A_553 = arith.constant 0 : i32
      %dma_start3A_554 = tpu.memref_slice %arg16[%add3A_173, %dma_start3A_553] : memref<10112x64xf32, #tpu.memory_space<vmem_shared>> -> memref<128x64xf32, #tpu.memory_space<vmem_shared>>
      %dma_start3A_555 = arith.constant 0 : i32
      %dma_start3A_556 = tpu.memref_slice %arg16[%add3A_173, %dma_start3A_555] : memref<10112x64xf32, #tpu.memory_space<vmem_shared>> -> memref<128x64xf32, #tpu.memory_space<vmem_shared>>
      tpu.enqueue_dma source(%arg7 : memref<128x64xf32, #tpu.memory_space<vmem>>) target(%dma_start3A_556 : memref<128x64xf32, #tpu.memory_space<vmem_shared>>) target_semaphore(%run_scoped3A_552 : memref<!tpu.dma_semaphore, #tpu.memory_space<semaphore_mem>>)
      %dma_wait3A_557 = arith.constant 0 : i32
      %dma_wait3A_558 = tpu.memref_slice %arg16[%add3A_173, %dma_wait3A_557] : memref<10112x64xf32, #tpu.memory_space<vmem_shared>> -> memref<128x64xf32, #tpu.memory_space<vmem_shared>>
      %dma_wait3A_559 = arith.constant 0 : i32
      %dma_wait3A_560 = tpu.memref_slice %arg16[%add3A_173, %dma_wait3A_559] : memref<10112x64xf32, #tpu.memory_space<vmem_shared>> -> memref<128x64xf32, #tpu.memory_space<vmem_shared>>
      tpu.wait_dma2 semaphore(%run_scoped3A_552 : memref<!tpu.dma_semaphore, #tpu.memory_space<semaphore_mem>>) src(%arg7 : memref<128x64xf32, #tpu.memory_space<vmem>>) dst(%dma_wait3A_560 : memref<128x64xf32, #tpu.memory_space<vmem_shared>>)
      tpu.yield
    }) : () -> ()
    %add3A_174 = arith.constant 128 : i32
    %add3A_175 = arith.addi %mul3A_169, %add3A_174 : i32
    "tpu.region"() ({
      %run_scoped3A_552 = tpu.sem_alloc : memref<!tpu.dma_semaphore, #tpu.memory_space<semaphore_mem>>
      %dma_start3A_553 = arith.constant 0 : i32
      %dma_start3A_554 = tpu.memref_slice %arg16[%add3A_175, %dma_start3A_553] : memref<10112x64xf32, #tpu.memory_space<vmem_shared>> -> memref<128x64xf32, #tpu.memory_space<vmem_shared>>
      %dma_start3A_555 = arith.constant 0 : i32
      %dma_start3A_556 = tpu.memref_slice %arg16[%add3A_175, %dma_start3A_555] : memref<10112x64xf32, #tpu.memory_space<vmem_shared>> -> memref<128x64xf32, #tpu.memory_space<vmem_shared>>
      tpu.enqueue_dma source(%arg7 : memref<128x64xf32, #tpu.memory_space<vmem>>) target(%dma_start3A_556 : memref<128x64xf32, #tpu.memory_space<vmem_shared>>) target_semaphore(%run_scoped3A_552 : memref<!tpu.dma_semaphore, #tpu.memory_space<semaphore_mem>>)
      %dma_wait3A_557 = arith.constant 0 : i32
      %dma_wait3A_558 = tpu.memref_slice %arg16[%add3A_175, %dma_wait3A_557] : memref<10112x64xf32, #tpu.memory_space<vmem_shared>> -> memref<128x64xf32, #tpu.memory_space<vmem_shared>>
      %dma_wait3A_559 = arith.constant 0 : i32
      %dma_wait3A_560 = tpu.memref_slice %arg16[%add3A_175, %dma_wait3A_559] : memref<10112x64xf32, #tpu.memory_space<vmem_shared>> -> memref<128x64xf32, #tpu.memory_space<vmem_shared>>
      tpu.wait_dma2 semaphore(%run_scoped3A_552 : memref<!tpu.dma_semaphore, #tpu.memory_space<semaphore_mem>>) src(%arg7 : memref<128x64xf32, #tpu.memory_space<vmem>>) dst(%dma_wait3A_560 : memref<128x64xf32, #tpu.memory_space<vmem_shared>>)
      tpu.yield
    }) : () -> ()
    %add3A_176 = arith.constant 256 : i32
    %add3A_177 = arith.addi %mul3A_169, %add3A_176 : i32
    "tpu.region"() ({
      %run_scoped3A_552 = tpu.sem_alloc : memref<!tpu.dma_semaphore, #tpu.memory_space<semaphore_mem>>
      %dma_start3A_553 = arith.constant 0 : i32
      %dma_start3A_554 = tpu.memref_slice %arg16[%add3A_177, %dma_start3A_553] : memref<10112x64xf32, #tpu.memory_space<vmem_shared>> -> memref<128x64xf32, #tpu.memory_space<vmem_shared>>
      %dma_start3A_555 = arith.constant 0 : i32
      %dma_start3A_556 = tpu.memref_slice %arg16[%add3A_177, %dma_start3A_555] : memref<10112x64xf32, #tpu.memory_space<vmem_shared>> -> memref<128x64xf32, #tpu.memory_space<vmem_shared>>
      tpu.enqueue_dma source(%arg7 : memref<128x64xf32, #tpu.memory_space<vmem>>) target(%dma_start3A_556 : memref<128x64xf32, #tpu.memory_space<vmem_shared>>) target_semaphore(%run_scoped3A_552 : memref<!tpu.dma_semaphore, #tpu.memory_space<semaphore_mem>>)
      %dma_wait3A_557 = arith.constant 0 : i32
      %dma_wait3A_558 = tpu.memref_slice %arg16[%add3A_177, %dma_wait3A_557] : memref<10112x64xf32, #tpu.memory_space<vmem_shared>> -> memref<128x64xf32, #tpu.memory_space<vmem_shared>>
      %dma_wait3A_559 = arith.constant 0 : i32
      %dma_wait3A_560 = tpu.memref_slice %arg16[%add3A_177, %dma_wait3A_559] : memref<10112x64xf32, #tpu.memory_space<vmem_shared>> -> memref<128x64xf32, #tpu.memory_space<vmem_shared>>
      tpu.wait_dma2 semaphore(%run_scoped3A_552 : memref<!tpu.dma_semaphore, #tpu.memory_space<semaphore_mem>>) src(%arg7 : memref<128x64xf32, #tpu.memory_space<vmem>>) dst(%dma_wait3A_560 : memref<128x64xf32, #tpu.memory_space<vmem_shared>>)
      tpu.yield
    }) : () -> ()
    %add3A_178 = arith.constant 384 : i32
    %add3A_179 = arith.addi %mul3A_169, %add3A_178 : i32
    "tpu.region"() ({
      %run_scoped3A_552 = tpu.sem_alloc : memref<!tpu.dma_semaphore, #tpu.memory_space<semaphore_mem>>
      %dma_start3A_553 = arith.constant 0 : i32
      %dma_start3A_554 = tpu.memref_slice %arg16[%add3A_179, %dma_start3A_553] : memref<10112x64xf32, #tpu.memory_space<vmem_shared>> -> memref<128x64xf32, #tpu.memory_space<vmem_shared>>
      %dma_start3A_555 = arith.constant 0 : i32
      %dma_start3A_556 = tpu.memref_slice %arg16[%add3A_179, %dma_start3A_555] : memref<10112x64xf32, #tpu.memory_space<vmem_shared>> -> memref<128x64xf32, #tpu.memory_space<vmem_shared>>
      tpu.enqueue_dma source(%arg7 : memref<128x64xf32, #tpu.memory_space<vmem>>) target(%dma_start3A_556 : memref<128x64xf32, #tpu.memory_space<vmem_shared>>) target_semaphore(%run_scoped3A_552 : memref<!tpu.dma_semaphore, #tpu.memory_space<semaphore_mem>>)
      %dma_wait3A_557 = arith.constant 0 : i32
      %dma_wait3A_558 = tpu.memref_slice %arg16[%add3A_179, %dma_wait3A_557] : memref<10112x64xf32, #tpu.memory_space<vmem_shared>> -> memref<128x64xf32, #tpu.memory_space<vmem_shared>>
      %dma_wait3A_559 = arith.constant 0 : i32
      %dma_wait3A_560 = tpu.memref_slice %arg16[%add3A_179, %dma_wait3A_559] : memref<10112x64xf32, #tpu.memory_space<vmem_shared>> -> memref<128x64xf32, #tpu.memory_space<vmem_shared>>
      tpu.wait_dma2 semaphore(%run_scoped3A_552 : memref<!tpu.dma_semaphore, #tpu.memory_space<semaphore_mem>>) src(%arg7 : memref<128x64xf32, #tpu.memory_space<vmem>>) dst(%dma_wait3A_560 : memref<128x64xf32, #tpu.memory_space<vmem_shared>>)
      tpu.yield
    }) : () -> ()
    %add3A_180 = arith.constant 512 : i32
    %add3A_181 = arith.addi %mul3A_169, %add3A_180 : i32
    "tpu.region"() ({
      %run_scoped3A_552 = tpu.sem_alloc : memref<!tpu.dma_semaphore, #tpu.memory_space<semaphore_mem>>
      %dma_start3A_553 = arith.constant 0 : i32
      %dma_start3A_554 = arith.constant 0 : i32
      %dma_start3A_555 = tpu.memref_slice %arg7[%dma_start3A_553, %dma_start3A_554] : memref<128x64xf32, #tpu.memory_space<vmem>> -> memref<120x64xf32, #tpu.memory_space<vmem>>
      %dma_start3A_556 = arith.constant 0 : i32
      %dma_start3A_557 = tpu.memref_slice %arg16[%add3A_181, %dma_start3A_556] : memref<10112x64xf32, #tpu.memory_space<vmem_shared>> -> memref<120x64xf32, #tpu.memory_space<vmem_shared>>
      %dma_start3A_558 = arith.constant 0 : i32
      %dma_start3A_559 = tpu.memref_slice %arg16[%add3A_181, %dma_start3A_558] : memref<10112x64xf32, #tpu.memory_space<vmem_shared>> -> memref<120x64xf32, #tpu.memory_space<vmem_shared>>
      %dma_start3A_560 = arith.constant 0 : i32
      %dma_start3A_561 = arith.constant 0 : i32
      %dma_start3A_562 = tpu.memref_slice %arg7[%dma_start3A_560, %dma_start3A_561] : memref<128x64xf32, #tpu.memory_space<vmem>> -> memref<120x64xf32, #tpu.memory_space<vmem>>
      tpu.enqueue_dma source(%dma_start3A_562 : memref<120x64xf32, #tpu.memory_space<vmem>>) target(%dma_start3A_559 : memref<120x64xf32, #tpu.memory_space<vmem_shared>>) target_semaphore(%run_scoped3A_552 : memref<!tpu.dma_semaphore, #tpu.memory_space<semaphore_mem>>)
      %dma_wait3A_563 = arith.constant 0 : i32
      %dma_wait3A_564 = arith.constant 0 : i32
      %dma_wait3A_565 = tpu.memref_slice %arg7[%dma_wait3A_563, %dma_wait3A_564] : memref<128x64xf32, #tpu.memory_space<vmem>> -> memref<120x64xf32, #tpu.memory_space<vmem>>
      %dma_wait3A_566 = arith.constant 0 : i32
      %dma_wait3A_567 = tpu.memref_slice %arg16[%add3A_181, %dma_wait3A_566] : memref<10112x64xf32, #tpu.memory_space<vmem_shared>> -> memref<120x64xf32, #tpu.memory_space<vmem_shared>>
      %dma_wait3A_568 = arith.constant 0 : i32
      %dma_wait3A_569 = tpu.memref_slice %arg16[%add3A_181, %dma_wait3A_568] : memref<10112x64xf32, #tpu.memory_space<vmem_shared>> -> memref<120x64xf32, #tpu.memory_space<vmem_shared>>
      %dma_wait3A_570 = arith.constant 0 : i32
      %dma_wait3A_571 = arith.constant 0 : i32
      %dma_wait3A_572 = tpu.memref_slice %arg7[%dma_wait3A_570, %dma_wait3A_571] : memref<128x64xf32, #tpu.memory_space<vmem>> -> memref<120x64xf32, #tpu.memory_space<vmem>>
      tpu.wait_dma2 semaphore(%run_scoped3A_552 : memref<!tpu.dma_semaphore, #tpu.memory_space<semaphore_mem>>) src(%dma_wait3A_572 : memref<120x64xf32, #tpu.memory_space<vmem>>) dst(%dma_wait3A_569 : memref<120x64xf32, #tpu.memory_space<vmem_shared>>)
      tpu.yield
    }) : () -> ()
    "tpu.region"() ({
      %run_scoped3A_552 = tpu.sem_alloc : memref<!tpu.dma_semaphore, #tpu.memory_space<semaphore_mem>>
      %dma_start3A_553 = arith.constant 0 : i32
      %dma_start3A_554 = tpu.memref_slice %arg17[%mul3A_171, %dma_start3A_553] : memref<640x16xf32, #tpu.memory_space<vmem_shared>> -> memref<40x16xf32, #tpu.memory_space<vmem_shared>>
      %dma_start3A_555 = arith.constant 0 : i32
      %dma_start3A_556 = tpu.memref_slice %arg17[%mul3A_171, %dma_start3A_555] : memref<640x16xf32, #tpu.memory_space<vmem_shared>> -> memref<40x16xf32, #tpu.memory_space<vmem_shared>>
      tpu.enqueue_dma source(%arg14 : memref<40x16xf32, #tpu.memory_space<vmem>>) target(%dma_start3A_556 : memref<40x16xf32, #tpu.memory_space<vmem_shared>>) target_semaphore(%run_scoped3A_552 : memref<!tpu.dma_semaphore, #tpu.memory_space<semaphore_mem>>)
      %dma_wait3A_557 = arith.constant 0 : i32
      %dma_wait3A_558 = tpu.memref_slice %arg17[%mul3A_171, %dma_wait3A_557] : memref<640x16xf32, #tpu.memory_space<vmem_shared>> -> memref<40x16xf32, #tpu.memory_space<vmem_shared>>
      %dma_wait3A_559 = arith.constant 0 : i32
      %dma_wait3A_560 = tpu.memref_slice %arg17[%mul3A_171, %dma_wait3A_559] : memref<640x16xf32, #tpu.memory_space<vmem_shared>> -> memref<40x16xf32, #tpu.memory_space<vmem_shared>>
      tpu.wait_dma2 semaphore(%run_scoped3A_552 : memref<!tpu.dma_semaphore, #tpu.memory_space<semaphore_mem>>) src(%arg14 : memref<40x16xf32, #tpu.memory_space<vmem>>) dst(%dma_wait3A_560 : memref<40x16xf32, #tpu.memory_space<vmem_shared>>)
      tpu.yield
    }) : () -> ()
    %lt3A = arith.constant 31 : i32
    %lt3A_182 = arith.cmpi slt, %add3A, %lt3A : i32
    %convert_element_type3A = arith.extui %lt3A_182 : i1 to i32
    %cond3A = arith.constant 0 : i32
    %cond3A_183 = arith.cmpi ne, %convert_element_type3A, %cond3A : i32
    scf.if %cond3A_183 {
      %mul3A_552 = arith.constant 80 : i32
      %mul3A_553 = arith.muli %add3A, %mul3A_552 : i32
      "tpu.region"() ({
        %run_scoped3A_554 = tpu.sem_alloc : memref<!tpu.dma_semaphore, #tpu.memory_space<semaphore_mem>>
        %dma_start3A_555 = arith.constant 0 : i32
        %dma_start3A_556 = arith.constant 0 : i32
        %dma_start3A_557 = tpu.memref_slice %arg3[%mul3A_553, %dma_start3A_555, %dma_start3A_556] : memref<2500x2x128xi32, #tpu.memory_space<hbm>> -> memref<80x2x128xi32, #tpu.memory_space<hbm>>
        %dma_start3A_558 = arith.constant 0 : i32
        %dma_start3A_559 = arith.constant 0 : i32
        %dma_start3A_560 = tpu.memref_slice %arg3[%mul3A_553, %dma_start3A_558, %dma_start3A_559] : memref<2500x2x128xi32, #tpu.memory_space<hbm>> -> memref<80x2x128xi32, #tpu.memory_space<hbm>>
        tpu.enqueue_dma source(%dma_start3A_560 : memref<80x2x128xi32, #tpu.memory_space<hbm>>) target(%arg6 : memref<80x2x128xi32, #tpu.memory_space<vmem>>) target_semaphore(%run_scoped3A_554 : memref<!tpu.dma_semaphore, #tpu.memory_space<semaphore_mem>>)
        %dma_wait3A_561 = arith.constant 0 : i32
        %dma_wait3A_562 = arith.constant 0 : i32
        %dma_wait3A_563 = tpu.memref_slice %arg3[%mul3A_553, %dma_wait3A_561, %dma_wait3A_562] : memref<2500x2x128xi32, #tpu.memory_space<hbm>> -> memref<80x2x128xi32, #tpu.memory_space<hbm>>
        %dma_wait3A_564 = arith.constant 0 : i32
        %dma_wait3A_565 = arith.constant 0 : i32
        %dma_wait3A_566 = tpu.memref_slice %arg3[%mul3A_553, %dma_wait3A_564, %dma_wait3A_565] : memref<2500x2x128xi32, #tpu.memory_space<hbm>> -> memref<80x2x128xi32, #tpu.memory_space<hbm>>
        tpu.wait_dma2 semaphore(%run_scoped3A_554 : memref<!tpu.dma_semaphore, #tpu.memory_space<semaphore_mem>>) src(%dma_wait3A_566 : memref<80x2x128xi32, #tpu.memory_space<hbm>>) dst(%arg6 : memref<80x2x128xi32, #tpu.memory_space<vmem>>)
        tpu.yield
      }) : () -> ()
    } else {
    }
    %eq3A = arith.constant 31 : i32
    %eq3A_184 = arith.cmpi eq, %add3A, %eq3A : i32
    %convert_element_type3A_185 = arith.extui %eq3A_184 : i1 to i32
    %cond3A_186 = arith.constant 0 : i32
    %cond3A_187 = arith.cmpi ne, %convert_element_type3A_185, %cond3A_186 : i32
    scf.if %cond3A_187 {
      "tpu.region"() ({
        %run_scoped3A_558 = tpu.sem_alloc : memref<!tpu.dma_semaphore, #tpu.memory_space<semaphore_mem>>
        %dma_start3A_559 = arith.constant 0 : i32
        %dma_start3A_560 = arith.constant 0 : i32
        %dma_start3A_561 = arith.constant 0 : i32
        %dma_start3A_562 = tpu.memref_slice %arg6[%dma_start3A_559, %dma_start3A_560, %dma_start3A_561] : memref<80x2x128xi32, #tpu.memory_space<vmem>> -> memref<20x2x128xi32, #tpu.memory_space<vmem>>
        %dma_start3A_563 = arith.constant 2480 : i32
        %dma_start3A_564 = arith.constant 0 : i32
        %dma_start3A_565 = arith.constant 0 : i32
        %dma_start3A_566 = tpu.memref_slice %arg3[%dma_start3A_563, %dma_start3A_564, %dma_start3A_565] : memref<2500x2x128xi32, #tpu.memory_space<hbm>> -> memref<20x2x128xi32, #tpu.memory_space<hbm>>
        %dma_start3A_567 = arith.constant 0 : i32
        %dma_start3A_568 = arith.constant 0 : i32
        %dma_start3A_569 = arith.constant 0 : i32
        %dma_start3A_570 = tpu.memref_slice %arg6[%dma_start3A_567, %dma_start3A_568, %dma_start3A_569] : memref<80x2x128xi32, #tpu.memory_space<vmem>> -> memref<20x2x128xi32, #tpu.memory_space<vmem>>
        %dma_start3A_571 = arith.constant 2480 : i32
        %dma_start3A_572 = arith.constant 0 : i32
        %dma_start3A_573 = arith.constant 0 : i32
        %dma_start3A_574 = tpu.memref_slice %arg3[%dma_start3A_571, %dma_start3A_572, %dma_start3A_573] : memref<2500x2x128xi32, #tpu.memory_space<hbm>> -> memref<20x2x128xi32, #tpu.memory_space<hbm>>
        tpu.enqueue_dma source(%dma_start3A_574 : memref<20x2x128xi32, #tpu.memory_space<hbm>>) target(%dma_start3A_570 : memref<20x2x128xi32, #tpu.memory_space<vmem>>) target_semaphore(%run_scoped3A_558 : memref<!tpu.dma_semaphore, #tpu.memory_space<semaphore_mem>>)
        %dma_wait3A_575 = arith.constant 0 : i32
        %dma_wait3A_576 = arith.constant 0 : i32
        %dma_wait3A_577 = arith.constant 0 : i32
        %dma_wait3A_578 = tpu.memref_slice %arg6[%dma_wait3A_575, %dma_wait3A_576, %dma_wait3A_577] : memref<80x2x128xi32, #tpu.memory_space<vmem>> -> memref<20x2x128xi32, #tpu.memory_space<vmem>>
        %dma_wait3A_579 = arith.constant 2480 : i32
        %dma_wait3A_580 = arith.constant 0 : i32
        %dma_wait3A_581 = arith.constant 0 : i32
        %dma_wait3A_582 = tpu.memref_slice %arg3[%dma_wait3A_579, %dma_wait3A_580, %dma_wait3A_581] : memref<2500x2x128xi32, #tpu.memory_space<hbm>> -> memref<20x2x128xi32, #tpu.memory_space<hbm>>
        %dma_wait3A_583 = arith.constant 0 : i32
        %dma_wait3A_584 = arith.constant 0 : i32
        %dma_wait3A_585 = arith.constant 0 : i32
        %dma_wait3A_586 = tpu.memref_slice %arg6[%dma_wait3A_583, %dma_wait3A_584, %dma_wait3A_585] : memref<80x2x128xi32, #tpu.memory_space<vmem>> -> memref<20x2x128xi32, #tpu.memory_space<vmem>>
        %dma_wait3A_587 = arith.constant 2480 : i32
        %dma_wait3A_588 = arith.constant 0 : i32
        %dma_wait3A_589 = arith.constant 0 : i32
        %dma_wait3A_590 = tpu.memref_slice %arg3[%dma_wait3A_587, %dma_wait3A_588, %dma_wait3A_589] : memref<2500x2x128xi32, #tpu.memory_space<hbm>> -> memref<20x2x128xi32, #tpu.memory_space<hbm>>
        tpu.wait_dma2 semaphore(%run_scoped3A_558 : memref<!tpu.dma_semaphore, #tpu.memory_space<semaphore_mem>>) src(%dma_wait3A_590 : memref<20x2x128xi32, #tpu.memory_space<hbm>>) dst(%dma_wait3A_586 : memref<20x2x128xi32, #tpu.memory_space<vmem>>)
        tpu.yield
      }) : () -> ()
      %scan3A_552 = arith.constant 0 : i32
      %scan3A_553 = arith.constant 20 : i32
      %scan3A_554 = arith.constant 60 : i32
      %scan3A_555 = arith.addi %scan3A_553, %scan3A_554 : i32
      %scan3A_556 = arith.constant 1 : i32
      scf.for %scan3A_558 = %scan3A_553 to %scan3A_555 step %scan3A_556  : i32 {
        %mul3A_559 = arith.constant 128 : i32
        %mul3A_560 = arith.muli %scan3A_558, %mul3A_559 : i32
        %add3A_561 = arith.constant 0 : i32
        %add3A_562 = arith.addi %mul3A_560, %add3A_561 : i32
        %add3A_563 = vector.broadcast %add3A_562 : i32 to vector<16xi32>
        %add3A_564 = arith.addi %iota3A, %add3A_563 : vector<16xi32>
        %rem3A = arith.constant 112 : i32
        %rem3A_565 = vector.broadcast %rem3A : i32 to vector<16xi32>
        %rem3A_566 = arith.remsi %add3A_564, %rem3A_565 : vector<16xi32>
        %add3A_567 = arith.constant 10000 : i32
        %add3A_568 = vector.broadcast %add3A_567 : i32 to vector<16xi32>
        %add3A_569 = arith.addi %add3A_568, %rem3A_566 : vector<16xi32>
        %swap3A_570 = arith.constant 0 : i32
        %swap3A_571 = arith.index_cast %scan3A_558 : i32 to index
        %swap3A_572 = arith.index_cast %swap3A_570 : i32 to index
        %swap3A_573 = arith.constant 0 : index
        %swap3A_574 = tpu.vector_load %arg6[%swap3A_571, %swap3A_572, %swap3A_573] {strides = array<i32>} : memref<80x2x128xi32, #tpu.memory_space<vmem>>, vector<16xi32>,
        tpu.vector_store %arg6[%swap3A_571, %swap3A_572, %swap3A_573], %add3A_569 {strides = array<i32>} : memref<80x2x128xi32, #tpu.memory_space<vmem>>, vector<16xi32>,
        %rem3A_575 = arith.constant 10000 : i32
        %rem3A_576 = vector.broadcast %rem3A_575 : i32 to vector<16xi32>
        %rem3A_577 = arith.remsi %add3A_564, %rem3A_576 : vector<16xi32>
        %swap3A_578 = arith.constant 1 : i32
        %swap3A_579 = arith.index_cast %scan3A_558 : i32 to index
        %swap3A_580 = arith.index_cast %swap3A_578 : i32 to index
        %swap3A_581 = arith.constant 0 : index
        %swap3A_582 = tpu.vector_load %arg6[%swap3A_579, %swap3A_580, %swap3A_581] {strides = array<i32>} : memref<80x2x128xi32, #tpu.memory_space<vmem>>, vector<16xi32>,
        tpu.vector_store %arg6[%swap3A_579, %swap3A_580, %swap3A_581], %rem3A_577 {strides = array<i32>} : memref<80x2x128xi32, #tpu.memory_space<vmem>>, vector<16xi32>,
        %add3A_583 = arith.constant 16 : i32
        %add3A_584 = arith.addi %mul3A_560, %add3A_583 : i32
        %add3A_585 = vector.broadcast %add3A_584 : i32 to vector<16xi32>
        %add3A_586 = arith.addi %iota3A, %add3A_585 : vector<16xi32>
        %rem3A_587 = arith.constant 112 : i32
        %rem3A_588 = vector.broadcast %rem3A_587 : i32 to vector<16xi32>
        %rem3A_589 = arith.remsi %add3A_586, %rem3A_588 : vector<16xi32>
        %add3A_590 = arith.constant 10000 : i32
        %add3A_591 = vector.broadcast %add3A_590 : i32 to vector<16xi32>
        %add3A_592 = arith.addi %add3A_591, %rem3A_589 : vector<16xi32>
        %swap3A_593 = arith.constant 0 : i32
        %swap3A_594 = arith.index_cast %scan3A_558 : i32 to index
        %swap3A_595 = arith.index_cast %swap3A_593 : i32 to index
        %swap3A_596 = arith.constant 16 : index
        %swap3A_597 = tpu.vector_load %arg6[%swap3A_594, %swap3A_595, %swap3A_596] {strides = array<i32>} : memref<80x2x128xi32, #tpu.memory_space<vmem>>, vector<16xi32>,
        tpu.vector_store %arg6[%swap3A_594, %swap3A_595, %swap3A_596], %add3A_592 {strides = array<i32>} : memref<80x2x128xi32, #tpu.memory_space<vmem>>, vector<16xi32>,
        %rem3A_598 = arith.constant 10000 : i32
        %rem3A_599 = vector.broadcast %rem3A_598 : i32 to vector<16xi32>
        %rem3A_600 = arith.remsi %add3A_586, %rem3A_599 : vector<16xi32>
        %swap3A_601 = arith.constant 1 : i32
        %swap3A_602 = arith.index_cast %scan3A_558 : i32 to index
        %swap3A_603 = arith.index_cast %swap3A_601 : i32 to index
        %swap3A_604 = arith.constant 16 : index
        %swap3A_605 = tpu.vector_load %arg6[%swap3A_602, %swap3A_603, %swap3A_604] {strides = array<i32>} : memref<80x2x128xi32, #tpu.memory_space<vmem>>, vector<16xi32>,
        tpu.vector_store %arg6[%swap3A_602, %swap3A_603, %swap3A_604], %rem3A_600 {strides = array<i32>} : memref<80x2x128xi32, #tpu.memory_space<vmem>>, vector<16xi32>,
        %add3A_606 = arith.constant 32 : i32
        %add3A_607 = arith.addi %mul3A_560, %add3A_606 : i32
        %add3A_608 = vector.broadcast %add3A_607 : i32 to vector<16xi32>
        %add3A_609 = arith.addi %iota3A, %add3A_608 : vector<16xi32>
        %rem3A_610 = arith.constant 112 : i32
        %rem3A_611 = vector.broadcast %rem3A_610 : i32 to vector<16xi32>
        %rem3A_612 = arith.remsi %add3A_609, %rem3A_611 : vector<16xi32>
        %add3A_613 = arith.constant 10000 : i32
        %add3A_614 = vector.broadcast %add3A_613 : i32 to vector<16xi32>
        %add3A_615 = arith.addi %add3A_614, %rem3A_612 : vector<16xi32>
        %swap3A_616 = arith.constant 0 : i32
        %swap3A_617 = arith.index_cast %scan3A_558 : i32 to index
        %swap3A_618 = arith.index_cast %swap3A_616 : i32 to index
        %swap3A_619 = arith.constant 32 : index
        %swap3A_620 = tpu.vector_load %arg6[%swap3A_617, %swap3A_618, %swap3A_619] {strides = array<i32>} : memref<80x2x128xi32, #tpu.memory_space<vmem>>, vector<16xi32>,
        tpu.vector_store %arg6[%swap3A_617, %swap3A_618, %swap3A_619], %add3A_615 {strides = array<i32>} : memref<80x2x128xi32, #tpu.memory_space<vmem>>, vector<16xi32>,
        %rem3A_621 = arith.constant 10000 : i32
        %rem3A_622 = vector.broadcast %rem3A_621 : i32 to vector<16xi32>
        %rem3A_623 = arith.remsi %add3A_609, %rem3A_622 : vector<16xi32>
        %swap3A_624 = arith.constant 1 : i32
        %swap3A_625 = arith.index_cast %scan3A_558 : i32 to index
        %swap3A_626 = arith.index_cast %swap3A_624 : i32 to index
        %swap3A_627 = arith.constant 32 : index
        %swap3A_628 = tpu.vector_load %arg6[%swap3A_625, %swap3A_626, %swap3A_627] {strides = array<i32>} : memref<80x2x128xi32, #tpu.memory_space<vmem>>, vector<16xi32>,
        tpu.vector_store %arg6[%swap3A_625, %swap3A_626, %swap3A_627], %rem3A_623 {strides = array<i32>} : memref<80x2x128xi32, #tpu.memory_space<vmem>>, vector<16xi32>,
        %add3A_629 = arith.constant 48 : i32
        %add3A_630 = arith.addi %mul3A_560, %add3A_629 : i32
        %add3A_631 = vector.broadcast %add3A_630 : i32 to vector<16xi32>
        %add3A_632 = arith.addi %iota3A, %add3A_631 : vector<16xi32>
        %rem3A_633 = arith.constant 112 : i32
        %rem3A_634 = vector.broadcast %rem3A_633 : i32 to vector<16xi32>
        %rem3A_635 = arith.remsi %add3A_632, %rem3A_634 : vector<16xi32>
        %add3A_636 = arith.constant 10000 : i32
        %add3A_637 = vector.broadcast %add3A_636 : i32 to vector<16xi32>
        %add3A_638 = arith.addi %add3A_637, %rem3A_635 : vector<16xi32>
        %swap3A_639 = arith.constant 0 : i32
        %swap3A_640 = arith.index_cast %scan3A_558 : i32 to index
        %swap3A_641 = arith.index_cast %swap3A_639 : i32 to index
        %swap3A_642 = arith.constant 48 : index
        %swap3A_643 = tpu.vector_load %arg6[%swap3A_640, %swap3A_641, %swap3A_642] {strides = array<i32>} : memref<80x2x128xi32, #tpu.memory_space<vmem>>, vector<16xi32>,
        tpu.vector_store %arg6[%swap3A_640, %swap3A_641, %swap3A_642], %add3A_638 {strides = array<i32>} : memref<80x2x128xi32, #tpu.memory_space<vmem>>, vector<16xi32>,
        %rem3A_644 = arith.constant 10000 : i32
        %rem3A_645 = vector.broadcast %rem3A_644 : i32 to vector<16xi32>
        %rem3A_646 = arith.remsi %add3A_632, %rem3A_645 : vector<16xi32>
        %swap3A_647 = arith.constant 1 : i32
        %swap3A_648 = arith.index_cast %scan3A_558 : i32 to index
        %swap3A_649 = arith.index_cast %swap3A_647 : i32 to index
        %swap3A_650 = arith.constant 48 : index
        %swap3A_651 = tpu.vector_load %arg6[%swap3A_648, %swap3A_649, %swap3A_650] {strides = array<i32>} : memref<80x2x128xi32, #tpu.memory_space<vmem>>, vector<16xi32>,
        tpu.vector_store %arg6[%swap3A_648, %swap3A_649, %swap3A_650], %rem3A_646 {strides = array<i32>} : memref<80x2x128xi32, #tpu.memory_space<vmem>>, vector<16xi32>,
        %add3A_652 = arith.constant 64 : i32
        %add3A_653 = arith.addi %mul3A_560, %add3A_652 : i32
        %add3A_654 = vector.broadcast %add3A_653 : i32 to vector<16xi32>
        %add3A_655 = arith.addi %iota3A, %add3A_654 : vector<16xi32>
        %rem3A_656 = arith.constant 112 : i32
        %rem3A_657 = vector.broadcast %rem3A_656 : i32 to vector<16xi32>
        %rem3A_658 = arith.remsi %add3A_655, %rem3A_657 : vector<16xi32>
        %add3A_659 = arith.constant 10000 : i32
        %add3A_660 = vector.broadcast %add3A_659 : i32 to vector<16xi32>
        %add3A_661 = arith.addi %add3A_660, %rem3A_658 : vector<16xi32>
        %swap3A_662 = arith.constant 0 : i32
        %swap3A_663 = arith.index_cast %scan3A_558 : i32 to index
        %swap3A_664 = arith.index_cast %swap3A_662 : i32 to index
        %swap3A_665 = arith.constant 64 : index
        %swap3A_666 = tpu.vector_load %arg6[%swap3A_663, %swap3A_664, %swap3A_665] {strides = array<i32>} : memref<80x2x128xi32, #tpu.memory_space<vmem>>, vector<16xi32>,
        tpu.vector_store %arg6[%swap3A_663, %swap3A_664, %swap3A_665], %add3A_661 {strides = array<i32>} : memref<80x2x128xi32, #tpu.memory_space<vmem>>, vector<16xi32>,
        %rem3A_667 = arith.constant 10000 : i32
        %rem3A_668 = vector.broadcast %rem3A_667 : i32 to vector<16xi32>
        %rem3A_669 = arith.remsi %add3A_655, %rem3A_668 : vector<16xi32>
        %swap3A_670 = arith.constant 1 : i32
        %swap3A_671 = arith.index_cast %scan3A_558 : i32 to index
        %swap3A_672 = arith.index_cast %swap3A_670 : i32 to index
        %swap3A_673 = arith.constant 64 : index
        %swap3A_674 = tpu.vector_load %arg6[%swap3A_671, %swap3A_672, %swap3A_673] {strides = array<i32>} : memref<80x2x128xi32, #tpu.memory_space<vmem>>, vector<16xi32>,
        tpu.vector_store %arg6[%swap3A_671, %swap3A_672, %swap3A_673], %rem3A_669 {strides = array<i32>} : memref<80x2x128xi32, #tpu.memory_space<vmem>>, vector<16xi32>,
        %add3A_675 = arith.constant 80 : i32
        %add3A_676 = arith.addi %mul3A_560, %add3A_675 : i32
        %add3A_677 = vector.broadcast %add3A_676 : i32 to vector<16xi32>
        %add3A_678 = arith.addi %iota3A, %add3A_677 : vector<16xi32>
        %rem3A_679 = arith.constant 112 : i32
        %rem3A_680 = vector.broadcast %rem3A_679 : i32 to vector<16xi32>
        %rem3A_681 = arith.remsi %add3A_678, %rem3A_680 : vector<16xi32>
        %add3A_682 = arith.constant 10000 : i32
        %add3A_683 = vector.broadcast %add3A_682 : i32 to vector<16xi32>
        %add3A_684 = arith.addi %add3A_683, %rem3A_681 : vector<16xi32>
        %swap3A_685 = arith.constant 0 : i32
        %swap3A_686 = arith.index_cast %scan3A_558 : i32 to index
        %swap3A_687 = arith.index_cast %swap3A_685 : i32 to index
        %swap3A_688 = arith.constant 80 : index
        %swap3A_689 = tpu.vector_load %arg6[%swap3A_686, %swap3A_687, %swap3A_688] {strides = array<i32>} : memref<80x2x128xi32, #tpu.memory_space<vmem>>, vector<16xi32>,
        tpu.vector_store %arg6[%swap3A_686, %swap3A_687, %swap3A_688], %add3A_684 {strides = array<i32>} : memref<80x2x128xi32, #tpu.memory_space<vmem>>, vector<16xi32>,
        %rem3A_690 = arith.constant 10000 : i32
        %rem3A_691 = vector.broadcast %rem3A_690 : i32 to vector<16xi32>
        %rem3A_692 = arith.remsi %add3A_678, %rem3A_691 : vector<16xi32>
        %swap3A_693 = arith.constant 1 : i32
        %swap3A_694 = arith.index_cast %scan3A_558 : i32 to index
        %swap3A_695 = arith.index_cast %swap3A_693 : i32 to index
        %swap3A_696 = arith.constant 80 : index
        %swap3A_697 = tpu.vector_load %arg6[%swap3A_694, %swap3A_695, %swap3A_696] {strides = array<i32>} : memref<80x2x128xi32, #tpu.memory_space<vmem>>, vector<16xi32>,
        tpu.vector_store %arg6[%swap3A_694, %swap3A_695, %swap3A_696], %rem3A_692 {strides = array<i32>} : memref<80x2x128xi32, #tpu.memory_space<vmem>>, vector<16xi32>,
        %add3A_698 = arith.constant 96 : i32
        %add3A_699 = arith.addi %mul3A_560, %add3A_698 : i32
        %add3A_700 = vector.broadcast %add3A_699 : i32 to vector<16xi32>
        %add3A_701 = arith.addi %iota3A, %add3A_700 : vector<16xi32>
        %rem3A_702 = arith.constant 112 : i32
        %rem3A_703 = vector.broadcast %rem3A_702 : i32 to vector<16xi32>
        %rem3A_704 = arith.remsi %add3A_701, %rem3A_703 : vector<16xi32>
        %add3A_705 = arith.constant 10000 : i32
        %add3A_706 = vector.broadcast %add3A_705 : i32 to vector<16xi32>
        %add3A_707 = arith.addi %add3A_706, %rem3A_704 : vector<16xi32>
        %swap3A_708 = arith.constant 0 : i32
        %swap3A_709 = arith.index_cast %scan3A_558 : i32 to index
        %swap3A_710 = arith.index_cast %swap3A_708 : i32 to index
        %swap3A_711 = arith.constant 96 : index
        %swap3A_712 = tpu.vector_load %arg6[%swap3A_709, %swap3A_710, %swap3A_711] {strides = array<i32>} : memref<80x2x128xi32, #tpu.memory_space<vmem>>, vector<16xi32>,
        tpu.vector_store %arg6[%swap3A_709, %swap3A_710, %swap3A_711], %add3A_707 {strides = array<i32>} : memref<80x2x128xi32, #tpu.memory_space<vmem>>, vector<16xi32>,
        %rem3A_713 = arith.constant 10000 : i32
        %rem3A_714 = vector.broadcast %rem3A_713 : i32 to vector<16xi32>
        %rem3A_715 = arith.remsi %add3A_701, %rem3A_714 : vector<16xi32>
        %swap3A_716 = arith.constant 1 : i32
        %swap3A_717 = arith.index_cast %scan3A_558 : i32 to index
        %swap3A_718 = arith.index_cast %swap3A_716 : i32 to index
        %swap3A_719 = arith.constant 96 : index
        %swap3A_720 = tpu.vector_load %arg6[%swap3A_717, %swap3A_718, %swap3A_719] {strides = array<i32>} : memref<80x2x128xi32, #tpu.memory_space<vmem>>, vector<16xi32>,
        tpu.vector_store %arg6[%swap3A_717, %swap3A_718, %swap3A_719], %rem3A_715 {strides = array<i32>} : memref<80x2x128xi32, #tpu.memory_space<vmem>>, vector<16xi32>,
        %add3A_721 = arith.constant 112 : i32
        %add3A_722 = arith.addi %mul3A_560, %add3A_721 : i32
        %add3A_723 = vector.broadcast %add3A_722 : i32 to vector<16xi32>
        %add3A_724 = arith.addi %iota3A, %add3A_723 : vector<16xi32>
        %rem3A_725 = arith.constant 112 : i32
        %rem3A_726 = vector.broadcast %rem3A_725 : i32 to vector<16xi32>
        %rem3A_727 = arith.remsi %add3A_724, %rem3A_726 : vector<16xi32>
        %add3A_728 = arith.constant 10000 : i32
        %add3A_729 = vector.broadcast %add3A_728 : i32 to vector<16xi32>
        %add3A_730 = arith.addi %add3A_729, %rem3A_727 : vector<16xi32>
        %swap3A_731 = arith.constant 0 : i32
        %swap3A_732 = arith.index_cast %scan3A_558 : i32 to index
        %swap3A_733 = arith.index_cast %swap3A_731 : i32 to index
        %swap3A_734 = arith.constant 112 : index
        %swap3A_735 = tpu.vector_load %arg6[%swap3A_732, %swap3A_733, %swap3A_734] {strides = array<i32>} : memref<80x2x128xi32, #tpu.memory_space<vmem>>, vector<16xi32>,
        tpu.vector_store %arg6[%swap3A_732, %swap3A_733, %swap3A_734], %add3A_730 {strides = array<i32>} : memref<80x2x128xi32, #tpu.memory_space<vmem>>, vector<16xi32>,
        %rem3A_736 = arith.constant 10000 : i32
        %rem3A_737 = vector.broadcast %rem3A_736 : i32 to vector<16xi32>
        %rem3A_738 = arith.remsi %add3A_724, %rem3A_737 : vector<16xi32>
        %swap3A_739 = arith.constant 1 : i32
        %swap3A_740 = arith.index_cast %scan3A_558 : i32 to index
        %swap3A_741 = arith.index_cast %swap3A_739 : i32 to index
        %swap3A_742 = arith.constant 112 : index
        %swap3A_743 = tpu.vector_load %arg6[%swap3A_740, %swap3A_741, %swap3A_742] {strides = array<i32>} : memref<80x2x128xi32, #tpu.memory_space<vmem>>, vector<16xi32>,
        tpu.vector_store %arg6[%swap3A_740, %swap3A_741, %swap3A_742], %rem3A_738 {strides = array<i32>} : memref<80x2x128xi32, #tpu.memory_space<vmem>>, vector<16xi32>,
      }
      %scan3A_557 = arith.constant 60 : i32
    } else {
    }
    %scan3A_188 = arith.constant 0 : i32
    %scan3A_189 = arith.constant 0 : i32
    %scan3A_190 = arith.constant 640 : i32
    %scan3A_191 = arith.addi %scan3A_189, %scan3A_190 : i32
    %scan3A_192 = arith.constant 1 : i32
    scf.for %scan3A_552 = %scan3A_189 to %scan3A_191 step %scan3A_192  : i32 {
      %swap3A_553 = arith.index_cast %scan3A_552 : i32 to index
      %swap3A_554 = arith.constant 0 : index
      %swap3A_555 = tpu.vector_load %arg12[%swap3A_553, %swap3A_554] {strides = array<i32>} : memref<640x16xf32, #tpu.memory_space<vmem>>, vector<16xf32>,
      tpu.vector_store %arg12[%swap3A_553, %swap3A_554], %broadcast_in_dim3A_1 {strides = array<i32>} : memref<640x16xf32, #tpu.memory_space<vmem>>, vector<16xf32>,
    }
    %scan3A_193 = arith.constant 640 : i32
    %add3A_194 = arith.constant 0 : i32
    %add3A_195 = vector.broadcast %add3A_194 : i32 to vector<16xi32>
    %add3A_196 = arith.addi %iota3A, %add3A_195 : vector<16xi32>
    %swap3A_197 = arith.constant 0 : i32
    %swap3A_198 = arith.index_cast %swap3A_197 : i32 to index
    %swap3A_199 = arith.constant 0 : index
    %swap3A_200 = tpu.vector_load %arg13[%swap3A_198, %swap3A_199] {strides = array<i32>} : memref<5x128xi32, #tpu.memory_space<vmem>>, vector<16xi32>,
    tpu.vector_store %arg13[%swap3A_198, %swap3A_199], %add3A_196 {strides = array<i32>} : memref<5x128xi32, #tpu.memory_space<vmem>>, vector<16xi32>,
    %add3A_201 = arith.constant 16 : i32
    %add3A_202 = vector.broadcast %add3A_201 : i32 to vector<16xi32>
    %add3A_203 = arith.addi %iota3A, %add3A_202 : vector<16xi32>
    %swap3A_204 = arith.constant 0 : i32
    %swap3A_205 = arith.index_cast %swap3A_204 : i32 to index
    %swap3A_206 = arith.constant 16 : index
    %swap3A_207 = tpu.vector_load %arg13[%swap3A_205, %swap3A_206] {strides = array<i32>} : memref<5x128xi32, #tpu.memory_space<vmem>>, vector<16xi32>,
    tpu.vector_store %arg13[%swap3A_205, %swap3A_206], %add3A_203 {strides = array<i32>} : memref<5x128xi32, #tpu.memory_space<vmem>>, vector<16xi32>,
    %add3A_208 = arith.constant 32 : i32
    %add3A_209 = vector.broadcast %add3A_208 : i32 to vector<16xi32>
    %add3A_210 = arith.addi %iota3A, %add3A_209 : vector<16xi32>
    %swap3A_211 = arith.constant 0 : i32
    %swap3A_212 = arith.index_cast %swap3A_211 : i32 to index
    %swap3A_213 = arith.constant 32 : index
    %swap3A_214 = tpu.vector_load %arg13[%swap3A_212, %swap3A_213] {strides = array<i32>} : memref<5x128xi32, #tpu.memory_space<vmem>>, vector<16xi32>,
    tpu.vector_store %arg13[%swap3A_212, %swap3A_213], %add3A_210 {strides = array<i32>} : memref<5x128xi32, #tpu.memory_space<vmem>>, vector<16xi32>,
    %add3A_215 = arith.constant 48 : i32
    %add3A_216 = vector.broadcast %add3A_215 : i32 to vector<16xi32>
    %add3A_217 = arith.addi %iota3A, %add3A_216 : vector<16xi32>
    %swap3A_218 = arith.constant 0 : i32
    %swap3A_219 = arith.index_cast %swap3A_218 : i32 to index
    %swap3A_220 = arith.constant 48 : index
    %swap3A_221 = tpu.vector_load %arg13[%swap3A_219, %swap3A_220] {strides = array<i32>} : memref<5x128xi32, #tpu.memory_space<vmem>>, vector<16xi32>,
    tpu.vector_store %arg13[%swap3A_219, %swap3A_220], %add3A_217 {strides = array<i32>} : memref<5x128xi32, #tpu.memory_space<vmem>>, vector<16xi32>,
    %add3A_222 = arith.constant 64 : i32
    %add3A_223 = vector.broadcast %add3A_222 : i32 to vector<16xi32>
    %add3A_224 = arith.addi %iota3A, %add3A_223 : vector<16xi32>
    %swap3A_225 = arith.constant 0 : i32
    %swap3A_226 = arith.index_cast %swap3A_225 : i32 to index
    %swap3A_227 = arith.constant 64 : index
    %swap3A_228 = tpu.vector_load %arg13[%swap3A_226, %swap3A_227] {strides = array<i32>} : memref<5x128xi32, #tpu.memory_space<vmem>>, vector<16xi32>,
    tpu.vector_store %arg13[%swap3A_226, %swap3A_227], %add3A_224 {strides = array<i32>} : memref<5x128xi32, #tpu.memory_space<vmem>>, vector<16xi32>,
    %add3A_229 = arith.constant 80 : i32
    %add3A_230 = vector.broadcast %add3A_229 : i32 to vector<16xi32>
    %add3A_231 = arith.addi %iota3A, %add3A_230 : vector<16xi32>
    %swap3A_232 = arith.constant 0 : i32
    %swap3A_233 = arith.index_cast %swap3A_232 : i32 to index
    %swap3A_234 = arith.constant 80 : index
    %swap3A_235 = tpu.vector_load %arg13[%swap3A_233, %swap3A_234] {strides = array<i32>} : memref<5x128xi32, #tpu.memory_space<vmem>>, vector<16xi32>,
    tpu.vector_store %arg13[%swap3A_233, %swap3A_234], %add3A_231 {strides = array<i32>} : memref<5x128xi32, #tpu.memory_space<vmem>>, vector<16xi32>,
    %add3A_236 = arith.constant 96 : i32
    %add3A_237 = vector.broadcast %add3A_236 : i32 to vector<16xi32>
    %add3A_238 = arith.addi %iota3A, %add3A_237 : vector<16xi32>
    %swap3A_239 = arith.constant 0 : i32
    %swap3A_240 = arith.index_cast %swap3A_239 : i32 to index
    %swap3A_241 = arith.constant 96 : index
    %swap3A_242 = tpu.vector_load %arg13[%swap3A_240, %swap3A_241] {strides = array<i32>} : memref<5x128xi32, #tpu.memory_space<vmem>>, vector<16xi32>,
    tpu.vector_store %arg13[%swap3A_240, %swap3A_241], %add3A_238 {strides = array<i32>} : memref<5x128xi32, #tpu.memory_space<vmem>>, vector<16xi32>,
    %add3A_243 = arith.constant 112 : i32
    %add3A_244 = vector.broadcast %add3A_243 : i32 to vector<16xi32>
    %add3A_245 = arith.addi %iota3A, %add3A_244 : vector<16xi32>
    %swap3A_246 = arith.constant 0 : i32
    %swap3A_247 = arith.index_cast %swap3A_246 : i32 to index
    %swap3A_248 = arith.constant 112 : index
    %swap3A_249 = tpu.vector_load %arg13[%swap3A_247, %swap3A_248] {strides = array<i32>} : memref<5x128xi32, #tpu.memory_space<vmem>>, vector<16xi32>,
    tpu.vector_store %arg13[%swap3A_247, %swap3A_248], %add3A_245 {strides = array<i32>} : memref<5x128xi32, #tpu.memory_space<vmem>>, vector<16xi32>,
    %add3A_250 = arith.constant 128 : i32
    %add3A_251 = vector.broadcast %add3A_250 : i32 to vector<16xi32>
    %add3A_252 = arith.addi %iota3A, %add3A_251 : vector<16xi32>
    %swap3A_253 = arith.constant 1 : i32
    %swap3A_254 = arith.index_cast %swap3A_253 : i32 to index
    %swap3A_255 = arith.constant 0 : index
    %swap3A_256 = tpu.vector_load %arg13[%swap3A_254, %swap3A_255] {strides = array<i32>} : memref<5x128xi32, #tpu.memory_space<vmem>>, vector<16xi32>,
    tpu.vector_store %arg13[%swap3A_254, %swap3A_255], %add3A_252 {strides = array<i32>} : memref<5x128xi32, #tpu.memory_space<vmem>>, vector<16xi32>,
    %add3A_257 = arith.constant 144 : i32
    %add3A_258 = vector.broadcast %add3A_257 : i32 to vector<16xi32>
    %add3A_259 = arith.addi %iota3A, %add3A_258 : vector<16xi32>
    %swap3A_260 = arith.constant 1 : i32
    %swap3A_261 = arith.index_cast %swap3A_260 : i32 to index
    %swap3A_262 = arith.constant 16 : index
    %swap3A_263 = tpu.vector_load %arg13[%swap3A_261, %swap3A_262] {strides = array<i32>} : memref<5x128xi32, #tpu.memory_space<vmem>>, vector<16xi32>,
    tpu.vector_store %arg13[%swap3A_261, %swap3A_262], %add3A_259 {strides = array<i32>} : memref<5x128xi32, #tpu.memory_space<vmem>>, vector<16xi32>,
    %add3A_264 = arith.constant 160 : i32
    %add3A_265 = vector.broadcast %add3A_264 : i32 to vector<16xi32>
    %add3A_266 = arith.addi %iota3A, %add3A_265 : vector<16xi32>
    %swap3A_267 = arith.constant 1 : i32
    %swap3A_268 = arith.index_cast %swap3A_267 : i32 to index
    %swap3A_269 = arith.constant 32 : index
    %swap3A_270 = tpu.vector_load %arg13[%swap3A_268, %swap3A_269] {strides = array<i32>} : memref<5x128xi32, #tpu.memory_space<vmem>>, vector<16xi32>,
    tpu.vector_store %arg13[%swap3A_268, %swap3A_269], %add3A_266 {strides = array<i32>} : memref<5x128xi32, #tpu.memory_space<vmem>>, vector<16xi32>,
    %add3A_271 = arith.constant 176 : i32
    %add3A_272 = vector.broadcast %add3A_271 : i32 to vector<16xi32>
    %add3A_273 = arith.addi %iota3A, %add3A_272 : vector<16xi32>
    %swap3A_274 = arith.constant 1 : i32
    %swap3A_275 = arith.index_cast %swap3A_274 : i32 to index
    %swap3A_276 = arith.constant 48 : index
    %swap3A_277 = tpu.vector_load %arg13[%swap3A_275, %swap3A_276] {strides = array<i32>} : memref<5x128xi32, #tpu.memory_space<vmem>>, vector<16xi32>,
    tpu.vector_store %arg13[%swap3A_275, %swap3A_276], %add3A_273 {strides = array<i32>} : memref<5x128xi32, #tpu.memory_space<vmem>>, vector<16xi32>,
    %add3A_278 = arith.constant 192 : i32
    %add3A_279 = vector.broadcast %add3A_278 : i32 to vector<16xi32>
    %add3A_280 = arith.addi %iota3A, %add3A_279 : vector<16xi32>
    %swap3A_281 = arith.constant 1 : i32
    %swap3A_282 = arith.index_cast %swap3A_281 : i32 to index
    %swap3A_283 = arith.constant 64 : index
    %swap3A_284 = tpu.vector_load %arg13[%swap3A_282, %swap3A_283] {strides = array<i32>} : memref<5x128xi32, #tpu.memory_space<vmem>>, vector<16xi32>,
    tpu.vector_store %arg13[%swap3A_282, %swap3A_283], %add3A_280 {strides = array<i32>} : memref<5x128xi32, #tpu.memory_space<vmem>>, vector<16xi32>,
    %add3A_285 = arith.constant 208 : i32
    %add3A_286 = vector.broadcast %add3A_285 : i32 to vector<16xi32>
    %add3A_287 = arith.addi %iota3A, %add3A_286 : vector<16xi32>
    %swap3A_288 = arith.constant 1 : i32
    %swap3A_289 = arith.index_cast %swap3A_288 : i32 to index
    %swap3A_290 = arith.constant 80 : index
    %swap3A_291 = tpu.vector_load %arg13[%swap3A_289, %swap3A_290] {strides = array<i32>} : memref<5x128xi32, #tpu.memory_space<vmem>>, vector<16xi32>,
    tpu.vector_store %arg13[%swap3A_289, %swap3A_290], %add3A_287 {strides = array<i32>} : memref<5x128xi32, #tpu.memory_space<vmem>>, vector<16xi32>,
    %add3A_292 = arith.constant 224 : i32
    %add3A_293 = vector.broadcast %add3A_292 : i32 to vector<16xi32>
    %add3A_294 = arith.addi %iota3A, %add3A_293 : vector<16xi32>
    %swap3A_295 = arith.constant 1 : i32
    %swap3A_296 = arith.index_cast %swap3A_295 : i32 to index
    %swap3A_297 = arith.constant 96 : index
    %swap3A_298 = tpu.vector_load %arg13[%swap3A_296, %swap3A_297] {strides = array<i32>} : memref<5x128xi32, #tpu.memory_space<vmem>>, vector<16xi32>,
    tpu.vector_store %arg13[%swap3A_296, %swap3A_297], %add3A_294 {strides = array<i32>} : memref<5x128xi32, #tpu.memory_space<vmem>>, vector<16xi32>,
    %add3A_299 = arith.constant 240 : i32
    %add3A_300 = vector.broadcast %add3A_299 : i32 to vector<16xi32>
    %add3A_301 = arith.addi %iota3A, %add3A_300 : vector<16xi32>
    %swap3A_302 = arith.constant 1 : i32
    %swap3A_303 = arith.index_cast %swap3A_302 : i32 to index
    %swap3A_304 = arith.constant 112 : index
    %swap3A_305 = tpu.vector_load %arg13[%swap3A_303, %swap3A_304] {strides = array<i32>} : memref<5x128xi32, #tpu.memory_space<vmem>>, vector<16xi32>,
    tpu.vector_store %arg13[%swap3A_303, %swap3A_304], %add3A_301 {strides = array<i32>} : memref<5x128xi32, #tpu.memory_space<vmem>>, vector<16xi32>,
    %add3A_306 = arith.constant 256 : i32
    %add3A_307 = vector.broadcast %add3A_306 : i32 to vector<16xi32>
    %add3A_308 = arith.addi %iota3A, %add3A_307 : vector<16xi32>
    %swap3A_309 = arith.constant 2 : i32
    %swap3A_310 = arith.index_cast %swap3A_309 : i32 to index
    %swap3A_311 = arith.constant 0 : index
    %swap3A_312 = tpu.vector_load %arg13[%swap3A_310, %swap3A_311] {strides = array<i32>} : memref<5x128xi32, #tpu.memory_space<vmem>>, vector<16xi32>,
    tpu.vector_store %arg13[%swap3A_310, %swap3A_311], %add3A_308 {strides = array<i32>} : memref<5x128xi32, #tpu.memory_space<vmem>>, vector<16xi32>,
    %add3A_313 = arith.constant 272 : i32
    %add3A_314 = vector.broadcast %add3A_313 : i32 to vector<16xi32>
    %add3A_315 = arith.addi %iota3A, %add3A_314 : vector<16xi32>
    %swap3A_316 = arith.constant 2 : i32
    %swap3A_317 = arith.index_cast %swap3A_316 : i32 to index
    %swap3A_318 = arith.constant 16 : index
    %swap3A_319 = tpu.vector_load %arg13[%swap3A_317, %swap3A_318] {strides = array<i32>} : memref<5x128xi32, #tpu.memory_space<vmem>>, vector<16xi32>,
    tpu.vector_store %arg13[%swap3A_317, %swap3A_318], %add3A_315 {strides = array<i32>} : memref<5x128xi32, #tpu.memory_space<vmem>>, vector<16xi32>,
    %add3A_320 = arith.constant 288 : i32
    %add3A_321 = vector.broadcast %add3A_320 : i32 to vector<16xi32>
    %add3A_322 = arith.addi %iota3A, %add3A_321 : vector<16xi32>
    %swap3A_323 = arith.constant 2 : i32
    %swap3A_324 = arith.index_cast %swap3A_323 : i32 to index
    %swap3A_325 = arith.constant 32 : index
    %swap3A_326 = tpu.vector_load %arg13[%swap3A_324, %swap3A_325] {strides = array<i32>} : memref<5x128xi32, #tpu.memory_space<vmem>>, vector<16xi32>,
    tpu.vector_store %arg13[%swap3A_324, %swap3A_325], %add3A_322 {strides = array<i32>} : memref<5x128xi32, #tpu.memory_space<vmem>>, vector<16xi32>,
    %add3A_327 = arith.constant 304 : i32
    %add3A_328 = vector.broadcast %add3A_327 : i32 to vector<16xi32>
    %add3A_329 = arith.addi %iota3A, %add3A_328 : vector<16xi32>
    %swap3A_330 = arith.constant 2 : i32
    %swap3A_331 = arith.index_cast %swap3A_330 : i32 to index
    %swap3A_332 = arith.constant 48 : index
    %swap3A_333 = tpu.vector_load %arg13[%swap3A_331, %swap3A_332] {strides = array<i32>} : memref<5x128xi32, #tpu.memory_space<vmem>>, vector<16xi32>,
    tpu.vector_store %arg13[%swap3A_331, %swap3A_332], %add3A_329 {strides = array<i32>} : memref<5x128xi32, #tpu.memory_space<vmem>>, vector<16xi32>,
    %add3A_334 = arith.constant 320 : i32
    %add3A_335 = vector.broadcast %add3A_334 : i32 to vector<16xi32>
    %add3A_336 = arith.addi %iota3A, %add3A_335 : vector<16xi32>
    %swap3A_337 = arith.constant 2 : i32
    %swap3A_338 = arith.index_cast %swap3A_337 : i32 to index
    %swap3A_339 = arith.constant 64 : index
    %swap3A_340 = tpu.vector_load %arg13[%swap3A_338, %swap3A_339] {strides = array<i32>} : memref<5x128xi32, #tpu.memory_space<vmem>>, vector<16xi32>,
    tpu.vector_store %arg13[%swap3A_338, %swap3A_339], %add3A_336 {strides = array<i32>} : memref<5x128xi32, #tpu.memory_space<vmem>>, vector<16xi32>,
    %add3A_341 = arith.constant 336 : i32
    %add3A_342 = vector.broadcast %add3A_341 : i32 to vector<16xi32>
    %add3A_343 = arith.addi %iota3A, %add3A_342 : vector<16xi32>
    %swap3A_344 = arith.constant 2 : i32
    %swap3A_345 = arith.index_cast %swap3A_344 : i32 to index
    %swap3A_346 = arith.constant 80 : index
    %swap3A_347 = tpu.vector_load %arg13[%swap3A_345, %swap3A_346] {strides = array<i32>} : memref<5x128xi32, #tpu.memory_space<vmem>>, vector<16xi32>,
    tpu.vector_store %arg13[%swap3A_345, %swap3A_346], %add3A_343 {strides = array<i32>} : memref<5x128xi32, #tpu.memory_space<vmem>>, vector<16xi32>,
    %add3A_348 = arith.constant 352 : i32
    %add3A_349 = vector.broadcast %add3A_348 : i32 to vector<16xi32>
    %add3A_350 = arith.addi %iota3A, %add3A_349 : vector<16xi32>
    %swap3A_351 = arith.constant 2 : i32
    %swap3A_352 = arith.index_cast %swap3A_351 : i32 to index
    %swap3A_353 = arith.constant 96 : index
    %swap3A_354 = tpu.vector_load %arg13[%swap3A_352, %swap3A_353] {strides = array<i32>} : memref<5x128xi32, #tpu.memory_space<vmem>>, vector<16xi32>,
    tpu.vector_store %arg13[%swap3A_352, %swap3A_353], %add3A_350 {strides = array<i32>} : memref<5x128xi32, #tpu.memory_space<vmem>>, vector<16xi32>,
    %add3A_355 = arith.constant 368 : i32
    %add3A_356 = vector.broadcast %add3A_355 : i32 to vector<16xi32>
    %add3A_357 = arith.addi %iota3A, %add3A_356 : vector<16xi32>
    %swap3A_358 = arith.constant 2 : i32
    %swap3A_359 = arith.index_cast %swap3A_358 : i32 to index
    %swap3A_360 = arith.constant 112 : index
    %swap3A_361 = tpu.vector_load %arg13[%swap3A_359, %swap3A_360] {strides = array<i32>} : memref<5x128xi32, #tpu.memory_space<vmem>>, vector<16xi32>,
    tpu.vector_store %arg13[%swap3A_359, %swap3A_360], %add3A_357 {strides = array<i32>} : memref<5x128xi32, #tpu.memory_space<vmem>>, vector<16xi32>,
    %add3A_362 = arith.constant 384 : i32
    %add3A_363 = vector.broadcast %add3A_362 : i32 to vector<16xi32>
    %add3A_364 = arith.addi %iota3A, %add3A_363 : vector<16xi32>
    %swap3A_365 = arith.constant 3 : i32
    %swap3A_366 = arith.index_cast %swap3A_365 : i32 to index
    %swap3A_367 = arith.constant 0 : index
    %swap3A_368 = tpu.vector_load %arg13[%swap3A_366, %swap3A_367] {strides = array<i32>} : memref<5x128xi32, #tpu.memory_space<vmem>>, vector<16xi32>,
    tpu.vector_store %arg13[%swap3A_366, %swap3A_367], %add3A_364 {strides = array<i32>} : memref<5x128xi32, #tpu.memory_space<vmem>>, vector<16xi32>,
    %add3A_369 = arith.constant 400 : i32
    %add3A_370 = vector.broadcast %add3A_369 : i32 to vector<16xi32>
    %add3A_371 = arith.addi %iota3A, %add3A_370 : vector<16xi32>
    %swap3A_372 = arith.constant 3 : i32
    %swap3A_373 = arith.index_cast %swap3A_372 : i32 to index
    %swap3A_374 = arith.constant 16 : index
    %swap3A_375 = tpu.vector_load %arg13[%swap3A_373, %swap3A_374] {strides = array<i32>} : memref<5x128xi32, #tpu.memory_space<vmem>>, vector<16xi32>,
    tpu.vector_store %arg13[%swap3A_373, %swap3A_374], %add3A_371 {strides = array<i32>} : memref<5x128xi32, #tpu.memory_space<vmem>>, vector<16xi32>,
    %add3A_376 = arith.constant 416 : i32
    %add3A_377 = vector.broadcast %add3A_376 : i32 to vector<16xi32>
    %add3A_378 = arith.addi %iota3A, %add3A_377 : vector<16xi32>
    %swap3A_379 = arith.constant 3 : i32
    %swap3A_380 = arith.index_cast %swap3A_379 : i32 to index
    %swap3A_381 = arith.constant 32 : index
    %swap3A_382 = tpu.vector_load %arg13[%swap3A_380, %swap3A_381] {strides = array<i32>} : memref<5x128xi32, #tpu.memory_space<vmem>>, vector<16xi32>,
    tpu.vector_store %arg13[%swap3A_380, %swap3A_381], %add3A_378 {strides = array<i32>} : memref<5x128xi32, #tpu.memory_space<vmem>>, vector<16xi32>,
    %add3A_383 = arith.constant 432 : i32
    %add3A_384 = vector.broadcast %add3A_383 : i32 to vector<16xi32>
    %add3A_385 = arith.addi %iota3A, %add3A_384 : vector<16xi32>
    %swap3A_386 = arith.constant 3 : i32
    %swap3A_387 = arith.index_cast %swap3A_386 : i32 to index
    %swap3A_388 = arith.constant 48 : index
    %swap3A_389 = tpu.vector_load %arg13[%swap3A_387, %swap3A_388] {strides = array<i32>} : memref<5x128xi32, #tpu.memory_space<vmem>>, vector<16xi32>,
    tpu.vector_store %arg13[%swap3A_387, %swap3A_388], %add3A_385 {strides = array<i32>} : memref<5x128xi32, #tpu.memory_space<vmem>>, vector<16xi32>,
    %add3A_390 = arith.constant 448 : i32
    %add3A_391 = vector.broadcast %add3A_390 : i32 to vector<16xi32>
    %add3A_392 = arith.addi %iota3A, %add3A_391 : vector<16xi32>
    %swap3A_393 = arith.constant 3 : i32
    %swap3A_394 = arith.index_cast %swap3A_393 : i32 to index
    %swap3A_395 = arith.constant 64 : index
    %swap3A_396 = tpu.vector_load %arg13[%swap3A_394, %swap3A_395] {strides = array<i32>} : memref<5x128xi32, #tpu.memory_space<vmem>>, vector<16xi32>,
    tpu.vector_store %arg13[%swap3A_394, %swap3A_395], %add3A_392 {strides = array<i32>} : memref<5x128xi32, #tpu.memory_space<vmem>>, vector<16xi32>,
    %add3A_397 = arith.constant 464 : i32
    %add3A_398 = vector.broadcast %add3A_397 : i32 to vector<16xi32>
    %add3A_399 = arith.addi %iota3A, %add3A_398 : vector<16xi32>
    %swap3A_400 = arith.constant 3 : i32
    %swap3A_401 = arith.index_cast %swap3A_400 : i32 to index
    %swap3A_402 = arith.constant 80 : index
    %swap3A_403 = tpu.vector_load %arg13[%swap3A_401, %swap3A_402] {strides = array<i32>} : memref<5x128xi32, #tpu.memory_space<vmem>>, vector<16xi32>,
    tpu.vector_store %arg13[%swap3A_401, %swap3A_402], %add3A_399 {strides = array<i32>} : memref<5x128xi32, #tpu.memory_space<vmem>>, vector<16xi32>,
    %add3A_404 = arith.constant 480 : i32
    %add3A_405 = vector.broadcast %add3A_404 : i32 to vector<16xi32>
    %add3A_406 = arith.addi %iota3A, %add3A_405 : vector<16xi32>
    %swap3A_407 = arith.constant 3 : i32
    %swap3A_408 = arith.index_cast %swap3A_407 : i32 to index
    %swap3A_409 = arith.constant 96 : index
    %swap3A_410 = tpu.vector_load %arg13[%swap3A_408, %swap3A_409] {strides = array<i32>} : memref<5x128xi32, #tpu.memory_space<vmem>>, vector<16xi32>,
    tpu.vector_store %arg13[%swap3A_408, %swap3A_409], %add3A_406 {strides = array<i32>} : memref<5x128xi32, #tpu.memory_space<vmem>>, vector<16xi32>,
    %add3A_411 = arith.constant 496 : i32
    %add3A_412 = vector.broadcast %add3A_411 : i32 to vector<16xi32>
    %add3A_413 = arith.addi %iota3A, %add3A_412 : vector<16xi32>
    %swap3A_414 = arith.constant 3 : i32
    %swap3A_415 = arith.index_cast %swap3A_414 : i32 to index
    %swap3A_416 = arith.constant 112 : index
    %swap3A_417 = tpu.vector_load %arg13[%swap3A_415, %swap3A_416] {strides = array<i32>} : memref<5x128xi32, #tpu.memory_space<vmem>>, vector<16xi32>,
    tpu.vector_store %arg13[%swap3A_415, %swap3A_416], %add3A_413 {strides = array<i32>} : memref<5x128xi32, #tpu.memory_space<vmem>>, vector<16xi32>,
    %add3A_418 = arith.constant 512 : i32
    %add3A_419 = vector.broadcast %add3A_418 : i32 to vector<16xi32>
    %add3A_420 = arith.addi %iota3A, %add3A_419 : vector<16xi32>
    %swap3A_421 = arith.constant 4 : i32
    %swap3A_422 = arith.index_cast %swap3A_421 : i32 to index
    %swap3A_423 = arith.constant 0 : index
    %swap3A_424 = tpu.vector_load %arg13[%swap3A_422, %swap3A_423] {strides = array<i32>} : memref<5x128xi32, #tpu.memory_space<vmem>>, vector<16xi32>,
    tpu.vector_store %arg13[%swap3A_422, %swap3A_423], %add3A_420 {strides = array<i32>} : memref<5x128xi32, #tpu.memory_space<vmem>>, vector<16xi32>,
    %add3A_425 = arith.constant 528 : i32
    %add3A_426 = vector.broadcast %add3A_425 : i32 to vector<16xi32>
    %add3A_427 = arith.addi %iota3A, %add3A_426 : vector<16xi32>
    %swap3A_428 = arith.constant 4 : i32
    %swap3A_429 = arith.index_cast %swap3A_428 : i32 to index
    %swap3A_430 = arith.constant 16 : index
    %swap3A_431 = tpu.vector_load %arg13[%swap3A_429, %swap3A_430] {strides = array<i32>} : memref<5x128xi32, #tpu.memory_space<vmem>>, vector<16xi32>,
    tpu.vector_store %arg13[%swap3A_429, %swap3A_430], %add3A_427 {strides = array<i32>} : memref<5x128xi32, #tpu.memory_space<vmem>>, vector<16xi32>,
    %add3A_432 = arith.constant 544 : i32
    %add3A_433 = vector.broadcast %add3A_432 : i32 to vector<16xi32>
    %add3A_434 = arith.addi %iota3A, %add3A_433 : vector<16xi32>
    %swap3A_435 = arith.constant 4 : i32
    %swap3A_436 = arith.index_cast %swap3A_435 : i32 to index
    %swap3A_437 = arith.constant 32 : index
    %swap3A_438 = tpu.vector_load %arg13[%swap3A_436, %swap3A_437] {strides = array<i32>} : memref<5x128xi32, #tpu.memory_space<vmem>>, vector<16xi32>,
    tpu.vector_store %arg13[%swap3A_436, %swap3A_437], %add3A_434 {strides = array<i32>} : memref<5x128xi32, #tpu.memory_space<vmem>>, vector<16xi32>,
    %add3A_439 = arith.constant 560 : i32
    %add3A_440 = vector.broadcast %add3A_439 : i32 to vector<16xi32>
    %add3A_441 = arith.addi %iota3A, %add3A_440 : vector<16xi32>
    %swap3A_442 = arith.constant 4 : i32
    %swap3A_443 = arith.index_cast %swap3A_442 : i32 to index
    %swap3A_444 = arith.constant 48 : index
    %swap3A_445 = tpu.vector_load %arg13[%swap3A_443, %swap3A_444] {strides = array<i32>} : memref<5x128xi32, #tpu.memory_space<vmem>>, vector<16xi32>,
    tpu.vector_store %arg13[%swap3A_443, %swap3A_444], %add3A_441 {strides = array<i32>} : memref<5x128xi32, #tpu.memory_space<vmem>>, vector<16xi32>,
    %add3A_446 = arith.constant 576 : i32
    %add3A_447 = vector.broadcast %add3A_446 : i32 to vector<16xi32>
    %add3A_448 = arith.addi %iota3A, %add3A_447 : vector<16xi32>
    %swap3A_449 = arith.constant 4 : i32
    %swap3A_450 = arith.index_cast %swap3A_449 : i32 to index
    %swap3A_451 = arith.constant 64 : index
    %swap3A_452 = tpu.vector_load %arg13[%swap3A_450, %swap3A_451] {strides = array<i32>} : memref<5x128xi32, #tpu.memory_space<vmem>>, vector<16xi32>,
    tpu.vector_store %arg13[%swap3A_450, %swap3A_451], %add3A_448 {strides = array<i32>} : memref<5x128xi32, #tpu.memory_space<vmem>>, vector<16xi32>,
    %add3A_453 = arith.constant 592 : i32
    %add3A_454 = vector.broadcast %add3A_453 : i32 to vector<16xi32>
    %add3A_455 = arith.addi %iota3A, %add3A_454 : vector<16xi32>
    %swap3A_456 = arith.constant 4 : i32
    %swap3A_457 = arith.index_cast %swap3A_456 : i32 to index
    %swap3A_458 = arith.constant 80 : index
    %swap3A_459 = tpu.vector_load %arg13[%swap3A_457, %swap3A_458] {strides = array<i32>} : memref<5x128xi32, #tpu.memory_space<vmem>>, vector<16xi32>,
    tpu.vector_store %arg13[%swap3A_457, %swap3A_458], %add3A_455 {strides = array<i32>} : memref<5x128xi32, #tpu.memory_space<vmem>>, vector<16xi32>,
    %add3A_460 = arith.constant 608 : i32
    %add3A_461 = vector.broadcast %add3A_460 : i32 to vector<16xi32>
    %add3A_462 = arith.addi %iota3A, %add3A_461 : vector<16xi32>
    %swap3A_463 = arith.constant 4 : i32
    %swap3A_464 = arith.index_cast %swap3A_463 : i32 to index
    %swap3A_465 = arith.constant 96 : index
    %swap3A_466 = tpu.vector_load %arg13[%swap3A_464, %swap3A_465] {strides = array<i32>} : memref<5x128xi32, #tpu.memory_space<vmem>>, vector<16xi32>,
    tpu.vector_store %arg13[%swap3A_464, %swap3A_465], %add3A_462 {strides = array<i32>} : memref<5x128xi32, #tpu.memory_space<vmem>>, vector<16xi32>,
    %add3A_467 = arith.constant 624 : i32
    %add3A_468 = vector.broadcast %add3A_467 : i32 to vector<16xi32>
    %add3A_469 = arith.addi %iota3A, %add3A_468 : vector<16xi32>
    %swap3A_470 = arith.constant 4 : i32
    %swap3A_471 = arith.index_cast %swap3A_470 : i32 to index
    %swap3A_472 = arith.constant 112 : index
    %swap3A_473 = tpu.vector_load %arg13[%swap3A_471, %swap3A_472] {strides = array<i32>} : memref<5x128xi32, #tpu.memory_space<vmem>>, vector<16xi32>,
    tpu.vector_store %arg13[%swap3A_471, %swap3A_472], %add3A_469 {strides = array<i32>} : memref<5x128xi32, #tpu.memory_space<vmem>>, vector<16xi32>,
    %barrier3A = arith.constant 0 : index
    tpu.barrier barrier_id(%barrier3A)
    %dma_start3A = arith.constant 0 : i32
    %dma_start3A_474 = arith.constant 1 : i32
    %dma_start3A_475 = arith.constant 0 : i32
    %dma_start3A_476 = tpu.memref_slice %arg6[%dma_start3A, %dma_start3A_474, %dma_start3A_475] : memref<80x2x128xi32, #tpu.memory_space<vmem>> -> memref<1x1x128xi32, #tpu.memory_space<vmem>>
    %dma_start3A_477 = tpu.memref_squeeze %dma_start3A_476 : memref<1x1x128xi32, #tpu.memory_space<vmem>> -> memref<128xi32, #tpu.memory_space<vmem>>
    %dma_start3A_478 = arith.constant 0 : i32
    %dma_start3A_479 = arith.constant 0 : i32
    %dma_start3A_480 = tpu.memref_slice %arg2[%dma_start3A_478, %dma_start3A_479] : memref<10000x64xf32, #tpu.memory_space<hbm>> -> memref<10000x64xf32, #tpu.memory_space<hbm>>
    tpu.enqueue_indirect_dma source(%dma_start3A_480 : memref<10000x64xf32, #tpu.memory_space<hbm>>) target(%arg7 : memref<128x64xf32, #tpu.memory_space<vmem>>) offsets(%dma_start3A_477 : memref<128xi32, #tpu.memory_space<vmem>>) semaphore(%arg18 : memref<!tpu.dma_semaphore, #tpu.memory_space<semaphore_mem>>)
    %dma_start3A_481 = arith.constant 1 : i32
    %dma_start3A_482 = arith.constant 1 : i32
    %dma_start3A_483 = arith.constant 0 : i32
    %dma_start3A_484 = tpu.memref_slice %arg6[%dma_start3A_481, %dma_start3A_482, %dma_start3A_483] : memref<80x2x128xi32, #tpu.memory_space<vmem>> -> memref<1x1x128xi32, #tpu.memory_space<vmem>>
    %dma_start3A_485 = tpu.memref_squeeze %dma_start3A_484 : memref<1x1x128xi32, #tpu.memory_space<vmem>> -> memref<128xi32, #tpu.memory_space<vmem>>
    %dma_start3A_486 = arith.constant 0 : i32
    %dma_start3A_487 = arith.constant 0 : i32
    %dma_start3A_488 = tpu.memref_slice %arg2[%dma_start3A_486, %dma_start3A_487] : memref<10000x64xf32, #tpu.memory_space<hbm>> -> memref<10000x64xf32, #tpu.memory_space<hbm>>
    tpu.enqueue_indirect_dma source(%dma_start3A_488 : memref<10000x64xf32, #tpu.memory_space<hbm>>) target(%arg8 : memref<128x64xf32, #tpu.memory_space<vmem>>) offsets(%dma_start3A_485 : memref<128xi32, #tpu.memory_space<vmem>>) semaphore(%arg19 : memref<!tpu.dma_semaphore, #tpu.memory_space<semaphore_mem>>)
    %dma_start3A_489 = arith.constant 2 : i32
    %dma_start3A_490 = arith.constant 1 : i32
    %dma_start3A_491 = arith.constant 0 : i32
    %dma_start3A_492 = tpu.memref_slice %arg6[%dma_start3A_489, %dma_start3A_490, %dma_start3A_491] : memref<80x2x128xi32, #tpu.memory_space<vmem>> -> memref<1x1x128xi32, #tpu.memory_space<vmem>>
    %dma_start3A_493 = tpu.memref_squeeze %dma_start3A_492 : memref<1x1x128xi32, #tpu.memory_space<vmem>> -> memref<128xi32, #tpu.memory_space<vmem>>
    %dma_start3A_494 = arith.constant 0 : i32
    %dma_start3A_495 = arith.constant 0 : i32
    %dma_start3A_496 = tpu.memref_slice %arg2[%dma_start3A_494, %dma_start3A_495] : memref<10000x64xf32, #tpu.memory_space<hbm>> -> memref<10000x64xf32, #tpu.memory_space<hbm>>
    tpu.enqueue_indirect_dma source(%dma_start3A_496 : memref<10000x64xf32, #tpu.memory_space<hbm>>) target(%arg9 : memref<128x64xf32, #tpu.memory_space<vmem>>) offsets(%dma_start3A_493 : memref<128xi32, #tpu.memory_space<vmem>>) semaphore(%arg20 : memref<!tpu.dma_semaphore, #tpu.memory_space<semaphore_mem>>)
    %dma_start3A_497 = arith.constant 3 : i32
    %dma_start3A_498 = arith.constant 1 : i32
    %dma_start3A_499 = arith.constant 0 : i32
    %dma_start3A_500 = tpu.memref_slice %arg6[%dma_start3A_497, %dma_start3A_498, %dma_start3A_499] : memref<80x2x128xi32, #tpu.memory_space<vmem>> -> memref<1x1x128xi32, #tpu.memory_space<vmem>>
    %dma_start3A_501 = tpu.memref_squeeze %dma_start3A_500 : memref<1x1x128xi32, #tpu.memory_space<vmem>> -> memref<128xi32, #tpu.memory_space<vmem>>
    %dma_start3A_502 = arith.constant 0 : i32
    %dma_start3A_503 = arith.constant 0 : i32
    %dma_start3A_504 = tpu.memref_slice %arg2[%dma_start3A_502, %dma_start3A_503] : memref<10000x64xf32, #tpu.memory_space<hbm>> -> memref<10000x64xf32, #tpu.memory_space<hbm>>
    tpu.enqueue_indirect_dma source(%dma_start3A_504 : memref<10000x64xf32, #tpu.memory_space<hbm>>) target(%arg10 : memref<128x64xf32, #tpu.memory_space<vmem>>) offsets(%dma_start3A_501 : memref<128xi32, #tpu.memory_space<vmem>>) semaphore(%arg21 : memref<!tpu.dma_semaphore, #tpu.memory_space<semaphore_mem>>)
    %dma_start3A_505 = arith.constant 4 : i32
    %dma_start3A_506 = arith.constant 1 : i32
    %dma_start3A_507 = arith.constant 0 : i32
    %dma_start3A_508 = tpu.memref_slice %arg6[%dma_start3A_505, %dma_start3A_506, %dma_start3A_507] : memref<80x2x128xi32, #tpu.memory_space<vmem>> -> memref<1x1x128xi32, #tpu.memory_space<vmem>>
    %dma_start3A_509 = tpu.memref_squeeze %dma_start3A_508 : memref<1x1x128xi32, #tpu.memory_space<vmem>> -> memref<128xi32, #tpu.memory_space<vmem>>
    %dma_start3A_510 = arith.constant 0 : i32
    %dma_start3A_511 = arith.constant 0 : i32
    %dma_start3A_512 = tpu.memref_slice %arg2[%dma_start3A_510, %dma_start3A_511] : memref<10000x64xf32, #tpu.memory_space<hbm>> -> memref<10000x64xf32, #tpu.memory_space<hbm>>
    tpu.enqueue_indirect_dma source(%dma_start3A_512 : memref<10000x64xf32, #tpu.memory_space<hbm>>) target(%arg11 : memref<128x64xf32, #tpu.memory_space<vmem>>) offsets(%dma_start3A_509 : memref<128xi32, #tpu.memory_space<vmem>>) semaphore(%arg22 : memref<!tpu.dma_semaphore, #tpu.memory_space<semaphore_mem>>)
    %scan3A_513 = arith.constant 0 : i32
    %scan3A_514 = arith.constant 0 : i32
    %scan3A_515 = arith.constant 16 : i32
    %scan3A_516 = arith.addi %scan3A_514, %scan3A_515 : i32
    %scan3A_517 = arith.constant 1 : i32
    scf.for %scan3A_552 = %scan3A_514 to %scan3A_516 step %scan3A_517  : i32 {
      %mul3A_553 = arith.constant 5 : i32
      %mul3A_554 = arith.muli %scan3A_552, %mul3A_553 : i32
      %add3A_555 = arith.constant 0 : i32
      %add3A_556 = arith.addi %mul3A_554, %add3A_555 : i32
      %dma_wait3A_557 = arith.constant 1 : i32
      %dma_wait3A_558 = arith.constant 0 : i32
      %dma_wait3A_559 = tpu.memref_slice %arg6[%add3A_556, %dma_wait3A_557, %dma_wait3A_558] : memref<80x2x128xi32, #tpu.memory_space<vmem>> -> memref<1x1x128xi32, #tpu.memory_space<vmem>>
      %dma_wait3A_560 = tpu.memref_squeeze %dma_wait3A_559 : memref<1x1x128xi32, #tpu.memory_space<vmem>> -> memref<128xi32, #tpu.memory_space<vmem>>
      %dma_wait3A_561 = arith.constant 0 : i32
      %dma_wait3A_562 = arith.constant 0 : i32
      %dma_wait3A_563 = tpu.memref_slice %arg2[%dma_wait3A_561, %dma_wait3A_562] : memref<10000x64xf32, #tpu.memory_space<hbm>> -> memref<10000x64xf32, #tpu.memory_space<hbm>>
      tpu.wait_indirect_dma semaphore(%arg18 : memref<!tpu.dma_semaphore, #tpu.memory_space<semaphore_mem>>) src(%dma_wait3A_563 : memref<10000x64xf32, #tpu.memory_space<hbm>>) dst(%arg7 : memref<128x64xf32, #tpu.memory_space<vmem>>)
      %dma_start3A_564 = arith.constant 0 : i32
      %dma_start3A_565 = arith.constant 0 : i32
      %dma_start3A_566 = tpu.memref_slice %arg6[%add3A_556, %dma_start3A_564, %dma_start3A_565] : memref<80x2x128xi32, #tpu.memory_space<vmem>> -> memref<1x1x128xi32, #tpu.memory_space<vmem>>
      %dma_start3A_567 = tpu.memref_squeeze %dma_start3A_566 : memref<1x1x128xi32, #tpu.memory_space<vmem>> -> memref<128xi32, #tpu.memory_space<vmem>>
      %dma_start3A_568 = arith.constant 0 : i32
      %dma_start3A_569 = arith.constant 0 : i32
      %dma_start3A_570 = tpu.memref_slice %arg16[%dma_start3A_568, %dma_start3A_569] : memref<10112x64xf32, #tpu.memory_space<vmem_shared>> -> memref<10112x64xf32, #tpu.memory_space<vmem_shared>>
      tpu.enqueue_indirect_dma source(%arg7 : memref<128x64xf32, #tpu.memory_space<vmem>>) target(%dma_start3A_570 : memref<10112x64xf32, #tpu.memory_space<vmem_shared>>) offsets(%dma_start3A_567 : memref<128xi32, #tpu.memory_space<vmem>>) semaphore(%arg23 : memref<!tpu.dma_semaphore, #tpu.memory_space<semaphore_mem>>) {add = true}
      %get3A = arith.constant 0 : i32
      %get3A_571 = arith.index_cast %add3A_556 : i32 to index
      %get3A_572 = arith.index_cast %get3A : i32 to index
      %get3A_573 = arith.constant 0 : index
      %get3A_574 = tpu.vector_load %arg6[%get3A_571, %get3A_572, %get3A_573] {strides = array<i32>} : memref<80x2x128xi32, #tpu.memory_space<vmem>>, vector<16xi32>,
      %shift_right_logical3A = arith.constant 4 : i32
      %shift_right_logical3A_575 = vector.broadcast %shift_right_logical3A : i32 to vector<16xi32>
      %shift_right_logical3A_576 = arith.shrui %get3A_574, %shift_right_logical3A_575 : vector<16xi32>
      %and3A = arith.constant 15 : i32
      %and3A_577 = vector.broadcast %and3A : i32 to vector<16xi32>
      %and3A_578 = arith.andi %get3A_574, %and3A_577 : vector<16xi32>
      tpu.vector_store_idx %arg12[%shift_right_logical3A_576, %and3A_578], %broadcast_in_dim3A_3 {add = true} : memref<640x16xf32, #tpu.memory_space<vmem>>[vector<16xi32>, vector<16xi32>], vector<16xf32>,
      %get3A_579 = arith.constant 0 : i32
      %get3A_580 = arith.index_cast %add3A_556 : i32 to index
      %get3A_581 = arith.index_cast %get3A_579 : i32 to index
      %get3A_582 = arith.constant 16 : index
      %get3A_583 = tpu.vector_load %arg6[%get3A_580, %get3A_581, %get3A_582] {strides = array<i32>} : memref<80x2x128xi32, #tpu.memory_space<vmem>>, vector<16xi32>,
      %shift_right_logical3A_584 = arith.constant 4 : i32
      %shift_right_logical3A_585 = vector.broadcast %shift_right_logical3A_584 : i32 to vector<16xi32>
      %shift_right_logical3A_586 = arith.shrui %get3A_583, %shift_right_logical3A_585 : vector<16xi32>
      %and3A_587 = arith.constant 15 : i32
      %and3A_588 = vector.broadcast %and3A_587 : i32 to vector<16xi32>
      %and3A_589 = arith.andi %get3A_583, %and3A_588 : vector<16xi32>
      tpu.vector_store_idx %arg12[%shift_right_logical3A_586, %and3A_589], %broadcast_in_dim3A_3 {add = true} : memref<640x16xf32, #tpu.memory_space<vmem>>[vector<16xi32>, vector<16xi32>], vector<16xf32>,
      %get3A_590 = arith.constant 0 : i32
      %get3A_591 = arith.index_cast %add3A_556 : i32 to index
      %get3A_592 = arith.index_cast %get3A_590 : i32 to index
      %get3A_593 = arith.constant 32 : index
      %get3A_594 = tpu.vector_load %arg6[%get3A_591, %get3A_592, %get3A_593] {strides = array<i32>} : memref<80x2x128xi32, #tpu.memory_space<vmem>>, vector<16xi32>,
      %shift_right_logical3A_595 = arith.constant 4 : i32
      %shift_right_logical3A_596 = vector.broadcast %shift_right_logical3A_595 : i32 to vector<16xi32>
      %shift_right_logical3A_597 = arith.shrui %get3A_594, %shift_right_logical3A_596 : vector<16xi32>
      %and3A_598 = arith.constant 15 : i32
      %and3A_599 = vector.broadcast %and3A_598 : i32 to vector<16xi32>
      %and3A_600 = arith.andi %get3A_594, %and3A_599 : vector<16xi32>
      tpu.vector_store_idx %arg12[%shift_right_logical3A_597, %and3A_600], %broadcast_in_dim3A_3 {add = true} : memref<640x16xf32, #tpu.memory_space<vmem>>[vector<16xi32>, vector<16xi32>], vector<16xf32>,
      %get3A_601 = arith.constant 0 : i32
      %get3A_602 = arith.index_cast %add3A_556 : i32 to index
      %get3A_603 = arith.index_cast %get3A_601 : i32 to index
      %get3A_604 = arith.constant 48 : index
      %get3A_605 = tpu.vector_load %arg6[%get3A_602, %get3A_603, %get3A_604] {strides = array<i32>} : memref<80x2x128xi32, #tpu.memory_space<vmem>>, vector<16xi32>,
      %shift_right_logical3A_606 = arith.constant 4 : i32
      %shift_right_logical3A_607 = vector.broadcast %shift_right_logical3A_606 : i32 to vector<16xi32>
      %shift_right_logical3A_608 = arith.shrui %get3A_605, %shift_right_logical3A_607 : vector<16xi32>
      %and3A_609 = arith.constant 15 : i32
      %and3A_610 = vector.broadcast %and3A_609 : i32 to vector<16xi32>
      %and3A_611 = arith.andi %get3A_605, %and3A_610 : vector<16xi32>
      tpu.vector_store_idx %arg12[%shift_right_logical3A_608, %and3A_611], %broadcast_in_dim3A_3 {add = true} : memref<640x16xf32, #tpu.memory_space<vmem>>[vector<16xi32>, vector<16xi32>], vector<16xf32>,
      %get3A_612 = arith.constant 0 : i32
      %get3A_613 = arith.index_cast %add3A_556 : i32 to index
      %get3A_614 = arith.index_cast %get3A_612 : i32 to index
      %get3A_615 = arith.constant 64 : index
      %get3A_616 = tpu.vector_load %arg6[%get3A_613, %get3A_614, %get3A_615] {strides = array<i32>} : memref<80x2x128xi32, #tpu.memory_space<vmem>>, vector<16xi32>,
      %shift_right_logical3A_617 = arith.constant 4 : i32
      %shift_right_logical3A_618 = vector.broadcast %shift_right_logical3A_617 : i32 to vector<16xi32>
      %shift_right_logical3A_619 = arith.shrui %get3A_616, %shift_right_logical3A_618 : vector<16xi32>
      %and3A_620 = arith.constant 15 : i32
      %and3A_621 = vector.broadcast %and3A_620 : i32 to vector<16xi32>
      %and3A_622 = arith.andi %get3A_616, %and3A_621 : vector<16xi32>
      tpu.vector_store_idx %arg12[%shift_right_logical3A_619, %and3A_622], %broadcast_in_dim3A_3 {add = true} : memref<640x16xf32, #tpu.memory_space<vmem>>[vector<16xi32>, vector<16xi32>], vector<16xf32>,
      %get3A_623 = arith.constant 0 : i32
      %get3A_624 = arith.index_cast %add3A_556 : i32 to index
      %get3A_625 = arith.index_cast %get3A_623 : i32 to index
      %get3A_626 = arith.constant 80 : index
      %get3A_627 = tpu.vector_load %arg6[%get3A_624, %get3A_625, %get3A_626] {strides = array<i32>} : memref<80x2x128xi32, #tpu.memory_space<vmem>>, vector<16xi32>,
      %shift_right_logical3A_628 = arith.constant 4 : i32
      %shift_right_logical3A_629 = vector.broadcast %shift_right_logical3A_628 : i32 to vector<16xi32>
      %shift_right_logical3A_630 = arith.shrui %get3A_627, %shift_right_logical3A_629 : vector<16xi32>
      %and3A_631 = arith.constant 15 : i32
      %and3A_632 = vector.broadcast %and3A_631 : i32 to vector<16xi32>
      %and3A_633 = arith.andi %get3A_627, %and3A_632 : vector<16xi32>
      tpu.vector_store_idx %arg12[%shift_right_logical3A_630, %and3A_633], %broadcast_in_dim3A_3 {add = true} : memref<640x16xf32, #tpu.memory_space<vmem>>[vector<16xi32>, vector<16xi32>], vector<16xf32>,
      %get3A_634 = arith.constant 0 : i32
      %get3A_635 = arith.index_cast %add3A_556 : i32 to index
      %get3A_636 = arith.index_cast %get3A_634 : i32 to index
      %get3A_637 = arith.constant 96 : index
      %get3A_638 = tpu.vector_load %arg6[%get3A_635, %get3A_636, %get3A_637] {strides = array<i32>} : memref<80x2x128xi32, #tpu.memory_space<vmem>>, vector<16xi32>,
      %shift_right_logical3A_639 = arith.constant 4 : i32
      %shift_right_logical3A_640 = vector.broadcast %shift_right_logical3A_639 : i32 to vector<16xi32>
      %shift_right_logical3A_641 = arith.shrui %get3A_638, %shift_right_logical3A_640 : vector<16xi32>
      %and3A_642 = arith.constant 15 : i32
      %and3A_643 = vector.broadcast %and3A_642 : i32 to vector<16xi32>
      %and3A_644 = arith.andi %get3A_638, %and3A_643 : vector<16xi32>
      tpu.vector_store_idx %arg12[%shift_right_logical3A_641, %and3A_644], %broadcast_in_dim3A_3 {add = true} : memref<640x16xf32, #tpu.memory_space<vmem>>[vector<16xi32>, vector<16xi32>], vector<16xf32>,
      %get3A_645 = arith.constant 0 : i32
      %get3A_646 = arith.index_cast %add3A_556 : i32 to index
      %get3A_647 = arith.index_cast %get3A_645 : i32 to index
      %get3A_648 = arith.constant 112 : index
      %get3A_649 = tpu.vector_load %arg6[%get3A_646, %get3A_647, %get3A_648] {strides = array<i32>} : memref<80x2x128xi32, #tpu.memory_space<vmem>>, vector<16xi32>,
      %shift_right_logical3A_650 = arith.constant 4 : i32
      %shift_right_logical3A_651 = vector.broadcast %shift_right_logical3A_650 : i32 to vector<16xi32>
      %shift_right_logical3A_652 = arith.shrui %get3A_649, %shift_right_logical3A_651 : vector<16xi32>
      %and3A_653 = arith.constant 15 : i32
      %and3A_654 = vector.broadcast %and3A_653 : i32 to vector<16xi32>
      %and3A_655 = arith.andi %get3A_649, %and3A_654 : vector<16xi32>
      tpu.vector_store_idx %arg12[%shift_right_logical3A_652, %and3A_655], %broadcast_in_dim3A_3 {add = true} : memref<640x16xf32, #tpu.memory_space<vmem>>[vector<16xi32>, vector<16xi32>], vector<16xf32>,
      %sub3A = arith.constant 1 : i32
      %sub3A_656 = arith.subi %add3A_556, %sub3A : i32
      %max3A = arith.constant 0 : i32
      %max3A_657 = arith.maxsi %sub3A_656, %max3A : i32
      %ge3A = arith.constant 1 : i32
      %ge3A_658 = arith.cmpi sge, %add3A_556, %ge3A : i32
      %convert_element_type3A_659 = arith.extui %ge3A_658 : i1 to i32
      %cond3A_660 = arith.constant 0 : i32
      %cond3A_661 = arith.cmpi ne, %convert_element_type3A_659, %cond3A_660 : i32
      scf.if %cond3A_661 {
        %dma_wait3A_1190 = arith.constant 0 : i32
        %dma_wait3A_1191 = arith.constant 0 : i32
        %dma_wait3A_1192 = tpu.memref_slice %arg6[%max3A_657, %dma_wait3A_1190, %dma_wait3A_1191] : memref<80x2x128xi32, #tpu.memory_space<vmem>> -> memref<1x1x128xi32, #tpu.memory_space<vmem>>
        %dma_wait3A_1193 = tpu.memref_squeeze %dma_wait3A_1192 : memref<1x1x128xi32, #tpu.memory_space<vmem>> -> memref<128xi32, #tpu.memory_space<vmem>>
        %dma_wait3A_1194 = arith.constant 0 : i32
        %dma_wait3A_1195 = arith.constant 0 : i32
        %dma_wait3A_1196 = tpu.memref_slice %arg16[%dma_wait3A_1194, %dma_wait3A_1195] : memref<10112x64xf32, #tpu.memory_space<vmem_shared>> -> memref<10112x64xf32, #tpu.memory_space<vmem_shared>>
        tpu.wait_indirect_dma semaphore(%arg27 : memref<!tpu.dma_semaphore, #tpu.memory_space<semaphore_mem>>) src(%arg11 : memref<128x64xf32, #tpu.memory_space<vmem>>) dst(%dma_wait3A_1196 : memref<10112x64xf32, #tpu.memory_space<vmem_shared>>)
      } else {
      }
      %ge3A_662 = arith.constant 1 : i32
      %ge3A_663 = arith.cmpi sge, %add3A_556, %ge3A_662 : i32
      %add3A_664 = arith.constant 5 : i32
      %add3A_665 = arith.addi %add3A_556, %add3A_664 : i32
      %sub3A_666 = arith.constant 1 : i32
      %sub3A_667 = arith.subi %add3A_665, %sub3A_666 : i32
      %lt3A_668 = arith.constant 80 : i32
      %lt3A_669 = arith.cmpi slt, %sub3A_667, %lt3A_668 : i32
      %and3A_670 = arith.andi %ge3A_663, %lt3A_669 : i1
      %convert_element_type3A_671 = arith.extui %and3A_670 : i1 to i32
      %cond3A_672 = arith.constant 0 : i32
      %cond3A_673 = arith.cmpi ne, %convert_element_type3A_671, %cond3A_672 : i32
      scf.if %cond3A_673 {
        %add3A_1190 = arith.constant 5 : i32
        %add3A_1191 = arith.addi %add3A_556, %add3A_1190 : i32
        %sub3A_1192 = arith.constant 1 : i32
        %sub3A_1193 = arith.subi %add3A_1191, %sub3A_1192 : i32
        %dma_start3A_1194 = arith.constant 1 : i32
        %dma_start3A_1195 = arith.constant 0 : i32
        %dma_start3A_1196 = tpu.memref_slice %arg6[%sub3A_1193, %dma_start3A_1194, %dma_start3A_1195] : memref<80x2x128xi32, #tpu.memory_space<vmem>> -> memref<1x1x128xi32, #tpu.memory_space<vmem>>
        %dma_start3A_1197 = tpu.memref_squeeze %dma_start3A_1196 : memref<1x1x128xi32, #tpu.memory_space<vmem>> -> memref<128xi32, #tpu.memory_space<vmem>>
        %dma_start3A_1198 = arith.constant 0 : i32
        %dma_start3A_1199 = arith.constant 0 : i32
        %dma_start3A_1200 = tpu.memref_slice %arg2[%dma_start3A_1198, %dma_start3A_1199] : memref<10000x64xf32, #tpu.memory_space<hbm>> -> memref<10000x64xf32, #tpu.memory_space<hbm>>
        tpu.enqueue_indirect_dma source(%dma_start3A_1200 : memref<10000x64xf32, #tpu.memory_space<hbm>>) target(%arg11 : memref<128x64xf32, #tpu.memory_space<vmem>>) offsets(%dma_start3A_1197 : memref<128xi32, #tpu.memory_space<vmem>>) semaphore(%arg22 : memref<!tpu.dma_semaphore, #tpu.memory_space<semaphore_mem>>)
      } else {
      }
      %mul3A_674 = arith.constant 5 : i32
      %mul3A_675 = arith.muli %scan3A_552, %mul3A_674 : i32
      %add3A_676 = arith.constant 1 : i32
      %add3A_677 = arith.addi %mul3A_675, %add3A_676 : i32
      %dma_wait3A_678 = arith.constant 1 : i32
      %dma_wait3A_679 = arith.constant 0 : i32
      %dma_wait3A_680 = tpu.memref_slice %arg6[%add3A_677, %dma_wait3A_678, %dma_wait3A_679] : memref<80x2x128xi32, #tpu.memory_space<vmem>> -> memref<1x1x128xi32, #tpu.memory_space<vmem>>
      %dma_wait3A_681 = tpu.memref_squeeze %dma_wait3A_680 : memref<1x1x128xi32, #tpu.memory_space<vmem>> -> memref<128xi32, #tpu.memory_space<vmem>>
      %dma_wait3A_682 = arith.constant 0 : i32
      %dma_wait3A_683 = arith.constant 0 : i32
      %dma_wait3A_684 = tpu.memref_slice %arg2[%dma_wait3A_682, %dma_wait3A_683] : memref<10000x64xf32, #tpu.memory_space<hbm>> -> memref<10000x64xf32, #tpu.memory_space<hbm>>
      tpu.wait_indirect_dma semaphore(%arg19 : memref<!tpu.dma_semaphore, #tpu.memory_space<semaphore_mem>>) src(%dma_wait3A_684 : memref<10000x64xf32, #tpu.memory_space<hbm>>) dst(%arg8 : memref<128x64xf32, #tpu.memory_space<vmem>>)
      %dma_start3A_685 = arith.constant 0 : i32
      %dma_start3A_686 = arith.constant 0 : i32
      %dma_start3A_687 = tpu.memref_slice %arg6[%add3A_677, %dma_start3A_685, %dma_start3A_686] : memref<80x2x128xi32, #tpu.memory_space<vmem>> -> memref<1x1x128xi32, #tpu.memory_space<vmem>>
      %dma_start3A_688 = tpu.memref_squeeze %dma_start3A_687 : memref<1x1x128xi32, #tpu.memory_space<vmem>> -> memref<128xi32, #tpu.memory_space<vmem>>
      %dma_start3A_689 = arith.constant 0 : i32
      %dma_start3A_690 = arith.constant 0 : i32
      %dma_start3A_691 = tpu.memref_slice %arg16[%dma_start3A_689, %dma_start3A_690] : memref<10112x64xf32, #tpu.memory_space<vmem_shared>> -> memref<10112x64xf32, #tpu.memory_space<vmem_shared>>
      tpu.enqueue_indirect_dma source(%arg8 : memref<128x64xf32, #tpu.memory_space<vmem>>) target(%dma_start3A_691 : memref<10112x64xf32, #tpu.memory_space<vmem_shared>>) offsets(%dma_start3A_688 : memref<128xi32, #tpu.memory_space<vmem>>) semaphore(%arg24 : memref<!tpu.dma_semaphore, #tpu.memory_space<semaphore_mem>>) {add = true}
      %get3A_692 = arith.constant 0 : i32
      %get3A_693 = arith.index_cast %add3A_677 : i32 to index
      %get3A_694 = arith.index_cast %get3A_692 : i32 to index
      %get3A_695 = arith.constant 0 : index
      %get3A_696 = tpu.vector_load %arg6[%get3A_693, %get3A_694, %get3A_695] {strides = array<i32>} : memref<80x2x128xi32, #tpu.memory_space<vmem>>, vector<16xi32>,
      %shift_right_logical3A_697 = arith.constant 4 : i32
      %shift_right_logical3A_698 = vector.broadcast %shift_right_logical3A_697 : i32 to vector<16xi32>
      %shift_right_logical3A_699 = arith.shrui %get3A_696, %shift_right_logical3A_698 : vector<16xi32>
      %and3A_700 = arith.constant 15 : i32
      %and3A_701 = vector.broadcast %and3A_700 : i32 to vector<16xi32>
      %and3A_702 = arith.andi %get3A_696, %and3A_701 : vector<16xi32>
      tpu.vector_store_idx %arg12[%shift_right_logical3A_699, %and3A_702], %broadcast_in_dim3A_3 {add = true} : memref<640x16xf32, #tpu.memory_space<vmem>>[vector<16xi32>, vector<16xi32>], vector<16xf32>,
      %get3A_703 = arith.constant 0 : i32
      %get3A_704 = arith.index_cast %add3A_677 : i32 to index
      %get3A_705 = arith.index_cast %get3A_703 : i32 to index
      %get3A_706 = arith.constant 16 : index
      %get3A_707 = tpu.vector_load %arg6[%get3A_704, %get3A_705, %get3A_706] {strides = array<i32>} : memref<80x2x128xi32, #tpu.memory_space<vmem>>, vector<16xi32>,
      %shift_right_logical3A_708 = arith.constant 4 : i32
      %shift_right_logical3A_709 = vector.broadcast %shift_right_logical3A_708 : i32 to vector<16xi32>
      %shift_right_logical3A_710 = arith.shrui %get3A_707, %shift_right_logical3A_709 : vector<16xi32>
      %and3A_711 = arith.constant 15 : i32
      %and3A_712 = vector.broadcast %and3A_711 : i32 to vector<16xi32>
      %and3A_713 = arith.andi %get3A_707, %and3A_712 : vector<16xi32>
      tpu.vector_store_idx %arg12[%shift_right_logical3A_710, %and3A_713], %broadcast_in_dim3A_3 {add = true} : memref<640x16xf32, #tpu.memory_space<vmem>>[vector<16xi32>, vector<16xi32>], vector<16xf32>,
      %get3A_714 = arith.constant 0 : i32
      %get3A_715 = arith.index_cast %add3A_677 : i32 to index
      %get3A_716 = arith.index_cast %get3A_714 : i32 to index
      %get3A_717 = arith.constant 32 : index
      %get3A_718 = tpu.vector_load %arg6[%get3A_715, %get3A_716, %get3A_717] {strides = array<i32>} : memref<80x2x128xi32, #tpu.memory_space<vmem>>, vector<16xi32>,
      %shift_right_logical3A_719 = arith.constant 4 : i32
      %shift_right_logical3A_720 = vector.broadcast %shift_right_logical3A_719 : i32 to vector<16xi32>
      %shift_right_logical3A_721 = arith.shrui %get3A_718, %shift_right_logical3A_720 : vector<16xi32>
      %and3A_722 = arith.constant 15 : i32
      %and3A_723 = vector.broadcast %and3A_722 : i32 to vector<16xi32>
      %and3A_724 = arith.andi %get3A_718, %and3A_723 : vector<16xi32>
      tpu.vector_store_idx %arg12[%shift_right_logical3A_721, %and3A_724], %broadcast_in_dim3A_3 {add = true} : memref<640x16xf32, #tpu.memory_space<vmem>>[vector<16xi32>, vector<16xi32>], vector<16xf32>,
      %get3A_725 = arith.constant 0 : i32
      %get3A_726 = arith.index_cast %add3A_677 : i32 to index
      %get3A_727 = arith.index_cast %get3A_725 : i32 to index
      %get3A_728 = arith.constant 48 : index
      %get3A_729 = tpu.vector_load %arg6[%get3A_726, %get3A_727, %get3A_728] {strides = array<i32>} : memref<80x2x128xi32, #tpu.memory_space<vmem>>, vector<16xi32>,
      %shift_right_logical3A_730 = arith.constant 4 : i32
      %shift_right_logical3A_731 = vector.broadcast %shift_right_logical3A_730 : i32 to vector<16xi32>
      %shift_right_logical3A_732 = arith.shrui %get3A_729, %shift_right_logical3A_731 : vector<16xi32>
      %and3A_733 = arith.constant 15 : i32
      %and3A_734 = vector.broadcast %and3A_733 : i32 to vector<16xi32>
      %and3A_735 = arith.andi %get3A_729, %and3A_734 : vector<16xi32>
      tpu.vector_store_idx %arg12[%shift_right_logical3A_732, %and3A_735], %broadcast_in_dim3A_3 {add = true} : memref<640x16xf32, #tpu.memory_space<vmem>>[vector<16xi32>, vector<16xi32>], vector<16xf32>,
      %get3A_736 = arith.constant 0 : i32
      %get3A_737 = arith.index_cast %add3A_677 : i32 to index
      %get3A_738 = arith.index_cast %get3A_736 : i32 to index
      %get3A_739 = arith.constant 64 : index
      %get3A_740 = tpu.vector_load %arg6[%get3A_737, %get3A_738, %get3A_739] {strides = array<i32>} : memref<80x2x128xi32, #tpu.memory_space<vmem>>, vector<16xi32>,
      %shift_right_logical3A_741 = arith.constant 4 : i32
      %shift_right_logical3A_742 = vector.broadcast %shift_right_logical3A_741 : i32 to vector<16xi32>
      %shift_right_logical3A_743 = arith.shrui %get3A_740, %shift_right_logical3A_742 : vector<16xi32>
      %and3A_744 = arith.constant 15 : i32
      %and3A_745 = vector.broadcast %and3A_744 : i32 to vector<16xi32>
      %and3A_746 = arith.andi %get3A_740, %and3A_745 : vector<16xi32>
      tpu.vector_store_idx %arg12[%shift_right_logical3A_743, %and3A_746], %broadcast_in_dim3A_3 {add = true} : memref<640x16xf32, #tpu.memory_space<vmem>>[vector<16xi32>, vector<16xi32>], vector<16xf32>,
      %get3A_747 = arith.constant 0 : i32
      %get3A_748 = arith.index_cast %add3A_677 : i32 to index
      %get3A_749 = arith.index_cast %get3A_747 : i32 to index
      %get3A_750 = arith.constant 80 : index
      %get3A_751 = tpu.vector_load %arg6[%get3A_748, %get3A_749, %get3A_750] {strides = array<i32>} : memref<80x2x128xi32, #tpu.memory_space<vmem>>, vector<16xi32>,
      %shift_right_logical3A_752 = arith.constant 4 : i32
      %shift_right_logical3A_753 = vector.broadcast %shift_right_logical3A_752 : i32 to vector<16xi32>
      %shift_right_logical3A_754 = arith.shrui %get3A_751, %shift_right_logical3A_753 : vector<16xi32>
      %and3A_755 = arith.constant 15 : i32
      %and3A_756 = vector.broadcast %and3A_755 : i32 to vector<16xi32>
      %and3A_757 = arith.andi %get3A_751, %and3A_756 : vector<16xi32>
      tpu.vector_store_idx %arg12[%shift_right_logical3A_754, %and3A_757], %broadcast_in_dim3A_3 {add = true} : memref<640x16xf32, #tpu.memory_space<vmem>>[vector<16xi32>, vector<16xi32>], vector<16xf32>,
      %get3A_758 = arith.constant 0 : i32
      %get3A_759 = arith.index_cast %add3A_677 : i32 to index
      %get3A_760 = arith.index_cast %get3A_758 : i32 to index
      %get3A_761 = arith.constant 96 : index
      %get3A_762 = tpu.vector_load %arg6[%get3A_759, %get3A_760, %get3A_761] {strides = array<i32>} : memref<80x2x128xi32, #tpu.memory_space<vmem>>, vector<16xi32>,
      %shift_right_logical3A_763 = arith.constant 4 : i32
      %shift_right_logical3A_764 = vector.broadcast %shift_right_logical3A_763 : i32 to vector<16xi32>
      %shift_right_logical3A_765 = arith.shrui %get3A_762, %shift_right_logical3A_764 : vector<16xi32>
      %and3A_766 = arith.constant 15 : i32
      %and3A_767 = vector.broadcast %and3A_766 : i32 to vector<16xi32>
      %and3A_768 = arith.andi %get3A_762, %and3A_767 : vector<16xi32>
      tpu.vector_store_idx %arg12[%shift_right_logical3A_765, %and3A_768], %broadcast_in_dim3A_3 {add = true} : memref<640x16xf32, #tpu.memory_space<vmem>>[vector<16xi32>, vector<16xi32>], vector<16xf32>,
      %get3A_769 = arith.constant 0 : i32
      %get3A_770 = arith.index_cast %add3A_677 : i32 to index
      %get3A_771 = arith.index_cast %get3A_769 : i32 to index
      %get3A_772 = arith.constant 112 : index
      %get3A_773 = tpu.vector_load %arg6[%get3A_770, %get3A_771, %get3A_772] {strides = array<i32>} : memref<80x2x128xi32, #tpu.memory_space<vmem>>, vector<16xi32>,
      %shift_right_logical3A_774 = arith.constant 4 : i32
      %shift_right_logical3A_775 = vector.broadcast %shift_right_logical3A_774 : i32 to vector<16xi32>
      %shift_right_logical3A_776 = arith.shrui %get3A_773, %shift_right_logical3A_775 : vector<16xi32>
      %and3A_777 = arith.constant 15 : i32
      %and3A_778 = vector.broadcast %and3A_777 : i32 to vector<16xi32>
      %and3A_779 = arith.andi %get3A_773, %and3A_778 : vector<16xi32>
      tpu.vector_store_idx %arg12[%shift_right_logical3A_776, %and3A_779], %broadcast_in_dim3A_3 {add = true} : memref<640x16xf32, #tpu.memory_space<vmem>>[vector<16xi32>, vector<16xi32>], vector<16xf32>,
      %sub3A_780 = arith.constant 1 : i32
      %sub3A_781 = arith.subi %add3A_677, %sub3A_780 : i32
      %max3A_782 = arith.constant 0 : i32
      %max3A_783 = arith.maxsi %sub3A_781, %max3A_782 : i32
      %dma_wait3A_784 = arith.constant 0 : i32
      %dma_wait3A_785 = arith.constant 0 : i32
      %dma_wait3A_786 = tpu.memref_slice %arg6[%max3A_783, %dma_wait3A_784, %dma_wait3A_785] : memref<80x2x128xi32, #tpu.memory_space<vmem>> -> memref<1x1x128xi32, #tpu.memory_space<vmem>>
      %dma_wait3A_787 = tpu.memref_squeeze %dma_wait3A_786 : memref<1x1x128xi32, #tpu.memory_space<vmem>> -> memref<128xi32, #tpu.memory_space<vmem>>
      %dma_wait3A_788 = arith.constant 0 : i32
      %dma_wait3A_789 = arith.constant 0 : i32
      %dma_wait3A_790 = tpu.memref_slice %arg16[%dma_wait3A_788, %dma_wait3A_789] : memref<10112x64xf32, #tpu.memory_space<vmem_shared>> -> memref<10112x64xf32, #tpu.memory_space<vmem_shared>>
      tpu.wait_indirect_dma semaphore(%arg23 : memref<!tpu.dma_semaphore, #tpu.memory_space<semaphore_mem>>) src(%arg7 : memref<128x64xf32, #tpu.memory_space<vmem>>) dst(%dma_wait3A_790 : memref<10112x64xf32, #tpu.memory_space<vmem_shared>>)
      %ge3A_791 = arith.constant 1 : i32
      %ge3A_792 = arith.cmpi sge, %add3A_677, %ge3A_791 : i32
      %add3A_793 = arith.constant 5 : i32
      %add3A_794 = arith.addi %add3A_677, %add3A_793 : i32
      %sub3A_795 = arith.constant 1 : i32
      %sub3A_796 = arith.subi %add3A_794, %sub3A_795 : i32
      %lt3A_797 = arith.constant 80 : i32
      %lt3A_798 = arith.cmpi slt, %sub3A_796, %lt3A_797 : i32
      %and3A_799 = arith.andi %ge3A_792, %lt3A_798 : i1
      %convert_element_type3A_800 = arith.extui %and3A_799 : i1 to i32
      %cond3A_801 = arith.constant 0 : i32
      %cond3A_802 = arith.cmpi ne, %convert_element_type3A_800, %cond3A_801 : i32
      scf.if %cond3A_802 {
        %add3A_1190 = arith.constant 5 : i32
        %add3A_1191 = arith.addi %add3A_677, %add3A_1190 : i32
        %sub3A_1192 = arith.constant 1 : i32
        %sub3A_1193 = arith.subi %add3A_1191, %sub3A_1192 : i32
        %dma_start3A_1194 = arith.constant 1 : i32
        %dma_start3A_1195 = arith.constant 0 : i32
        %dma_start3A_1196 = tpu.memref_slice %arg6[%sub3A_1193, %dma_start3A_1194, %dma_start3A_1195] : memref<80x2x128xi32, #tpu.memory_space<vmem>> -> memref<1x1x128xi32, #tpu.memory_space<vmem>>
        %dma_start3A_1197 = tpu.memref_squeeze %dma_start3A_1196 : memref<1x1x128xi32, #tpu.memory_space<vmem>> -> memref<128xi32, #tpu.memory_space<vmem>>
        %dma_start3A_1198 = arith.constant 0 : i32
        %dma_start3A_1199 = arith.constant 0 : i32
        %dma_start3A_1200 = tpu.memref_slice %arg2[%dma_start3A_1198, %dma_start3A_1199] : memref<10000x64xf32, #tpu.memory_space<hbm>> -> memref<10000x64xf32, #tpu.memory_space<hbm>>
        tpu.enqueue_indirect_dma source(%dma_start3A_1200 : memref<10000x64xf32, #tpu.memory_space<hbm>>) target(%arg7 : memref<128x64xf32, #tpu.memory_space<vmem>>) offsets(%dma_start3A_1197 : memref<128xi32, #tpu.memory_space<vmem>>) semaphore(%arg18 : memref<!tpu.dma_semaphore, #tpu.memory_space<semaphore_mem>>)
      } else {
      }
      %mul3A_803 = arith.constant 5 : i32
      %mul3A_804 = arith.muli %scan3A_552, %mul3A_803 : i32
      %add3A_805 = arith.constant 2 : i32
      %add3A_806 = arith.addi %mul3A_804, %add3A_805 : i32
      %dma_wait3A_807 = arith.constant 1 : i32
      %dma_wait3A_808 = arith.constant 0 : i32
      %dma_wait3A_809 = tpu.memref_slice %arg6[%add3A_806, %dma_wait3A_807, %dma_wait3A_808] : memref<80x2x128xi32, #tpu.memory_space<vmem>> -> memref<1x1x128xi32, #tpu.memory_space<vmem>>
      %dma_wait3A_810 = tpu.memref_squeeze %dma_wait3A_809 : memref<1x1x128xi32, #tpu.memory_space<vmem>> -> memref<128xi32, #tpu.memory_space<vmem>>
      %dma_wait3A_811 = arith.constant 0 : i32
      %dma_wait3A_812 = arith.constant 0 : i32
      %dma_wait3A_813 = tpu.memref_slice %arg2[%dma_wait3A_811, %dma_wait3A_812] : memref<10000x64xf32, #tpu.memory_space<hbm>> -> memref<10000x64xf32, #tpu.memory_space<hbm>>
      tpu.wait_indirect_dma semaphore(%arg20 : memref<!tpu.dma_semaphore, #tpu.memory_space<semaphore_mem>>) src(%dma_wait3A_813 : memref<10000x64xf32, #tpu.memory_space<hbm>>) dst(%arg9 : memref<128x64xf32, #tpu.memory_space<vmem>>)
      %dma_start3A_814 = arith.constant 0 : i32
      %dma_start3A_815 = arith.constant 0 : i32
      %dma_start3A_816 = tpu.memref_slice %arg6[%add3A_806, %dma_start3A_814, %dma_start3A_815] : memref<80x2x128xi32, #tpu.memory_space<vmem>> -> memref<1x1x128xi32, #tpu.memory_space<vmem>>
      %dma_start3A_817 = tpu.memref_squeeze %dma_start3A_816 : memref<1x1x128xi32, #tpu.memory_space<vmem>> -> memref<128xi32, #tpu.memory_space<vmem>>
      %dma_start3A_818 = arith.constant 0 : i32
      %dma_start3A_819 = arith.constant 0 : i32
      %dma_start3A_820 = tpu.memref_slice %arg16[%dma_start3A_818, %dma_start3A_819] : memref<10112x64xf32, #tpu.memory_space<vmem_shared>> -> memref<10112x64xf32, #tpu.memory_space<vmem_shared>>
      tpu.enqueue_indirect_dma source(%arg9 : memref<128x64xf32, #tpu.memory_space<vmem>>) target(%dma_start3A_820 : memref<10112x64xf32, #tpu.memory_space<vmem_shared>>) offsets(%dma_start3A_817 : memref<128xi32, #tpu.memory_space<vmem>>) semaphore(%arg25 : memref<!tpu.dma_semaphore, #tpu.memory_space<semaphore_mem>>) {add = true}
      %get3A_821 = arith.constant 0 : i32
      %get3A_822 = arith.index_cast %add3A_806 : i32 to index
      %get3A_823 = arith.index_cast %get3A_821 : i32 to index
      %get3A_824 = arith.constant 0 : index
      %get3A_825 = tpu.vector_load %arg6[%get3A_822, %get3A_823, %get3A_824] {strides = array<i32>} : memref<80x2x128xi32, #tpu.memory_space<vmem>>, vector<16xi32>,
      %shift_right_logical3A_826 = arith.constant 4 : i32
      %shift_right_logical3A_827 = vector.broadcast %shift_right_logical3A_826 : i32 to vector<16xi32>
      %shift_right_logical3A_828 = arith.shrui %get3A_825, %shift_right_logical3A_827 : vector<16xi32>
      %and3A_829 = arith.constant 15 : i32
      %and3A_830 = vector.broadcast %and3A_829 : i32 to vector<16xi32>
      %and3A_831 = arith.andi %get3A_825, %and3A_830 : vector<16xi32>
      tpu.vector_store_idx %arg12[%shift_right_logical3A_828, %and3A_831], %broadcast_in_dim3A_3 {add = true} : memref<640x16xf32, #tpu.memory_space<vmem>>[vector<16xi32>, vector<16xi32>], vector<16xf32>,
      %get3A_832 = arith.constant 0 : i32
      %get3A_833 = arith.index_cast %add3A_806 : i32 to index
      %get3A_834 = arith.index_cast %get3A_832 : i32 to index
      %get3A_835 = arith.constant 16 : index
      %get3A_836 = tpu.vector_load %arg6[%get3A_833, %get3A_834, %get3A_835] {strides = array<i32>} : memref<80x2x128xi32, #tpu.memory_space<vmem>>, vector<16xi32>,
      %shift_right_logical3A_837 = arith.constant 4 : i32
      %shift_right_logical3A_838 = vector.broadcast %shift_right_logical3A_837 : i32 to vector<16xi32>
      %shift_right_logical3A_839 = arith.shrui %get3A_836, %shift_right_logical3A_838 : vector<16xi32>
      %and3A_840 = arith.constant 15 : i32
      %and3A_841 = vector.broadcast %and3A_840 : i32 to vector<16xi32>
      %and3A_842 = arith.andi %get3A_836, %and3A_841 : vector<16xi32>
      tpu.vector_store_idx %arg12[%shift_right_logical3A_839, %and3A_842], %broadcast_in_dim3A_3 {add = true} : memref<640x16xf32, #tpu.memory_space<vmem>>[vector<16xi32>, vector<16xi32>], vector<16xf32>,
      %get3A_843 = arith.constant 0 : i32
      %get3A_844 = arith.index_cast %add3A_806 : i32 to index
      %get3A_845 = arith.index_cast %get3A_843 : i32 to index
      %get3A_846 = arith.constant 32 : index
      %get3A_847 = tpu.vector_load %arg6[%get3A_844, %get3A_845, %get3A_846] {strides = array<i32>} : memref<80x2x128xi32, #tpu.memory_space<vmem>>, vector<16xi32>,
      %shift_right_logical3A_848 = arith.constant 4 : i32
      %shift_right_logical3A_849 = vector.broadcast %shift_right_logical3A_848 : i32 to vector<16xi32>
      %shift_right_logical3A_850 = arith.shrui %get3A_847, %shift_right_logical3A_849 : vector<16xi32>
      %and3A_851 = arith.constant 15 : i32
      %and3A_852 = vector.broadcast %and3A_851 : i32 to vector<16xi32>
      %and3A_853 = arith.andi %get3A_847, %and3A_852 : vector<16xi32>
      tpu.vector_store_idx %arg12[%shift_right_logical3A_850, %and3A_853], %broadcast_in_dim3A_3 {add = true} : memref<640x16xf32, #tpu.memory_space<vmem>>[vector<16xi32>, vector<16xi32>], vector<16xf32>,
      %get3A_854 = arith.constant 0 : i32
      %get3A_855 = arith.index_cast %add3A_806 : i32 to index
      %get3A_856 = arith.index_cast %get3A_854 : i32 to index
      %get3A_857 = arith.constant 48 : index
      %get3A_858 = tpu.vector_load %arg6[%get3A_855, %get3A_856, %get3A_857] {strides = array<i32>} : memref<80x2x128xi32, #tpu.memory_space<vmem>>, vector<16xi32>,
      %shift_right_logical3A_859 = arith.constant 4 : i32
      %shift_right_logical3A_860 = vector.broadcast %shift_right_logical3A_859 : i32 to vector<16xi32>
      %shift_right_logical3A_861 = arith.shrui %get3A_858, %shift_right_logical3A_860 : vector<16xi32>
      %and3A_862 = arith.constant 15 : i32
      %and3A_863 = vector.broadcast %and3A_862 : i32 to vector<16xi32>
      %and3A_864 = arith.andi %get3A_858, %and3A_863 : vector<16xi32>
      tpu.vector_store_idx %arg12[%shift_right_logical3A_861, %and3A_864], %broadcast_in_dim3A_3 {add = true} : memref<640x16xf32, #tpu.memory_space<vmem>>[vector<16xi32>, vector<16xi32>], vector<16xf32>,
      %get3A_865 = arith.constant 0 : i32
      %get3A_866 = arith.index_cast %add3A_806 : i32 to index
      %get3A_867 = arith.index_cast %get3A_865 : i32 to index
      %get3A_868 = arith.constant 64 : index
      %get3A_869 = tpu.vector_load %arg6[%get3A_866, %get3A_867, %get3A_868] {strides = array<i32>} : memref<80x2x128xi32, #tpu.memory_space<vmem>>, vector<16xi32>,
      %shift_right_logical3A_870 = arith.constant 4 : i32
      %shift_right_logical3A_871 = vector.broadcast %shift_right_logical3A_870 : i32 to vector<16xi32>
      %shift_right_logical3A_872 = arith.shrui %get3A_869, %shift_right_logical3A_871 : vector<16xi32>
      %and3A_873 = arith.constant 15 : i32
      %and3A_874 = vector.broadcast %and3A_873 : i32 to vector<16xi32>
      %and3A_875 = arith.andi %get3A_869, %and3A_874 : vector<16xi32>
      tpu.vector_store_idx %arg12[%shift_right_logical3A_872, %and3A_875], %broadcast_in_dim3A_3 {add = true} : memref<640x16xf32, #tpu.memory_space<vmem>>[vector<16xi32>, vector<16xi32>], vector<16xf32>,
      %get3A_876 = arith.constant 0 : i32
      %get3A_877 = arith.index_cast %add3A_806 : i32 to index
      %get3A_878 = arith.index_cast %get3A_876 : i32 to index
      %get3A_879 = arith.constant 80 : index
      %get3A_880 = tpu.vector_load %arg6[%get3A_877, %get3A_878, %get3A_879] {strides = array<i32>} : memref<80x2x128xi32, #tpu.memory_space<vmem>>, vector<16xi32>,
      %shift_right_logical3A_881 = arith.constant 4 : i32
      %shift_right_logical3A_882 = vector.broadcast %shift_right_logical3A_881 : i32 to vector<16xi32>
      %shift_right_logical3A_883 = arith.shrui %get3A_880, %shift_right_logical3A_882 : vector<16xi32>
      %and3A_884 = arith.constant 15 : i32
      %and3A_885 = vector.broadcast %and3A_884 : i32 to vector<16xi32>
      %and3A_886 = arith.andi %get3A_880, %and3A_885 : vector<16xi32>
      tpu.vector_store_idx %arg12[%shift_right_logical3A_883, %and3A_886], %broadcast_in_dim3A_3 {add = true} : memref<640x16xf32, #tpu.memory_space<vmem>>[vector<16xi32>, vector<16xi32>], vector<16xf32>,
      %get3A_887 = arith.constant 0 : i32
      %get3A_888 = arith.index_cast %add3A_806 : i32 to index
      %get3A_889 = arith.index_cast %get3A_887 : i32 to index
      %get3A_890 = arith.constant 96 : index
      %get3A_891 = tpu.vector_load %arg6[%get3A_888, %get3A_889, %get3A_890] {strides = array<i32>} : memref<80x2x128xi32, #tpu.memory_space<vmem>>, vector<16xi32>,
      %shift_right_logical3A_892 = arith.constant 4 : i32
      %shift_right_logical3A_893 = vector.broadcast %shift_right_logical3A_892 : i32 to vector<16xi32>
      %shift_right_logical3A_894 = arith.shrui %get3A_891, %shift_right_logical3A_893 : vector<16xi32>
      %and3A_895 = arith.constant 15 : i32
      %and3A_896 = vector.broadcast %and3A_895 : i32 to vector<16xi32>
      %and3A_897 = arith.andi %get3A_891, %and3A_896 : vector<16xi32>
      tpu.vector_store_idx %arg12[%shift_right_logical3A_894, %and3A_897], %broadcast_in_dim3A_3 {add = true} : memref<640x16xf32, #tpu.memory_space<vmem>>[vector<16xi32>, vector<16xi32>], vector<16xf32>,
      %get3A_898 = arith.constant 0 : i32
      %get3A_899 = arith.index_cast %add3A_806 : i32 to index
      %get3A_900 = arith.index_cast %get3A_898 : i32 to index
      %get3A_901 = arith.constant 112 : index
      %get3A_902 = tpu.vector_load %arg6[%get3A_899, %get3A_900, %get3A_901] {strides = array<i32>} : memref<80x2x128xi32, #tpu.memory_space<vmem>>, vector<16xi32>,
      %shift_right_logical3A_903 = arith.constant 4 : i32
      %shift_right_logical3A_904 = vector.broadcast %shift_right_logical3A_903 : i32 to vector<16xi32>
      %shift_right_logical3A_905 = arith.shrui %get3A_902, %shift_right_logical3A_904 : vector<16xi32>
      %and3A_906 = arith.constant 15 : i32
      %and3A_907 = vector.broadcast %and3A_906 : i32 to vector<16xi32>
      %and3A_908 = arith.andi %get3A_902, %and3A_907 : vector<16xi32>
      tpu.vector_store_idx %arg12[%shift_right_logical3A_905, %and3A_908], %broadcast_in_dim3A_3 {add = true} : memref<640x16xf32, #tpu.memory_space<vmem>>[vector<16xi32>, vector<16xi32>], vector<16xf32>,
      %sub3A_909 = arith.constant 1 : i32
      %sub3A_910 = arith.subi %add3A_806, %sub3A_909 : i32
      %max3A_911 = arith.constant 0 : i32
      %max3A_912 = arith.maxsi %sub3A_910, %max3A_911 : i32
      %dma_wait3A_913 = arith.constant 0 : i32
      %dma_wait3A_914 = arith.constant 0 : i32
      %dma_wait3A_915 = tpu.memref_slice %arg6[%max3A_912, %dma_wait3A_913, %dma_wait3A_914] : memref<80x2x128xi32, #tpu.memory_space<vmem>> -> memref<1x1x128xi32, #tpu.memory_space<vmem>>
      %dma_wait3A_916 = tpu.memref_squeeze %dma_wait3A_915 : memref<1x1x128xi32, #tpu.memory_space<vmem>> -> memref<128xi32, #tpu.memory_space<vmem>>
      %dma_wait3A_917 = arith.constant 0 : i32
      %dma_wait3A_918 = arith.constant 0 : i32
      %dma_wait3A_919 = tpu.memref_slice %arg16[%dma_wait3A_917, %dma_wait3A_918] : memref<10112x64xf32, #tpu.memory_space<vmem_shared>> -> memref<10112x64xf32, #tpu.memory_space<vmem_shared>>
      tpu.wait_indirect_dma semaphore(%arg24 : memref<!tpu.dma_semaphore, #tpu.memory_space<semaphore_mem>>) src(%arg8 : memref<128x64xf32, #tpu.memory_space<vmem>>) dst(%dma_wait3A_919 : memref<10112x64xf32, #tpu.memory_space<vmem_shared>>)
      %ge3A_920 = arith.constant 1 : i32
      %ge3A_921 = arith.cmpi sge, %add3A_806, %ge3A_920 : i32
      %add3A_922 = arith.constant 5 : i32
      %add3A_923 = arith.addi %add3A_806, %add3A_922 : i32
      %sub3A_924 = arith.constant 1 : i32
      %sub3A_925 = arith.subi %add3A_923, %sub3A_924 : i32
      %lt3A_926 = arith.constant 80 : i32
      %lt3A_927 = arith.cmpi slt, %sub3A_925, %lt3A_926 : i32
      %and3A_928 = arith.andi %ge3A_921, %lt3A_927 : i1
      %convert_element_type3A_929 = arith.extui %and3A_928 : i1 to i32
      %cond3A_930 = arith.constant 0 : i32
      %cond3A_931 = arith.cmpi ne, %convert_element_type3A_929, %cond3A_930 : i32
      scf.if %cond3A_931 {
        %add3A_1190 = arith.constant 5 : i32
        %add3A_1191 = arith.addi %add3A_806, %add3A_1190 : i32
        %sub3A_1192 = arith.constant 1 : i32
        %sub3A_1193 = arith.subi %add3A_1191, %sub3A_1192 : i32
        %dma_start3A_1194 = arith.constant 1 : i32
        %dma_start3A_1195 = arith.constant 0 : i32
        %dma_start3A_1196 = tpu.memref_slice %arg6[%sub3A_1193, %dma_start3A_1194, %dma_start3A_1195] : memref<80x2x128xi32, #tpu.memory_space<vmem>> -> memref<1x1x128xi32, #tpu.memory_space<vmem>>
        %dma_start3A_1197 = tpu.memref_squeeze %dma_start3A_1196 : memref<1x1x128xi32, #tpu.memory_space<vmem>> -> memref<128xi32, #tpu.memory_space<vmem>>
        %dma_start3A_1198 = arith.constant 0 : i32
        %dma_start3A_1199 = arith.constant 0 : i32
        %dma_start3A_1200 = tpu.memref_slice %arg2[%dma_start3A_1198, %dma_start3A_1199] : memref<10000x64xf32, #tpu.memory_space<hbm>> -> memref<10000x64xf32, #tpu.memory_space<hbm>>
        tpu.enqueue_indirect_dma source(%dma_start3A_1200 : memref<10000x64xf32, #tpu.memory_space<hbm>>) target(%arg8 : memref<128x64xf32, #tpu.memory_space<vmem>>) offsets(%dma_start3A_1197 : memref<128xi32, #tpu.memory_space<vmem>>) semaphore(%arg19 : memref<!tpu.dma_semaphore, #tpu.memory_space<semaphore_mem>>)
      } else {
      }
      %mul3A_932 = arith.constant 5 : i32
      %mul3A_933 = arith.muli %scan3A_552, %mul3A_932 : i32
      %add3A_934 = arith.constant 3 : i32
      %add3A_935 = arith.addi %mul3A_933, %add3A_934 : i32
      %dma_wait3A_936 = arith.constant 1 : i32
      %dma_wait3A_937 = arith.constant 0 : i32
      %dma_wait3A_938 = tpu.memref_slice %arg6[%add3A_935, %dma_wait3A_936, %dma_wait3A_937] : memref<80x2x128xi32, #tpu.memory_space<vmem>> -> memref<1x1x128xi32, #tpu.memory_space<vmem>>
      %dma_wait3A_939 = tpu.memref_squeeze %dma_wait3A_938 : memref<1x1x128xi32, #tpu.memory_space<vmem>> -> memref<128xi32, #tpu.memory_space<vmem>>
      %dma_wait3A_940 = arith.constant 0 : i32
      %dma_wait3A_941 = arith.constant 0 : i32
      %dma_wait3A_942 = tpu.memref_slice %arg2[%dma_wait3A_940, %dma_wait3A_941] : memref<10000x64xf32, #tpu.memory_space<hbm>> -> memref<10000x64xf32, #tpu.memory_space<hbm>>
      tpu.wait_indirect_dma semaphore(%arg21 : memref<!tpu.dma_semaphore, #tpu.memory_space<semaphore_mem>>) src(%dma_wait3A_942 : memref<10000x64xf32, #tpu.memory_space<hbm>>) dst(%arg10 : memref<128x64xf32, #tpu.memory_space<vmem>>)
      %dma_start3A_943 = arith.constant 0 : i32
      %dma_start3A_944 = arith.constant 0 : i32
      %dma_start3A_945 = tpu.memref_slice %arg6[%add3A_935, %dma_start3A_943, %dma_start3A_944] : memref<80x2x128xi32, #tpu.memory_space<vmem>> -> memref<1x1x128xi32, #tpu.memory_space<vmem>>
      %dma_start3A_946 = tpu.memref_squeeze %dma_start3A_945 : memref<1x1x128xi32, #tpu.memory_space<vmem>> -> memref<128xi32, #tpu.memory_space<vmem>>
      %dma_start3A_947 = arith.constant 0 : i32
      %dma_start3A_948 = arith.constant 0 : i32
      %dma_start3A_949 = tpu.memref_slice %arg16[%dma_start3A_947, %dma_start3A_948] : memref<10112x64xf32, #tpu.memory_space<vmem_shared>> -> memref<10112x64xf32, #tpu.memory_space<vmem_shared>>
      tpu.enqueue_indirect_dma source(%arg10 : memref<128x64xf32, #tpu.memory_space<vmem>>) target(%dma_start3A_949 : memref<10112x64xf32, #tpu.memory_space<vmem_shared>>) offsets(%dma_start3A_946 : memref<128xi32, #tpu.memory_space<vmem>>) semaphore(%arg26 : memref<!tpu.dma_semaphore, #tpu.memory_space<semaphore_mem>>) {add = true}
      %get3A_950 = arith.constant 0 : i32
      %get3A_951 = arith.index_cast %add3A_935 : i32 to index
      %get3A_952 = arith.index_cast %get3A_950 : i32 to index
      %get3A_953 = arith.constant 0 : index
      %get3A_954 = tpu.vector_load %arg6[%get3A_951, %get3A_952, %get3A_953] {strides = array<i32>} : memref<80x2x128xi32, #tpu.memory_space<vmem>>, vector<16xi32>,
      %shift_right_logical3A_955 = arith.constant 4 : i32
      %shift_right_logical3A_956 = vector.broadcast %shift_right_logical3A_955 : i32 to vector<16xi32>
      %shift_right_logical3A_957 = arith.shrui %get3A_954, %shift_right_logical3A_956 : vector<16xi32>
      %and3A_958 = arith.constant 15 : i32
      %and3A_959 = vector.broadcast %and3A_958 : i32 to vector<16xi32>
      %and3A_960 = arith.andi %get3A_954, %and3A_959 : vector<16xi32>
      tpu.vector_store_idx %arg12[%shift_right_logical3A_957, %and3A_960], %broadcast_in_dim3A_3 {add = true} : memref<640x16xf32, #tpu.memory_space<vmem>>[vector<16xi32>, vector<16xi32>], vector<16xf32>,
      %get3A_961 = arith.constant 0 : i32
      %get3A_962 = arith.index_cast %add3A_935 : i32 to index
      %get3A_963 = arith.index_cast %get3A_961 : i32 to index
      %get3A_964 = arith.constant 16 : index
      %get3A_965 = tpu.vector_load %arg6[%get3A_962, %get3A_963, %get3A_964] {strides = array<i32>} : memref<80x2x128xi32, #tpu.memory_space<vmem>>, vector<16xi32>,
      %shift_right_logical3A_966 = arith.constant 4 : i32
      %shift_right_logical3A_967 = vector.broadcast %shift_right_logical3A_966 : i32 to vector<16xi32>
      %shift_right_logical3A_968 = arith.shrui %get3A_965, %shift_right_logical3A_967 : vector<16xi32>
      %and3A_969 = arith.constant 15 : i32
      %and3A_970 = vector.broadcast %and3A_969 : i32 to vector<16xi32>
      %and3A_971 = arith.andi %get3A_965, %and3A_970 : vector<16xi32>
      tpu.vector_store_idx %arg12[%shift_right_logical3A_968, %and3A_971], %broadcast_in_dim3A_3 {add = true} : memref<640x16xf32, #tpu.memory_space<vmem>>[vector<16xi32>, vector<16xi32>], vector<16xf32>,
      %get3A_972 = arith.constant 0 : i32
      %get3A_973 = arith.index_cast %add3A_935 : i32 to index
      %get3A_974 = arith.index_cast %get3A_972 : i32 to index
      %get3A_975 = arith.constant 32 : index
      %get3A_976 = tpu.vector_load %arg6[%get3A_973, %get3A_974, %get3A_975] {strides = array<i32>} : memref<80x2x128xi32, #tpu.memory_space<vmem>>, vector<16xi32>,
      %shift_right_logical3A_977 = arith.constant 4 : i32
      %shift_right_logical3A_978 = vector.broadcast %shift_right_logical3A_977 : i32 to vector<16xi32>
      %shift_right_logical3A_979 = arith.shrui %get3A_976, %shift_right_logical3A_978 : vector<16xi32>
      %and3A_980 = arith.constant 15 : i32
      %and3A_981 = vector.broadcast %and3A_980 : i32 to vector<16xi32>
      %and3A_982 = arith.andi %get3A_976, %and3A_981 : vector<16xi32>
      tpu.vector_store_idx %arg12[%shift_right_logical3A_979, %and3A_982], %broadcast_in_dim3A_3 {add = true} : memref<640x16xf32, #tpu.memory_space<vmem>>[vector<16xi32>, vector<16xi32>], vector<16xf32>,
      %get3A_983 = arith.constant 0 : i32
      %get3A_984 = arith.index_cast %add3A_935 : i32 to index
      %get3A_985 = arith.index_cast %get3A_983 : i32 to index
      %get3A_986 = arith.constant 48 : index
      %get3A_987 = tpu.vector_load %arg6[%get3A_984, %get3A_985, %get3A_986] {strides = array<i32>} : memref<80x2x128xi32, #tpu.memory_space<vmem>>, vector<16xi32>,
      %shift_right_logical3A_988 = arith.constant 4 : i32
      %shift_right_logical3A_989 = vector.broadcast %shift_right_logical3A_988 : i32 to vector<16xi32>
      %shift_right_logical3A_990 = arith.shrui %get3A_987, %shift_right_logical3A_989 : vector<16xi32>
      %and3A_991 = arith.constant 15 : i32
      %and3A_992 = vector.broadcast %and3A_991 : i32 to vector<16xi32>
      %and3A_993 = arith.andi %get3A_987, %and3A_992 : vector<16xi32>
      tpu.vector_store_idx %arg12[%shift_right_logical3A_990, %and3A_993], %broadcast_in_dim3A_3 {add = true} : memref<640x16xf32, #tpu.memory_space<vmem>>[vector<16xi32>, vector<16xi32>], vector<16xf32>,
      %get3A_994 = arith.constant 0 : i32
      %get3A_995 = arith.index_cast %add3A_935 : i32 to index
      %get3A_996 = arith.index_cast %get3A_994 : i32 to index
      %get3A_997 = arith.constant 64 : index
      %get3A_998 = tpu.vector_load %arg6[%get3A_995, %get3A_996, %get3A_997] {strides = array<i32>} : memref<80x2x128xi32, #tpu.memory_space<vmem>>, vector<16xi32>,
      %shift_right_logical3A_999 = arith.constant 4 : i32
      %shift_right_logical3A_1000 = vector.broadcast %shift_right_logical3A_999 : i32 to vector<16xi32>
      %shift_right_logical3A_1001 = arith.shrui %get3A_998, %shift_right_logical3A_1000 : vector<16xi32>
      %and3A_1002 = arith.constant 15 : i32
      %and3A_1003 = vector.broadcast %and3A_1002 : i32 to vector<16xi32>
      %and3A_1004 = arith.andi %get3A_998, %and3A_1003 : vector<16xi32>
      tpu.vector_store_idx %arg12[%shift_right_logical3A_1001, %and3A_1004], %broadcast_in_dim3A_3 {add = true} : memref<640x16xf32, #tpu.memory_space<vmem>>[vector<16xi32>, vector<16xi32>], vector<16xf32>,
      %get3A_1005 = arith.constant 0 : i32
      %get3A_1006 = arith.index_cast %add3A_935 : i32 to index
      %get3A_1007 = arith.index_cast %get3A_1005 : i32 to index
      %get3A_1008 = arith.constant 80 : index
      %get3A_1009 = tpu.vector_load %arg6[%get3A_1006, %get3A_1007, %get3A_1008] {strides = array<i32>} : memref<80x2x128xi32, #tpu.memory_space<vmem>>, vector<16xi32>,
      %shift_right_logical3A_1010 = arith.constant 4 : i32
      %shift_right_logical3A_1011 = vector.broadcast %shift_right_logical3A_1010 : i32 to vector<16xi32>
      %shift_right_logical3A_1012 = arith.shrui %get3A_1009, %shift_right_logical3A_1011 : vector<16xi32>
      %and3A_1013 = arith.constant 15 : i32
      %and3A_1014 = vector.broadcast %and3A_1013 : i32 to vector<16xi32>
      %and3A_1015 = arith.andi %get3A_1009, %and3A_1014 : vector<16xi32>
      tpu.vector_store_idx %arg12[%shift_right_logical3A_1012, %and3A_1015], %broadcast_in_dim3A_3 {add = true} : memref<640x16xf32, #tpu.memory_space<vmem>>[vector<16xi32>, vector<16xi32>], vector<16xf32>,
      %get3A_1016 = arith.constant 0 : i32
      %get3A_1017 = arith.index_cast %add3A_935 : i32 to index
      %get3A_1018 = arith.index_cast %get3A_1016 : i32 to index
      %get3A_1019 = arith.constant 96 : index
      %get3A_1020 = tpu.vector_load %arg6[%get3A_1017, %get3A_1018, %get3A_1019] {strides = array<i32>} : memref<80x2x128xi32, #tpu.memory_space<vmem>>, vector<16xi32>,
      %shift_right_logical3A_1021 = arith.constant 4 : i32
      %shift_right_logical3A_1022 = vector.broadcast %shift_right_logical3A_1021 : i32 to vector<16xi32>
      %shift_right_logical3A_1023 = arith.shrui %get3A_1020, %shift_right_logical3A_1022 : vector<16xi32>
      %and3A_1024 = arith.constant 15 : i32
      %and3A_1025 = vector.broadcast %and3A_1024 : i32 to vector<16xi32>
      %and3A_1026 = arith.andi %get3A_1020, %and3A_1025 : vector<16xi32>
      tpu.vector_store_idx %arg12[%shift_right_logical3A_1023, %and3A_1026], %broadcast_in_dim3A_3 {add = true} : memref<640x16xf32, #tpu.memory_space<vmem>>[vector<16xi32>, vector<16xi32>], vector<16xf32>,
      %get3A_1027 = arith.constant 0 : i32
      %get3A_1028 = arith.index_cast %add3A_935 : i32 to index
      %get3A_1029 = arith.index_cast %get3A_1027 : i32 to index
      %get3A_1030 = arith.constant 112 : index
      %get3A_1031 = tpu.vector_load %arg6[%get3A_1028, %get3A_1029, %get3A_1030] {strides = array<i32>} : memref<80x2x128xi32, #tpu.memory_space<vmem>>, vector<16xi32>,
      %shift_right_logical3A_1032 = arith.constant 4 : i32
      %shift_right_logical3A_1033 = vector.broadcast %shift_right_logical3A_1032 : i32 to vector<16xi32>
      %shift_right_logical3A_1034 = arith.shrui %get3A_1031, %shift_right_logical3A_1033 : vector<16xi32>
      %and3A_1035 = arith.constant 15 : i32
      %and3A_1036 = vector.broadcast %and3A_1035 : i32 to vector<16xi32>
      %and3A_1037 = arith.andi %get3A_1031, %and3A_1036 : vector<16xi32>
      tpu.vector_store_idx %arg12[%shift_right_logical3A_1034, %and3A_1037], %broadcast_in_dim3A_3 {add = true} : memref<640x16xf32, #tpu.memory_space<vmem>>[vector<16xi32>, vector<16xi32>], vector<16xf32>,
      %sub3A_1038 = arith.constant 1 : i32
      %sub3A_1039 = arith.subi %add3A_935, %sub3A_1038 : i32
      %max3A_1040 = arith.constant 0 : i32
      %max3A_1041 = arith.maxsi %sub3A_1039, %max3A_1040 : i32
      %dma_wait3A_1042 = arith.constant 0 : i32
      %dma_wait3A_1043 = arith.constant 0 : i32
      %dma_wait3A_1044 = tpu.memref_slice %arg6[%max3A_1041, %dma_wait3A_1042, %dma_wait3A_1043] : memref<80x2x128xi32, #tpu.memory_space<vmem>> -> memref<1x1x128xi32, #tpu.memory_space<vmem>>
      %dma_wait3A_1045 = tpu.memref_squeeze %dma_wait3A_1044 : memref<1x1x128xi32, #tpu.memory_space<vmem>> -> memref<128xi32, #tpu.memory_space<vmem>>
      %dma_wait3A_1046 = arith.constant 0 : i32
      %dma_wait3A_1047 = arith.constant 0 : i32
      %dma_wait3A_1048 = tpu.memref_slice %arg16[%dma_wait3A_1046, %dma_wait3A_1047] : memref<10112x64xf32, #tpu.memory_space<vmem_shared>> -> memref<10112x64xf32, #tpu.memory_space<vmem_shared>>
      tpu.wait_indirect_dma semaphore(%arg25 : memref<!tpu.dma_semaphore, #tpu.memory_space<semaphore_mem>>) src(%arg9 : memref<128x64xf32, #tpu.memory_space<vmem>>) dst(%dma_wait3A_1048 : memref<10112x64xf32, #tpu.memory_space<vmem_shared>>)
      %ge3A_1049 = arith.constant 1 : i32
      %ge3A_1050 = arith.cmpi sge, %add3A_935, %ge3A_1049 : i32
      %add3A_1051 = arith.constant 5 : i32
      %add3A_1052 = arith.addi %add3A_935, %add3A_1051 : i32
      %sub3A_1053 = arith.constant 1 : i32
      %sub3A_1054 = arith.subi %add3A_1052, %sub3A_1053 : i32
      %lt3A_1055 = arith.constant 80 : i32
      %lt3A_1056 = arith.cmpi slt, %sub3A_1054, %lt3A_1055 : i32
      %and3A_1057 = arith.andi %ge3A_1050, %lt3A_1056 : i1
      %convert_element_type3A_1058 = arith.extui %and3A_1057 : i1 to i32
      %cond3A_1059 = arith.constant 0 : i32
      %cond3A_1060 = arith.cmpi ne, %convert_element_type3A_1058, %cond3A_1059 : i32
      scf.if %cond3A_1060 {
        %add3A_1190 = arith.constant 5 : i32
        %add3A_1191 = arith.addi %add3A_935, %add3A_1190 : i32
        %sub3A_1192 = arith.constant 1 : i32
        %sub3A_1193 = arith.subi %add3A_1191, %sub3A_1192 : i32
        %dma_start3A_1194 = arith.constant 1 : i32
        %dma_start3A_1195 = arith.constant 0 : i32
        %dma_start3A_1196 = tpu.memref_slice %arg6[%sub3A_1193, %dma_start3A_1194, %dma_start3A_1195] : memref<80x2x128xi32, #tpu.memory_space<vmem>> -> memref<1x1x128xi32, #tpu.memory_space<vmem>>
        %dma_start3A_1197 = tpu.memref_squeeze %dma_start3A_1196 : memref<1x1x128xi32, #tpu.memory_space<vmem>> -> memref<128xi32, #tpu.memory_space<vmem>>
        %dma_start3A_1198 = arith.constant 0 : i32
        %dma_start3A_1199 = arith.constant 0 : i32
        %dma_start3A_1200 = tpu.memref_slice %arg2[%dma_start3A_1198, %dma_start3A_1199] : memref<10000x64xf32, #tpu.memory_space<hbm>> -> memref<10000x64xf32, #tpu.memory_space<hbm>>
        tpu.enqueue_indirect_dma source(%dma_start3A_1200 : memref<10000x64xf32, #tpu.memory_space<hbm>>) target(%arg9 : memref<128x64xf32, #tpu.memory_space<vmem>>) offsets(%dma_start3A_1197 : memref<128xi32, #tpu.memory_space<vmem>>) semaphore(%arg20 : memref<!tpu.dma_semaphore, #tpu.memory_space<semaphore_mem>>)
      } else {
      }
      %mul3A_1061 = arith.constant 5 : i32
      %mul3A_1062 = arith.muli %scan3A_552, %mul3A_1061 : i32
      %add3A_1063 = arith.constant 4 : i32
      %add3A_1064 = arith.addi %mul3A_1062, %add3A_1063 : i32
      %dma_wait3A_1065 = arith.constant 1 : i32
      %dma_wait3A_1066 = arith.constant 0 : i32
      %dma_wait3A_1067 = tpu.memref_slice %arg6[%add3A_1064, %dma_wait3A_1065, %dma_wait3A_1066] : memref<80x2x128xi32, #tpu.memory_space<vmem>> -> memref<1x1x128xi32, #tpu.memory_space<vmem>>
      %dma_wait3A_1068 = tpu.memref_squeeze %dma_wait3A_1067 : memref<1x1x128xi32, #tpu.memory_space<vmem>> -> memref<128xi32, #tpu.memory_space<vmem>>
      %dma_wait3A_1069 = arith.constant 0 : i32
      %dma_wait3A_1070 = arith.constant 0 : i32
      %dma_wait3A_1071 = tpu.memref_slice %arg2[%dma_wait3A_1069, %dma_wait3A_1070] : memref<10000x64xf32, #tpu.memory_space<hbm>> -> memref<10000x64xf32, #tpu.memory_space<hbm>>
      tpu.wait_indirect_dma semaphore(%arg22 : memref<!tpu.dma_semaphore, #tpu.memory_space<semaphore_mem>>) src(%dma_wait3A_1071 : memref<10000x64xf32, #tpu.memory_space<hbm>>) dst(%arg11 : memref<128x64xf32, #tpu.memory_space<vmem>>)
      %dma_start3A_1072 = arith.constant 0 : i32
      %dma_start3A_1073 = arith.constant 0 : i32
      %dma_start3A_1074 = tpu.memref_slice %arg6[%add3A_1064, %dma_start3A_1072, %dma_start3A_1073] : memref<80x2x128xi32, #tpu.memory_space<vmem>> -> memref<1x1x128xi32, #tpu.memory_space<vmem>>
      %dma_start3A_1075 = tpu.memref_squeeze %dma_start3A_1074 : memref<1x1x128xi32, #tpu.memory_space<vmem>> -> memref<128xi32, #tpu.memory_space<vmem>>
      %dma_start3A_1076 = arith.constant 0 : i32
      %dma_start3A_1077 = arith.constant 0 : i32
      %dma_start3A_1078 = tpu.memref_slice %arg16[%dma_start3A_1076, %dma_start3A_1077] : memref<10112x64xf32, #tpu.memory_space<vmem_shared>> -> memref<10112x64xf32, #tpu.memory_space<vmem_shared>>
      tpu.enqueue_indirect_dma source(%arg11 : memref<128x64xf32, #tpu.memory_space<vmem>>) target(%dma_start3A_1078 : memref<10112x64xf32, #tpu.memory_space<vmem_shared>>) offsets(%dma_start3A_1075 : memref<128xi32, #tpu.memory_space<vmem>>) semaphore(%arg27 : memref<!tpu.dma_semaphore, #tpu.memory_space<semaphore_mem>>) {add = true}
      %get3A_1079 = arith.constant 0 : i32
      %get3A_1080 = arith.index_cast %add3A_1064 : i32 to index
      %get3A_1081 = arith.index_cast %get3A_1079 : i32 to index
      %get3A_1082 = arith.constant 0 : index
      %get3A_1083 = tpu.vector_load %arg6[%get3A_1080, %get3A_1081, %get3A_1082] {strides = array<i32>} : memref<80x2x128xi32, #tpu.memory_space<vmem>>, vector<16xi32>,
      %shift_right_logical3A_1084 = arith.constant 4 : i32
      %shift_right_logical3A_1085 = vector.broadcast %shift_right_logical3A_1084 : i32 to vector<16xi32>
      %shift_right_logical3A_1086 = arith.shrui %get3A_1083, %shift_right_logical3A_1085 : vector<16xi32>
      %and3A_1087 = arith.constant 15 : i32
      %and3A_1088 = vector.broadcast %and3A_1087 : i32 to vector<16xi32>
      %and3A_1089 = arith.andi %get3A_1083, %and3A_1088 : vector<16xi32>
      tpu.vector_store_idx %arg12[%shift_right_logical3A_1086, %and3A_1089], %broadcast_in_dim3A_3 {add = true} : memref<640x16xf32, #tpu.memory_space<vmem>>[vector<16xi32>, vector<16xi32>], vector<16xf32>,
      %get3A_1090 = arith.constant 0 : i32
      %get3A_1091 = arith.index_cast %add3A_1064 : i32 to index
      %get3A_1092 = arith.index_cast %get3A_1090 : i32 to index
      %get3A_1093 = arith.constant 16 : index
      %get3A_1094 = tpu.vector_load %arg6[%get3A_1091, %get3A_1092, %get3A_1093] {strides = array<i32>} : memref<80x2x128xi32, #tpu.memory_space<vmem>>, vector<16xi32>,
      %shift_right_logical3A_1095 = arith.constant 4 : i32
      %shift_right_logical3A_1096 = vector.broadcast %shift_right_logical3A_1095 : i32 to vector<16xi32>
      %shift_right_logical3A_1097 = arith.shrui %get3A_1094, %shift_right_logical3A_1096 : vector<16xi32>
      %and3A_1098 = arith.constant 15 : i32
      %and3A_1099 = vector.broadcast %and3A_1098 : i32 to vector<16xi32>
      %and3A_1100 = arith.andi %get3A_1094, %and3A_1099 : vector<16xi32>
      tpu.vector_store_idx %arg12[%shift_right_logical3A_1097, %and3A_1100], %broadcast_in_dim3A_3 {add = true} : memref<640x16xf32, #tpu.memory_space<vmem>>[vector<16xi32>, vector<16xi32>], vector<16xf32>,
      %get3A_1101 = arith.constant 0 : i32
      %get3A_1102 = arith.index_cast %add3A_1064 : i32 to index
      %get3A_1103 = arith.index_cast %get3A_1101 : i32 to index
      %get3A_1104 = arith.constant 32 : index
      %get3A_1105 = tpu.vector_load %arg6[%get3A_1102, %get3A_1103, %get3A_1104] {strides = array<i32>} : memref<80x2x128xi32, #tpu.memory_space<vmem>>, vector<16xi32>,
      %shift_right_logical3A_1106 = arith.constant 4 : i32
      %shift_right_logical3A_1107 = vector.broadcast %shift_right_logical3A_1106 : i32 to vector<16xi32>
      %shift_right_logical3A_1108 = arith.shrui %get3A_1105, %shift_right_logical3A_1107 : vector<16xi32>
      %and3A_1109 = arith.constant 15 : i32
      %and3A_1110 = vector.broadcast %and3A_1109 : i32 to vector<16xi32>
      %and3A_1111 = arith.andi %get3A_1105, %and3A_1110 : vector<16xi32>
      tpu.vector_store_idx %arg12[%shift_right_logical3A_1108, %and3A_1111], %broadcast_in_dim3A_3 {add = true} : memref<640x16xf32, #tpu.memory_space<vmem>>[vector<16xi32>, vector<16xi32>], vector<16xf32>,
      %get3A_1112 = arith.constant 0 : i32
      %get3A_1113 = arith.index_cast %add3A_1064 : i32 to index
      %get3A_1114 = arith.index_cast %get3A_1112 : i32 to index
      %get3A_1115 = arith.constant 48 : index
      %get3A_1116 = tpu.vector_load %arg6[%get3A_1113, %get3A_1114, %get3A_1115] {strides = array<i32>} : memref<80x2x128xi32, #tpu.memory_space<vmem>>, vector<16xi32>,
      %shift_right_logical3A_1117 = arith.constant 4 : i32
      %shift_right_logical3A_1118 = vector.broadcast %shift_right_logical3A_1117 : i32 to vector<16xi32>
      %shift_right_logical3A_1119 = arith.shrui %get3A_1116, %shift_right_logical3A_1118 : vector<16xi32>
      %and3A_1120 = arith.constant 15 : i32
      %and3A_1121 = vector.broadcast %and3A_1120 : i32 to vector<16xi32>
      %and3A_1122 = arith.andi %get3A_1116, %and3A_1121 : vector<16xi32>
      tpu.vector_store_idx %arg12[%shift_right_logical3A_1119, %and3A_1122], %broadcast_in_dim3A_3 {add = true} : memref<640x16xf32, #tpu.memory_space<vmem>>[vector<16xi32>, vector<16xi32>], vector<16xf32>,
      %get3A_1123 = arith.constant 0 : i32
      %get3A_1124 = arith.index_cast %add3A_1064 : i32 to index
      %get3A_1125 = arith.index_cast %get3A_1123 : i32 to index
      %get3A_1126 = arith.constant 64 : index
      %get3A_1127 = tpu.vector_load %arg6[%get3A_1124, %get3A_1125, %get3A_1126] {strides = array<i32>} : memref<80x2x128xi32, #tpu.memory_space<vmem>>, vector<16xi32>,
      %shift_right_logical3A_1128 = arith.constant 4 : i32
      %shift_right_logical3A_1129 = vector.broadcast %shift_right_logical3A_1128 : i32 to vector<16xi32>
      %shift_right_logical3A_1130 = arith.shrui %get3A_1127, %shift_right_logical3A_1129 : vector<16xi32>
      %and3A_1131 = arith.constant 15 : i32
      %and3A_1132 = vector.broadcast %and3A_1131 : i32 to vector<16xi32>
      %and3A_1133 = arith.andi %get3A_1127, %and3A_1132 : vector<16xi32>
      tpu.vector_store_idx %arg12[%shift_right_logical3A_1130, %and3A_1133], %broadcast_in_dim3A_3 {add = true} : memref<640x16xf32, #tpu.memory_space<vmem>>[vector<16xi32>, vector<16xi32>], vector<16xf32>,
      %get3A_1134 = arith.constant 0 : i32
      %get3A_1135 = arith.index_cast %add3A_1064 : i32 to index
      %get3A_1136 = arith.index_cast %get3A_1134 : i32 to index
      %get3A_1137 = arith.constant 80 : index
      %get3A_1138 = tpu.vector_load %arg6[%get3A_1135, %get3A_1136, %get3A_1137] {strides = array<i32>} : memref<80x2x128xi32, #tpu.memory_space<vmem>>, vector<16xi32>,
      %shift_right_logical3A_1139 = arith.constant 4 : i32
      %shift_right_logical3A_1140 = vector.broadcast %shift_right_logical3A_1139 : i32 to vector<16xi32>
      %shift_right_logical3A_1141 = arith.shrui %get3A_1138, %shift_right_logical3A_1140 : vector<16xi32>
      %and3A_1142 = arith.constant 15 : i32
      %and3A_1143 = vector.broadcast %and3A_1142 : i32 to vector<16xi32>
      %and3A_1144 = arith.andi %get3A_1138, %and3A_1143 : vector<16xi32>
      tpu.vector_store_idx %arg12[%shift_right_logical3A_1141, %and3A_1144], %broadcast_in_dim3A_3 {add = true} : memref<640x16xf32, #tpu.memory_space<vmem>>[vector<16xi32>, vector<16xi32>], vector<16xf32>,
      %get3A_1145 = arith.constant 0 : i32
      %get3A_1146 = arith.index_cast %add3A_1064 : i32 to index
      %get3A_1147 = arith.index_cast %get3A_1145 : i32 to index
      %get3A_1148 = arith.constant 96 : index
      %get3A_1149 = tpu.vector_load %arg6[%get3A_1146, %get3A_1147, %get3A_1148] {strides = array<i32>} : memref<80x2x128xi32, #tpu.memory_space<vmem>>, vector<16xi32>,
      %shift_right_logical3A_1150 = arith.constant 4 : i32
      %shift_right_logical3A_1151 = vector.broadcast %shift_right_logical3A_1150 : i32 to vector<16xi32>
      %shift_right_logical3A_1152 = arith.shrui %get3A_1149, %shift_right_logical3A_1151 : vector<16xi32>
      %and3A_1153 = arith.constant 15 : i32
      %and3A_1154 = vector.broadcast %and3A_1153 : i32 to vector<16xi32>
      %and3A_1155 = arith.andi %get3A_1149, %and3A_1154 : vector<16xi32>
      tpu.vector_store_idx %arg12[%shift_right_logical3A_1152, %and3A_1155], %broadcast_in_dim3A_3 {add = true} : memref<640x16xf32, #tpu.memory_space<vmem>>[vector<16xi32>, vector<16xi32>], vector<16xf32>,
      %get3A_1156 = arith.constant 0 : i32
      %get3A_1157 = arith.index_cast %add3A_1064 : i32 to index
      %get3A_1158 = arith.index_cast %get3A_1156 : i32 to index
      %get3A_1159 = arith.constant 112 : index
      %get3A_1160 = tpu.vector_load %arg6[%get3A_1157, %get3A_1158, %get3A_1159] {strides = array<i32>} : memref<80x2x128xi32, #tpu.memory_space<vmem>>, vector<16xi32>,
      %shift_right_logical3A_1161 = arith.constant 4 : i32
      %shift_right_logical3A_1162 = vector.broadcast %shift_right_logical3A_1161 : i32 to vector<16xi32>
      %shift_right_logical3A_1163 = arith.shrui %get3A_1160, %shift_right_logical3A_1162 : vector<16xi32>
      %and3A_1164 = arith.constant 15 : i32
      %and3A_1165 = vector.broadcast %and3A_1164 : i32 to vector<16xi32>
      %and3A_1166 = arith.andi %get3A_1160, %and3A_1165 : vector<16xi32>
      tpu.vector_store_idx %arg12[%shift_right_logical3A_1163, %and3A_1166], %broadcast_in_dim3A_3 {add = true} : memref<640x16xf32, #tpu.memory_space<vmem>>[vector<16xi32>, vector<16xi32>], vector<16xf32>,
      %sub3A_1167 = arith.constant 1 : i32
      %sub3A_1168 = arith.subi %add3A_1064, %sub3A_1167 : i32
      %max3A_1169 = arith.constant 0 : i32
      %max3A_1170 = arith.maxsi %sub3A_1168, %max3A_1169 : i32
      %dma_wait3A_1171 = arith.constant 0 : i32
      %dma_wait3A_1172 = arith.constant 0 : i32
      %dma_wait3A_1173 = tpu.memref_slice %arg6[%max3A_1170, %dma_wait3A_1171, %dma_wait3A_1172] : memref<80x2x128xi32, #tpu.memory_space<vmem>> -> memref<1x1x128xi32, #tpu.memory_space<vmem>>
      %dma_wait3A_1174 = tpu.memref_squeeze %dma_wait3A_1173 : memref<1x1x128xi32, #tpu.memory_space<vmem>> -> memref<128xi32, #tpu.memory_space<vmem>>
      %dma_wait3A_1175 = arith.constant 0 : i32
      %dma_wait3A_1176 = arith.constant 0 : i32
      %dma_wait3A_1177 = tpu.memref_slice %arg16[%dma_wait3A_1175, %dma_wait3A_1176] : memref<10112x64xf32, #tpu.memory_space<vmem_shared>> -> memref<10112x64xf32, #tpu.memory_space<vmem_shared>>
      tpu.wait_indirect_dma semaphore(%arg26 : memref<!tpu.dma_semaphore, #tpu.memory_space<semaphore_mem>>) src(%arg10 : memref<128x64xf32, #tpu.memory_space<vmem>>) dst(%dma_wait3A_1177 : memref<10112x64xf32, #tpu.memory_space<vmem_shared>>)
      %ge3A_1178 = arith.constant 1 : i32
      %ge3A_1179 = arith.cmpi sge, %add3A_1064, %ge3A_1178 : i32
      %add3A_1180 = arith.constant 5 : i32
      %add3A_1181 = arith.addi %add3A_1064, %add3A_1180 : i32
      %sub3A_1182 = arith.constant 1 : i32
      %sub3A_1183 = arith.subi %add3A_1181, %sub3A_1182 : i32
      %lt3A_1184 = arith.constant 80 : i32
      %lt3A_1185 = arith.cmpi slt, %sub3A_1183, %lt3A_1184 : i32
      %and3A_1186 = arith.andi %ge3A_1179, %lt3A_1185 : i1
      %convert_element_type3A_1187 = arith.extui %and3A_1186 : i1 to i32
      %cond3A_1188 = arith.constant 0 : i32
      %cond3A_1189 = arith.cmpi ne, %convert_element_type3A_1187, %cond3A_1188 : i32
      scf.if %cond3A_1189 {
        %add3A_1190 = arith.constant 5 : i32
        %add3A_1191 = arith.addi %add3A_1064, %add3A_1190 : i32
        %sub3A_1192 = arith.constant 1 : i32
        %sub3A_1193 = arith.subi %add3A_1191, %sub3A_1192 : i32
        %dma_start3A_1194 = arith.constant 1 : i32
        %dma_start3A_1195 = arith.constant 0 : i32
        %dma_start3A_1196 = tpu.memref_slice %arg6[%sub3A_1193, %dma_start3A_1194, %dma_start3A_1195] : memref<80x2x128xi32, #tpu.memory_space<vmem>> -> memref<1x1x128xi32, #tpu.memory_space<vmem>>
        %dma_start3A_1197 = tpu.memref_squeeze %dma_start3A_1196 : memref<1x1x128xi32, #tpu.memory_space<vmem>> -> memref<128xi32, #tpu.memory_space<vmem>>
        %dma_start3A_1198 = arith.constant 0 : i32
        %dma_start3A_1199 = arith.constant 0 : i32
        %dma_start3A_1200 = tpu.memref_slice %arg2[%dma_start3A_1198, %dma_start3A_1199] : memref<10000x64xf32, #tpu.memory_space<hbm>> -> memref<10000x64xf32, #tpu.memory_space<hbm>>
        tpu.enqueue_indirect_dma source(%dma_start3A_1200 : memref<10000x64xf32, #tpu.memory_space<hbm>>) target(%arg10 : memref<128x64xf32, #tpu.memory_space<vmem>>) offsets(%dma_start3A_1197 : memref<128xi32, #tpu.memory_space<vmem>>) semaphore(%arg21 : memref<!tpu.dma_semaphore, #tpu.memory_space<semaphore_mem>>)
      } else {
      }
    }
    %scan3A_518 = arith.constant 16 : i32
    %dma_wait3A = arith.constant 79 : i32
    %dma_wait3A_519 = arith.constant 0 : i32
    %dma_wait3A_520 = arith.constant 0 : i32
    %dma_wait3A_521 = tpu.memref_slice %arg6[%dma_wait3A, %dma_wait3A_519, %dma_wait3A_520] : memref<80x2x128xi32, #tpu.memory_space<vmem>> -> memref<1x1x128xi32, #tpu.memory_space<vmem>>
    %dma_wait3A_522 = tpu.memref_squeeze %dma_wait3A_521 : memref<1x1x128xi32, #tpu.memory_space<vmem>> -> memref<128xi32, #tpu.memory_space<vmem>>
    %dma_wait3A_523 = arith.constant 0 : i32
    %dma_wait3A_524 = arith.constant 0 : i32
    %dma_wait3A_525 = tpu.memref_slice %arg16[%dma_wait3A_523, %dma_wait3A_524] : memref<10112x64xf32, #tpu.memory_space<vmem_shared>> -> memref<10112x64xf32, #tpu.memory_space<vmem_shared>>
    tpu.wait_indirect_dma semaphore(%arg27 : memref<!tpu.dma_semaphore, #tpu.memory_space<semaphore_mem>>) src(%arg11 : memref<128x64xf32, #tpu.memory_space<vmem>>) dst(%dma_wait3A_525 : memref<10112x64xf32, #tpu.memory_space<vmem_shared>>)
    %run_scoped3A = arith.constant 0 : i32
    "tpu.region"() ({
      %run_scoped3A_552 = tpu.sem_alloc : memref<!tpu.dma_semaphore, #tpu.memory_space<semaphore_mem>>
      %dma_start3A_553 = arith.constant 0 : i32
      %dma_start3A_554 = arith.constant 0 : i32
      %dma_start3A_555 = tpu.memref_slice %arg12[%dma_start3A_553, %dma_start3A_554] : memref<640x16xf32, #tpu.memory_space<vmem>> -> memref<128x16xf32, #tpu.memory_space<vmem>>
      %dma_start3A_556 = arith.constant 0 : i32
      %dma_start3A_557 = tpu.memref_slice %arg13[%run_scoped3A, %dma_start3A_556] : memref<5x128xi32, #tpu.memory_space<vmem>> -> memref<1x128xi32, #tpu.memory_space<vmem>>
      %dma_start3A_558 = tpu.memref_squeeze %dma_start3A_557 : memref<1x128xi32, #tpu.memory_space<vmem>> -> memref<128xi32, #tpu.memory_space<vmem>>
      %dma_start3A_559 = arith.constant 0 : i32
      %dma_start3A_560 = arith.constant 0 : i32
      %dma_start3A_561 = tpu.memref_slice %arg17[%dma_start3A_559, %dma_start3A_560] : memref<640x16xf32, #tpu.memory_space<vmem_shared>> -> memref<640x16xf32, #tpu.memory_space<vmem_shared>>
      tpu.enqueue_indirect_dma source(%dma_start3A_555 : memref<128x16xf32, #tpu.memory_space<vmem>>) target(%dma_start3A_561 : memref<640x16xf32, #tpu.memory_space<vmem_shared>>) offsets(%dma_start3A_558 : memref<128xi32, #tpu.memory_space<vmem>>) semaphore(%run_scoped3A_552 : memref<!tpu.dma_semaphore, #tpu.memory_space<semaphore_mem>>) {add = true}
      %dma_wait3A_562 = arith.constant 0 : i32
      %dma_wait3A_563 = arith.constant 0 : i32
      %dma_wait3A_564 = tpu.memref_slice %arg12[%dma_wait3A_562, %dma_wait3A_563] : memref<640x16xf32, #tpu.memory_space<vmem>> -> memref<128x16xf32, #tpu.memory_space<vmem>>
      %dma_wait3A_565 = arith.constant 0 : i32
      %dma_wait3A_566 = tpu.memref_slice %arg13[%run_scoped3A, %dma_wait3A_565] : memref<5x128xi32, #tpu.memory_space<vmem>> -> memref<1x128xi32, #tpu.memory_space<vmem>>
      %dma_wait3A_567 = tpu.memref_squeeze %dma_wait3A_566 : memref<1x128xi32, #tpu.memory_space<vmem>> -> memref<128xi32, #tpu.memory_space<vmem>>
      %dma_wait3A_568 = arith.constant 0 : i32
      %dma_wait3A_569 = arith.constant 0 : i32
      %dma_wait3A_570 = tpu.memref_slice %arg17[%dma_wait3A_568, %dma_wait3A_569] : memref<640x16xf32, #tpu.memory_space<vmem_shared>> -> memref<640x16xf32, #tpu.memory_space<vmem_shared>>
      tpu.wait_indirect_dma semaphore(%run_scoped3A_552 : memref<!tpu.dma_semaphore, #tpu.memory_space<semaphore_mem>>) src(%dma_wait3A_564 : memref<128x16xf32, #tpu.memory_space<vmem>>) dst(%dma_wait3A_570 : memref<640x16xf32, #tpu.memory_space<vmem_shared>>)
      tpu.yield
    }) : () -> ()
    %run_scoped3A_526 = arith.constant 1 : i32
    "tpu.region"() ({
      %run_scoped3A_552 = tpu.sem_alloc : memref<!tpu.dma_semaphore, #tpu.memory_space<semaphore_mem>>
      %dma_start3A_553 = arith.constant 128 : i32
      %dma_start3A_554 = arith.constant 0 : i32
      %dma_start3A_555 = tpu.memref_slice %arg12[%dma_start3A_553, %dma_start3A_554] : memref<640x16xf32, #tpu.memory_space<vmem>> -> memref<128x16xf32, #tpu.memory_space<vmem>>
      %dma_start3A_556 = arith.constant 0 : i32
      %dma_start3A_557 = tpu.memref_slice %arg13[%run_scoped3A_526, %dma_start3A_556] : memref<5x128xi32, #tpu.memory_space<vmem>> -> memref<1x128xi32, #tpu.memory_space<vmem>>
      %dma_start3A_558 = tpu.memref_squeeze %dma_start3A_557 : memref<1x128xi32, #tpu.memory_space<vmem>> -> memref<128xi32, #tpu.memory_space<vmem>>
      %dma_start3A_559 = arith.constant 0 : i32
      %dma_start3A_560 = arith.constant 0 : i32
      %dma_start3A_561 = tpu.memref_slice %arg17[%dma_start3A_559, %dma_start3A_560] : memref<640x16xf32, #tpu.memory_space<vmem_shared>> -> memref<640x16xf32, #tpu.memory_space<vmem_shared>>
      tpu.enqueue_indirect_dma source(%dma_start3A_555 : memref<128x16xf32, #tpu.memory_space<vmem>>) target(%dma_start3A_561 : memref<640x16xf32, #tpu.memory_space<vmem_shared>>) offsets(%dma_start3A_558 : memref<128xi32, #tpu.memory_space<vmem>>) semaphore(%run_scoped3A_552 : memref<!tpu.dma_semaphore, #tpu.memory_space<semaphore_mem>>) {add = true}
      %dma_wait3A_562 = arith.constant 128 : i32
      %dma_wait3A_563 = arith.constant 0 : i32
      %dma_wait3A_564 = tpu.memref_slice %arg12[%dma_wait3A_562, %dma_wait3A_563] : memref<640x16xf32, #tpu.memory_space<vmem>> -> memref<128x16xf32, #tpu.memory_space<vmem>>
      %dma_wait3A_565 = arith.constant 0 : i32
      %dma_wait3A_566 = tpu.memref_slice %arg13[%run_scoped3A_526, %dma_wait3A_565] : memref<5x128xi32, #tpu.memory_space<vmem>> -> memref<1x128xi32, #tpu.memory_space<vmem>>
      %dma_wait3A_567 = tpu.memref_squeeze %dma_wait3A_566 : memref<1x128xi32, #tpu.memory_space<vmem>> -> memref<128xi32, #tpu.memory_space<vmem>>
      %dma_wait3A_568 = arith.constant 0 : i32
      %dma_wait3A_569 = arith.constant 0 : i32
      %dma_wait3A_570 = tpu.memref_slice %arg17[%dma_wait3A_568, %dma_wait3A_569] : memref<640x16xf32, #tpu.memory_space<vmem_shared>> -> memref<640x16xf32, #tpu.memory_space<vmem_shared>>
      tpu.wait_indirect_dma semaphore(%run_scoped3A_552 : memref<!tpu.dma_semaphore, #tpu.memory_space<semaphore_mem>>) src(%dma_wait3A_564 : memref<128x16xf32, #tpu.memory_space<vmem>>) dst(%dma_wait3A_570 : memref<640x16xf32, #tpu.memory_space<vmem_shared>>)
      tpu.yield
    }) : () -> ()
    %run_scoped3A_527 = arith.constant 2 : i32
    "tpu.region"() ({
      %run_scoped3A_552 = tpu.sem_alloc : memref<!tpu.dma_semaphore, #tpu.memory_space<semaphore_mem>>
      %dma_start3A_553 = arith.constant 256 : i32
      %dma_start3A_554 = arith.constant 0 : i32
      %dma_start3A_555 = tpu.memref_slice %arg12[%dma_start3A_553, %dma_start3A_554] : memref<640x16xf32, #tpu.memory_space<vmem>> -> memref<128x16xf32, #tpu.memory_space<vmem>>
      %dma_start3A_556 = arith.constant 0 : i32
      %dma_start3A_557 = tpu.memref_slice %arg13[%run_scoped3A_527, %dma_start3A_556] : memref<5x128xi32, #tpu.memory_space<vmem>> -> memref<1x128xi32, #tpu.memory_space<vmem>>
      %dma_start3A_558 = tpu.memref_squeeze %dma_start3A_557 : memref<1x128xi32, #tpu.memory_space<vmem>> -> memref<128xi32, #tpu.memory_space<vmem>>
      %dma_start3A_559 = arith.constant 0 : i32
      %dma_start3A_560 = arith.constant 0 : i32
      %dma_start3A_561 = tpu.memref_slice %arg17[%dma_start3A_559, %dma_start3A_560] : memref<640x16xf32, #tpu.memory_space<vmem_shared>> -> memref<640x16xf32, #tpu.memory_space<vmem_shared>>
      tpu.enqueue_indirect_dma source(%dma_start3A_555 : memref<128x16xf32, #tpu.memory_space<vmem>>) target(%dma_start3A_561 : memref<640x16xf32, #tpu.memory_space<vmem_shared>>) offsets(%dma_start3A_558 : memref<128xi32, #tpu.memory_space<vmem>>) semaphore(%run_scoped3A_552 : memref<!tpu.dma_semaphore, #tpu.memory_space<semaphore_mem>>) {add = true}
      %dma_wait3A_562 = arith.constant 256 : i32
      %dma_wait3A_563 = arith.constant 0 : i32
      %dma_wait3A_564 = tpu.memref_slice %arg12[%dma_wait3A_562, %dma_wait3A_563] : memref<640x16xf32, #tpu.memory_space<vmem>> -> memref<128x16xf32, #tpu.memory_space<vmem>>
      %dma_wait3A_565 = arith.constant 0 : i32
      %dma_wait3A_566 = tpu.memref_slice %arg13[%run_scoped3A_527, %dma_wait3A_565] : memref<5x128xi32, #tpu.memory_space<vmem>> -> memref<1x128xi32, #tpu.memory_space<vmem>>
      %dma_wait3A_567 = tpu.memref_squeeze %dma_wait3A_566 : memref<1x128xi32, #tpu.memory_space<vmem>> -> memref<128xi32, #tpu.memory_space<vmem>>
      %dma_wait3A_568 = arith.constant 0 : i32
      %dma_wait3A_569 = arith.constant 0 : i32
      %dma_wait3A_570 = tpu.memref_slice %arg17[%dma_wait3A_568, %dma_wait3A_569] : memref<640x16xf32, #tpu.memory_space<vmem_shared>> -> memref<640x16xf32, #tpu.memory_space<vmem_shared>>
      tpu.wait_indirect_dma semaphore(%run_scoped3A_552 : memref<!tpu.dma_semaphore, #tpu.memory_space<semaphore_mem>>) src(%dma_wait3A_564 : memref<128x16xf32, #tpu.memory_space<vmem>>) dst(%dma_wait3A_570 : memref<640x16xf32, #tpu.memory_space<vmem_shared>>)
      tpu.yield
    }) : () -> ()
    %run_scoped3A_528 = arith.constant 3 : i32
    "tpu.region"() ({
      %run_scoped3A_552 = tpu.sem_alloc : memref<!tpu.dma_semaphore, #tpu.memory_space<semaphore_mem>>
      %dma_start3A_553 = arith.constant 384 : i32
      %dma_start3A_554 = arith.constant 0 : i32
      %dma_start3A_555 = tpu.memref_slice %arg12[%dma_start3A_553, %dma_start3A_554] : memref<640x16xf32, #tpu.memory_space<vmem>> -> memref<128x16xf32, #tpu.memory_space<vmem>>
      %dma_start3A_556 = arith.constant 0 : i32
      %dma_start3A_557 = tpu.memref_slice %arg13[%run_scoped3A_528, %dma_start3A_556] : memref<5x128xi32, #tpu.memory_space<vmem>> -> memref<1x128xi32, #tpu.memory_space<vmem>>
      %dma_start3A_558 = tpu.memref_squeeze %dma_start3A_557 : memref<1x128xi32, #tpu.memory_space<vmem>> -> memref<128xi32, #tpu.memory_space<vmem>>
      %dma_start3A_559 = arith.constant 0 : i32
      %dma_start3A_560 = arith.constant 0 : i32
      %dma_start3A_561 = tpu.memref_slice %arg17[%dma_start3A_559, %dma_start3A_560] : memref<640x16xf32, #tpu.memory_space<vmem_shared>> -> memref<640x16xf32, #tpu.memory_space<vmem_shared>>
      tpu.enqueue_indirect_dma source(%dma_start3A_555 : memref<128x16xf32, #tpu.memory_space<vmem>>) target(%dma_start3A_561 : memref<640x16xf32, #tpu.memory_space<vmem_shared>>) offsets(%dma_start3A_558 : memref<128xi32, #tpu.memory_space<vmem>>) semaphore(%run_scoped3A_552 : memref<!tpu.dma_semaphore, #tpu.memory_space<semaphore_mem>>) {add = true}
      %dma_wait3A_562 = arith.constant 384 : i32
      %dma_wait3A_563 = arith.constant 0 : i32
      %dma_wait3A_564 = tpu.memref_slice %arg12[%dma_wait3A_562, %dma_wait3A_563] : memref<640x16xf32, #tpu.memory_space<vmem>> -> memref<128x16xf32, #tpu.memory_space<vmem>>
      %dma_wait3A_565 = arith.constant 0 : i32
      %dma_wait3A_566 = tpu.memref_slice %arg13[%run_scoped3A_528, %dma_wait3A_565] : memref<5x128xi32, #tpu.memory_space<vmem>> -> memref<1x128xi32, #tpu.memory_space<vmem>>
      %dma_wait3A_567 = tpu.memref_squeeze %dma_wait3A_566 : memref<1x128xi32, #tpu.memory_space<vmem>> -> memref<128xi32, #tpu.memory_space<vmem>>
      %dma_wait3A_568 = arith.constant 0 : i32
      %dma_wait3A_569 = arith.constant 0 : i32
      %dma_wait3A_570 = tpu.memref_slice %arg17[%dma_wait3A_568, %dma_wait3A_569] : memref<640x16xf32, #tpu.memory_space<vmem_shared>> -> memref<640x16xf32, #tpu.memory_space<vmem_shared>>
      tpu.wait_indirect_dma semaphore(%run_scoped3A_552 : memref<!tpu.dma_semaphore, #tpu.memory_space<semaphore_mem>>) src(%dma_wait3A_564 : memref<128x16xf32, #tpu.memory_space<vmem>>) dst(%dma_wait3A_570 : memref<640x16xf32, #tpu.memory_space<vmem_shared>>)
      tpu.yield
    }) : () -> ()
    %run_scoped3A_529 = arith.constant 4 : i32
    "tpu.region"() ({
      %run_scoped3A_552 = tpu.sem_alloc : memref<!tpu.dma_semaphore, #tpu.memory_space<semaphore_mem>>
      %dma_start3A_553 = arith.constant 512 : i32
      %dma_start3A_554 = arith.constant 0 : i32
      %dma_start3A_555 = tpu.memref_slice %arg12[%dma_start3A_553, %dma_start3A_554] : memref<640x16xf32, #tpu.memory_space<vmem>> -> memref<128x16xf32, #tpu.memory_space<vmem>>
      %dma_start3A_556 = arith.constant 0 : i32
      %dma_start3A_557 = tpu.memref_slice %arg13[%run_scoped3A_529, %dma_start3A_556] : memref<5x128xi32, #tpu.memory_space<vmem>> -> memref<1x128xi32, #tpu.memory_space<vmem>>
      %dma_start3A_558 = tpu.memref_squeeze %dma_start3A_557 : memref<1x128xi32, #tpu.memory_space<vmem>> -> memref<128xi32, #tpu.memory_space<vmem>>
      %dma_start3A_559 = arith.constant 0 : i32
      %dma_start3A_560 = arith.constant 0 : i32
      %dma_start3A_561 = tpu.memref_slice %arg17[%dma_start3A_559, %dma_start3A_560] : memref<640x16xf32, #tpu.memory_space<vmem_shared>> -> memref<640x16xf32, #tpu.memory_space<vmem_shared>>
      tpu.enqueue_indirect_dma source(%dma_start3A_555 : memref<128x16xf32, #tpu.memory_space<vmem>>) target(%dma_start3A_561 : memref<640x16xf32, #tpu.memory_space<vmem_shared>>) offsets(%dma_start3A_558 : memref<128xi32, #tpu.memory_space<vmem>>) semaphore(%run_scoped3A_552 : memref<!tpu.dma_semaphore, #tpu.memory_space<semaphore_mem>>) {add = true}
      %dma_wait3A_562 = arith.constant 512 : i32
      %dma_wait3A_563 = arith.constant 0 : i32
      %dma_wait3A_564 = tpu.memref_slice %arg12[%dma_wait3A_562, %dma_wait3A_563] : memref<640x16xf32, #tpu.memory_space<vmem>> -> memref<128x16xf32, #tpu.memory_space<vmem>>
      %dma_wait3A_565 = arith.constant 0 : i32
      %dma_wait3A_566 = tpu.memref_slice %arg13[%run_scoped3A_529, %dma_wait3A_565] : memref<5x128xi32, #tpu.memory_space<vmem>> -> memref<1x128xi32, #tpu.memory_space<vmem>>
      %dma_wait3A_567 = tpu.memref_squeeze %dma_wait3A_566 : memref<1x128xi32, #tpu.memory_space<vmem>> -> memref<128xi32, #tpu.memory_space<vmem>>
      %dma_wait3A_568 = arith.constant 0 : i32
      %dma_wait3A_569 = arith.constant 0 : i32
      %dma_wait3A_570 = tpu.memref_slice %arg17[%dma_wait3A_568, %dma_wait3A_569] : memref<640x16xf32, #tpu.memory_space<vmem_shared>> -> memref<640x16xf32, #tpu.memory_space<vmem_shared>>
      tpu.wait_indirect_dma semaphore(%run_scoped3A_552 : memref<!tpu.dma_semaphore, #tpu.memory_space<semaphore_mem>>) src(%dma_wait3A_564 : memref<128x16xf32, #tpu.memory_space<vmem>>) dst(%dma_wait3A_570 : memref<640x16xf32, #tpu.memory_space<vmem_shared>>)
      tpu.yield
    }) : () -> ()
    %barrier3A_530 = arith.constant 0 : index
    tpu.barrier barrier_id(%barrier3A_530)
    "tpu.region"() ({
      %run_scoped3A_552 = tpu.sem_alloc : memref<!tpu.dma_semaphore, #tpu.memory_space<semaphore_mem>>
      %dma_start3A_553 = arith.constant 0 : i32
      %dma_start3A_554 = tpu.memref_slice %arg16[%mul3A_169, %dma_start3A_553] : memref<10112x64xf32, #tpu.memory_space<vmem_shared>> -> memref<128x64xf32, #tpu.memory_space<vmem_shared>>
      %dma_start3A_555 = arith.constant 0 : i32
      %dma_start3A_556 = tpu.memref_slice %arg16[%mul3A_169, %dma_start3A_555] : memref<10112x64xf32, #tpu.memory_space<vmem_shared>> -> memref<128x64xf32, #tpu.memory_space<vmem_shared>>
      tpu.enqueue_dma source(%dma_start3A_556 : memref<128x64xf32, #tpu.memory_space<vmem_shared>>) target(%arg8 : memref<128x64xf32, #tpu.memory_space<vmem>>) target_semaphore(%run_scoped3A_552 : memref<!tpu.dma_semaphore, #tpu.memory_space<semaphore_mem>>)
      %dma_wait3A_557 = arith.constant 0 : i32
      %dma_wait3A_558 = tpu.memref_slice %arg16[%mul3A_169, %dma_wait3A_557] : memref<10112x64xf32, #tpu.memory_space<vmem_shared>> -> memref<128x64xf32, #tpu.memory_space<vmem_shared>>
      %dma_wait3A_559 = arith.constant 0 : i32
      %dma_wait3A_560 = tpu.memref_slice %arg16[%mul3A_169, %dma_wait3A_559] : memref<10112x64xf32, #tpu.memory_space<vmem_shared>> -> memref<128x64xf32, #tpu.memory_space<vmem_shared>>
      tpu.wait_dma2 semaphore(%run_scoped3A_552 : memref<!tpu.dma_semaphore, #tpu.memory_space<semaphore_mem>>) src(%dma_wait3A_560 : memref<128x64xf32, #tpu.memory_space<vmem_shared>>) dst(%arg8 : memref<128x64xf32, #tpu.memory_space<vmem>>)
      tpu.yield
    }) : () -> ()
    %delay3A = arith.constant 3000 : i32
    tpu.delay %delay3A
    %barrier3A_531 = arith.constant 0 : index
    tpu.barrier barrier_id(%barrier3A_531)
    %add3A_532 = arith.constant 0 : i32
    %add3A_533 = arith.addi %mul3A_169, %add3A_532 : i32
    "tpu.region"() ({
      %run_scoped3A_552 = tpu.sem_alloc : memref<!tpu.dma_semaphore, #tpu.memory_space<semaphore_mem>>
      %dma_start3A_553 = arith.constant 0 : i32
      %dma_start3A_554 = arith.constant 0 : i32
      %dma_start3A_555 = tpu.memref_slice %arg15[%dma_start3A_553, %dma_start3A_554] : memref<128x128xf32, #tpu.memory_space<vmem>> -> memref<128x64xf32, #tpu.memory_space<vmem>>
      %dma_start3A_556 = arith.constant 0 : i32
      %dma_start3A_557 = tpu.memref_slice %arg16[%add3A_533, %dma_start3A_556] : memref<10112x64xf32, #tpu.memory_space<vmem_shared>> -> memref<128x64xf32, #tpu.memory_space<vmem_shared>>
      %dma_start3A_558 = arith.constant 0 : i32
      %dma_start3A_559 = arith.constant 0 : i32
      %dma_start3A_560 = tpu.memref_slice %arg15[%dma_start3A_558, %dma_start3A_559] : memref<128x128xf32, #tpu.memory_space<vmem>> -> memref<128x64xf32, #tpu.memory_space<vmem>>
      %dma_start3A_561 = arith.constant 0 : i32
      %dma_start3A_562 = tpu.memref_slice %arg16[%add3A_533, %dma_start3A_561] : memref<10112x64xf32, #tpu.memory_space<vmem_shared>> -> memref<128x64xf32, #tpu.memory_space<vmem_shared>>
      tpu.enqueue_dma source(%dma_start3A_562 : memref<128x64xf32, #tpu.memory_space<vmem_shared>>) target(%dma_start3A_560 : memref<128x64xf32, #tpu.memory_space<vmem>>) target_semaphore(%run_scoped3A_552 : memref<!tpu.dma_semaphore, #tpu.memory_space<semaphore_mem>>)
      %dma_wait3A_563 = arith.constant 0 : i32
      %dma_wait3A_564 = arith.constant 0 : i32
      %dma_wait3A_565 = tpu.memref_slice %arg15[%dma_wait3A_563, %dma_wait3A_564] : memref<128x128xf32, #tpu.memory_space<vmem>> -> memref<128x64xf32, #tpu.memory_space<vmem>>
      %dma_wait3A_566 = arith.constant 0 : i32
      %dma_wait3A_567 = tpu.memref_slice %arg16[%add3A_533, %dma_wait3A_566] : memref<10112x64xf32, #tpu.memory_space<vmem_shared>> -> memref<128x64xf32, #tpu.memory_space<vmem_shared>>
      %dma_wait3A_568 = arith.constant 0 : i32
      %dma_wait3A_569 = arith.constant 0 : i32
      %dma_wait3A_570 = tpu.memref_slice %arg15[%dma_wait3A_568, %dma_wait3A_569] : memref<128x128xf32, #tpu.memory_space<vmem>> -> memref<128x64xf32, #tpu.memory_space<vmem>>
      %dma_wait3A_571 = arith.constant 0 : i32
      %dma_wait3A_572 = tpu.memref_slice %arg16[%add3A_533, %dma_wait3A_571] : memref<10112x64xf32, #tpu.memory_space<vmem_shared>> -> memref<128x64xf32, #tpu.memory_space<vmem_shared>>
      tpu.wait_dma2 semaphore(%run_scoped3A_552 : memref<!tpu.dma_semaphore, #tpu.memory_space<semaphore_mem>>) src(%dma_wait3A_572 : memref<128x64xf32, #tpu.memory_space<vmem_shared>>) dst(%dma_wait3A_570 : memref<128x64xf32, #tpu.memory_space<vmem>>)
      tpu.yield
    }) : () -> ()
    %add3A_534 = arith.constant 0 : i32
    %add3A_535 = arith.addi %mul3A_169, %add3A_534 : i32
    "tpu.region"() ({
      %run_scoped3A_552 = tpu.sem_alloc : memref<!tpu.dma_semaphore, #tpu.memory_space<semaphore_mem>>
      %dma_start3A_553 = arith.constant 0 : i32
      %dma_start3A_554 = tpu.memref_slice %arg4[%arg0, %add3A_535, %dma_start3A_553] : memref<2x10112x128xf32, #tpu.memory_space<hbm>> -> memref<1x128x128xf32, #tpu.memory_space<hbm>>
      %dma_start3A_555 = tpu.memref_squeeze %dma_start3A_554 : memref<1x128x128xf32, #tpu.memory_space<hbm>> -> memref<128x128xf32, #tpu.memory_space<hbm>>
      %dma_start3A_556 = arith.constant 0 : i32
      %dma_start3A_557 = tpu.memref_slice %arg4[%arg0, %add3A_535, %dma_start3A_556] : memref<2x10112x128xf32, #tpu.memory_space<hbm>> -> memref<1x128x128xf32, #tpu.memory_space<hbm>>
      %dma_start3A_558 = tpu.memref_squeeze %dma_start3A_557 : memref<1x128x128xf32, #tpu.memory_space<hbm>> -> memref<128x128xf32, #tpu.memory_space<hbm>>
      tpu.enqueue_dma source(%arg15 : memref<128x128xf32, #tpu.memory_space<vmem>>) target(%dma_start3A_558 : memref<128x128xf32, #tpu.memory_space<hbm>>) target_semaphore(%run_scoped3A_552 : memref<!tpu.dma_semaphore, #tpu.memory_space<semaphore_mem>>)
      %dma_wait3A_559 = arith.constant 0 : i32
      %dma_wait3A_560 = tpu.memref_slice %arg4[%arg0, %add3A_535, %dma_wait3A_559] : memref<2x10112x128xf32, #tpu.memory_space<hbm>> -> memref<1x128x128xf32, #tpu.memory_space<hbm>>
      %dma_wait3A_561 = tpu.memref_squeeze %dma_wait3A_560 : memref<1x128x128xf32, #tpu.memory_space<hbm>> -> memref<128x128xf32, #tpu.memory_space<hbm>>
      %dma_wait3A_562 = arith.constant 0 : i32
      %dma_wait3A_563 = tpu.memref_slice %arg4[%arg0, %add3A_535, %dma_wait3A_562] : memref<2x10112x128xf32, #tpu.memory_space<hbm>> -> memref<1x128x128xf32, #tpu.memory_space<hbm>>
      %dma_wait3A_564 = tpu.memref_squeeze %dma_wait3A_563 : memref<1x128x128xf32, #tpu.memory_space<hbm>> -> memref<128x128xf32, #tpu.memory_space<hbm>>
      tpu.wait_dma2 semaphore(%run_scoped3A_552 : memref<!tpu.dma_semaphore, #tpu.memory_space<semaphore_mem>>) src(%arg15 : memref<128x128xf32, #tpu.memory_space<vmem>>) dst(%dma_wait3A_564 : memref<128x128xf32, #tpu.memory_space<hbm>>)
      tpu.yield
    }) : () -> ()
    %add3A_536 = arith.constant 128 : i32
    %add3A_537 = arith.addi %mul3A_169, %add3A_536 : i32
    "tpu.region"() ({
      %run_scoped3A_552 = tpu.sem_alloc : memref<!tpu.dma_semaphore, #tpu.memory_space<semaphore_mem>>
      %dma_start3A_553 = arith.constant 0 : i32
      %dma_start3A_554 = arith.constant 0 : i32
      %dma_start3A_555 = tpu.memref_slice %arg15[%dma_start3A_553, %dma_start3A_554] : memref<128x128xf32, #tpu.memory_space<vmem>> -> memref<128x64xf32, #tpu.memory_space<vmem>>
      %dma_start3A_556 = arith.constant 0 : i32
      %dma_start3A_557 = tpu.memref_slice %arg16[%add3A_537, %dma_start3A_556] : memref<10112x64xf32, #tpu.memory_space<vmem_shared>> -> memref<128x64xf32, #tpu.memory_space<vmem_shared>>
      %dma_start3A_558 = arith.constant 0 : i32
      %dma_start3A_559 = arith.constant 0 : i32
      %dma_start3A_560 = tpu.memref_slice %arg15[%dma_start3A_558, %dma_start3A_559] : memref<128x128xf32, #tpu.memory_space<vmem>> -> memref<128x64xf32, #tpu.memory_space<vmem>>
      %dma_start3A_561 = arith.constant 0 : i32
      %dma_start3A_562 = tpu.memref_slice %arg16[%add3A_537, %dma_start3A_561] : memref<10112x64xf32, #tpu.memory_space<vmem_shared>> -> memref<128x64xf32, #tpu.memory_space<vmem_shared>>
      tpu.enqueue_dma source(%dma_start3A_562 : memref<128x64xf32, #tpu.memory_space<vmem_shared>>) target(%dma_start3A_560 : memref<128x64xf32, #tpu.memory_space<vmem>>) target_semaphore(%run_scoped3A_552 : memref<!tpu.dma_semaphore, #tpu.memory_space<semaphore_mem>>)
      %dma_wait3A_563 = arith.constant 0 : i32
      %dma_wait3A_564 = arith.constant 0 : i32
      %dma_wait3A_565 = tpu.memref_slice %arg15[%dma_wait3A_563, %dma_wait3A_564] : memref<128x128xf32, #tpu.memory_space<vmem>> -> memref<128x64xf32, #tpu.memory_space<vmem>>
      %dma_wait3A_566 = arith.constant 0 : i32
      %dma_wait3A_567 = tpu.memref_slice %arg16[%add3A_537, %dma_wait3A_566] : memref<10112x64xf32, #tpu.memory_space<vmem_shared>> -> memref<128x64xf32, #tpu.memory_space<vmem_shared>>
      %dma_wait3A_568 = arith.constant 0 : i32
      %dma_wait3A_569 = arith.constant 0 : i32
      %dma_wait3A_570 = tpu.memref_slice %arg15[%dma_wait3A_568, %dma_wait3A_569] : memref<128x128xf32, #tpu.memory_space<vmem>> -> memref<128x64xf32, #tpu.memory_space<vmem>>
      %dma_wait3A_571 = arith.constant 0 : i32
      %dma_wait3A_572 = tpu.memref_slice %arg16[%add3A_537, %dma_wait3A_571] : memref<10112x64xf32, #tpu.memory_space<vmem_shared>> -> memref<128x64xf32, #tpu.memory_space<vmem_shared>>
      tpu.wait_dma2 semaphore(%run_scoped3A_552 : memref<!tpu.dma_semaphore, #tpu.memory_space<semaphore_mem>>) src(%dma_wait3A_572 : memref<128x64xf32, #tpu.memory_space<vmem_shared>>) dst(%dma_wait3A_570 : memref<128x64xf32, #tpu.memory_space<vmem>>)
      tpu.yield
    }) : () -> ()
    %add3A_538 = arith.constant 128 : i32
    %add3A_539 = arith.addi %mul3A_169, %add3A_538 : i32
    "tpu.region"() ({
      %run_scoped3A_552 = tpu.sem_alloc : memref<!tpu.dma_semaphore, #tpu.memory_space<semaphore_mem>>
      %dma_start3A_553 = arith.constant 0 : i32
      %dma_start3A_554 = tpu.memref_slice %arg4[%arg0, %add3A_539, %dma_start3A_553] : memref<2x10112x128xf32, #tpu.memory_space<hbm>> -> memref<1x128x128xf32, #tpu.memory_space<hbm>>
      %dma_start3A_555 = tpu.memref_squeeze %dma_start3A_554 : memref<1x128x128xf32, #tpu.memory_space<hbm>> -> memref<128x128xf32, #tpu.memory_space<hbm>>
      %dma_start3A_556 = arith.constant 0 : i32
      %dma_start3A_557 = tpu.memref_slice %arg4[%arg0, %add3A_539, %dma_start3A_556] : memref<2x10112x128xf32, #tpu.memory_space<hbm>> -> memref<1x128x128xf32, #tpu.memory_space<hbm>>
      %dma_start3A_558 = tpu.memref_squeeze %dma_start3A_557 : memref<1x128x128xf32, #tpu.memory_space<hbm>> -> memref<128x128xf32, #tpu.memory_space<hbm>>
      tpu.enqueue_dma source(%arg15 : memref<128x128xf32, #tpu.memory_space<vmem>>) target(%dma_start3A_558 : memref<128x128xf32, #tpu.memory_space<hbm>>) target_semaphore(%run_scoped3A_552 : memref<!tpu.dma_semaphore, #tpu.memory_space<semaphore_mem>>)
      %dma_wait3A_559 = arith.constant 0 : i32
      %dma_wait3A_560 = tpu.memref_slice %arg4[%arg0, %add3A_539, %dma_wait3A_559] : memref<2x10112x128xf32, #tpu.memory_space<hbm>> -> memref<1x128x128xf32, #tpu.memory_space<hbm>>
      %dma_wait3A_561 = tpu.memref_squeeze %dma_wait3A_560 : memref<1x128x128xf32, #tpu.memory_space<hbm>> -> memref<128x128xf32, #tpu.memory_space<hbm>>
      %dma_wait3A_562 = arith.constant 0 : i32
      %dma_wait3A_563 = tpu.memref_slice %arg4[%arg0, %add3A_539, %dma_wait3A_562] : memref<2x10112x128xf32, #tpu.memory_space<hbm>> -> memref<1x128x128xf32, #tpu.memory_space<hbm>>
      %dma_wait3A_564 = tpu.memref_squeeze %dma_wait3A_563 : memref<1x128x128xf32, #tpu.memory_space<hbm>> -> memref<128x128xf32, #tpu.memory_space<hbm>>
      tpu.wait_dma2 semaphore(%run_scoped3A_552 : memref<!tpu.dma_semaphore, #tpu.memory_space<semaphore_mem>>) src(%arg15 : memref<128x128xf32, #tpu.memory_space<vmem>>) dst(%dma_wait3A_564 : memref<128x128xf32, #tpu.memory_space<hbm>>)
      tpu.yield
    }) : () -> ()
    %add3A_540 = arith.constant 256 : i32
    %add3A_541 = arith.addi %mul3A_169, %add3A_540 : i32
    "tpu.region"() ({
      %run_scoped3A_552 = tpu.sem_alloc : memref<!tpu.dma_semaphore, #tpu.memory_space<semaphore_mem>>
      %dma_start3A_553 = arith.constant 0 : i32
      %dma_start3A_554 = arith.constant 0 : i32
      %dma_start3A_555 = tpu.memref_slice %arg15[%dma_start3A_553, %dma_start3A_554] : memref<128x128xf32, #tpu.memory_space<vmem>> -> memref<128x64xf32, #tpu.memory_space<vmem>>
      %dma_start3A_556 = arith.constant 0 : i32
      %dma_start3A_557 = tpu.memref_slice %arg16[%add3A_541, %dma_start3A_556] : memref<10112x64xf32, #tpu.memory_space<vmem_shared>> -> memref<128x64xf32, #tpu.memory_space<vmem_shared>>
      %dma_start3A_558 = arith.constant 0 : i32
      %dma_start3A_559 = arith.constant 0 : i32
      %dma_start3A_560 = tpu.memref_slice %arg15[%dma_start3A_558, %dma_start3A_559] : memref<128x128xf32, #tpu.memory_space<vmem>> -> memref<128x64xf32, #tpu.memory_space<vmem>>
      %dma_start3A_561 = arith.constant 0 : i32
      %dma_start3A_562 = tpu.memref_slice %arg16[%add3A_541, %dma_start3A_561] : memref<10112x64xf32, #tpu.memory_space<vmem_shared>> -> memref<128x64xf32, #tpu.memory_space<vmem_shared>>
      tpu.enqueue_dma source(%dma_start3A_562 : memref<128x64xf32, #tpu.memory_space<vmem_shared>>) target(%dma_start3A_560 : memref<128x64xf32, #tpu.memory_space<vmem>>) target_semaphore(%run_scoped3A_552 : memref<!tpu.dma_semaphore, #tpu.memory_space<semaphore_mem>>)
      %dma_wait3A_563 = arith.constant 0 : i32
      %dma_wait3A_564 = arith.constant 0 : i32
      %dma_wait3A_565 = tpu.memref_slice %arg15[%dma_wait3A_563, %dma_wait3A_564] : memref<128x128xf32, #tpu.memory_space<vmem>> -> memref<128x64xf32, #tpu.memory_space<vmem>>
      %dma_wait3A_566 = arith.constant 0 : i32
      %dma_wait3A_567 = tpu.memref_slice %arg16[%add3A_541, %dma_wait3A_566] : memref<10112x64xf32, #tpu.memory_space<vmem_shared>> -> memref<128x64xf32, #tpu.memory_space<vmem_shared>>
      %dma_wait3A_568 = arith.constant 0 : i32
      %dma_wait3A_569 = arith.constant 0 : i32
      %dma_wait3A_570 = tpu.memref_slice %arg15[%dma_wait3A_568, %dma_wait3A_569] : memref<128x128xf32, #tpu.memory_space<vmem>> -> memref<128x64xf32, #tpu.memory_space<vmem>>
      %dma_wait3A_571 = arith.constant 0 : i32
      %dma_wait3A_572 = tpu.memref_slice %arg16[%add3A_541, %dma_wait3A_571] : memref<10112x64xf32, #tpu.memory_space<vmem_shared>> -> memref<128x64xf32, #tpu.memory_space<vmem_shared>>
      tpu.wait_dma2 semaphore(%run_scoped3A_552 : memref<!tpu.dma_semaphore, #tpu.memory_space<semaphore_mem>>) src(%dma_wait3A_572 : memref<128x64xf32, #tpu.memory_space<vmem_shared>>) dst(%dma_wait3A_570 : memref<128x64xf32, #tpu.memory_space<vmem>>)
      tpu.yield
    }) : () -> ()
    %add3A_542 = arith.constant 256 : i32
    %add3A_543 = arith.addi %mul3A_169, %add3A_542 : i32
    "tpu.region"() ({
      %run_scoped3A_552 = tpu.sem_alloc : memref<!tpu.dma_semaphore, #tpu.memory_space<semaphore_mem>>
      %dma_start3A_553 = arith.constant 0 : i32
      %dma_start3A_554 = tpu.memref_slice %arg4[%arg0, %add3A_543, %dma_start3A_553] : memref<2x10112x128xf32, #tpu.memory_space<hbm>> -> memref<1x128x128xf32, #tpu.memory_space<hbm>>
      %dma_start3A_555 = tpu.memref_squeeze %dma_start3A_554 : memref<1x128x128xf32, #tpu.memory_space<hbm>> -> memref<128x128xf32, #tpu.memory_space<hbm>>
      %dma_start3A_556 = arith.constant 0 : i32
      %dma_start3A_557 = tpu.memref_slice %arg4[%arg0, %add3A_543, %dma_start3A_556] : memref<2x10112x128xf32, #tpu.memory_space<hbm>> -> memref<1x128x128xf32, #tpu.memory_space<hbm>>
      %dma_start3A_558 = tpu.memref_squeeze %dma_start3A_557 : memref<1x128x128xf32, #tpu.memory_space<hbm>> -> memref<128x128xf32, #tpu.memory_space<hbm>>
      tpu.enqueue_dma source(%arg15 : memref<128x128xf32, #tpu.memory_space<vmem>>) target(%dma_start3A_558 : memref<128x128xf32, #tpu.memory_space<hbm>>) target_semaphore(%run_scoped3A_552 : memref<!tpu.dma_semaphore, #tpu.memory_space<semaphore_mem>>)
      %dma_wait3A_559 = arith.constant 0 : i32
      %dma_wait3A_560 = tpu.memref_slice %arg4[%arg0, %add3A_543, %dma_wait3A_559] : memref<2x10112x128xf32, #tpu.memory_space<hbm>> -> memref<1x128x128xf32, #tpu.memory_space<hbm>>
      %dma_wait3A_561 = tpu.memref_squeeze %dma_wait3A_560 : memref<1x128x128xf32, #tpu.memory_space<hbm>> -> memref<128x128xf32, #tpu.memory_space<hbm>>
      %dma_wait3A_562 = arith.constant 0 : i32
      %dma_wait3A_563 = tpu.memref_slice %arg4[%arg0, %add3A_543, %dma_wait3A_562] : memref<2x10112x128xf32, #tpu.memory_space<hbm>> -> memref<1x128x128xf32, #tpu.memory_space<hbm>>
      %dma_wait3A_564 = tpu.memref_squeeze %dma_wait3A_563 : memref<1x128x128xf32, #tpu.memory_space<hbm>> -> memref<128x128xf32, #tpu.memory_space<hbm>>
      tpu.wait_dma2 semaphore(%run_scoped3A_552 : memref<!tpu.dma_semaphore, #tpu.memory_space<semaphore_mem>>) src(%arg15 : memref<128x128xf32, #tpu.memory_space<vmem>>) dst(%dma_wait3A_564 : memref<128x128xf32, #tpu.memory_space<hbm>>)
      tpu.yield
    }) : () -> ()
    %add3A_544 = arith.constant 384 : i32
    %add3A_545 = arith.addi %mul3A_169, %add3A_544 : i32
    "tpu.region"() ({
      %run_scoped3A_552 = tpu.sem_alloc : memref<!tpu.dma_semaphore, #tpu.memory_space<semaphore_mem>>
      %dma_start3A_553 = arith.constant 0 : i32
      %dma_start3A_554 = arith.constant 0 : i32
      %dma_start3A_555 = tpu.memref_slice %arg15[%dma_start3A_553, %dma_start3A_554] : memref<128x128xf32, #tpu.memory_space<vmem>> -> memref<128x64xf32, #tpu.memory_space<vmem>>
      %dma_start3A_556 = arith.constant 0 : i32
      %dma_start3A_557 = tpu.memref_slice %arg16[%add3A_545, %dma_start3A_556] : memref<10112x64xf32, #tpu.memory_space<vmem_shared>> -> memref<128x64xf32, #tpu.memory_space<vmem_shared>>
      %dma_start3A_558 = arith.constant 0 : i32
      %dma_start3A_559 = arith.constant 0 : i32
      %dma_start3A_560 = tpu.memref_slice %arg15[%dma_start3A_558, %dma_start3A_559] : memref<128x128xf32, #tpu.memory_space<vmem>> -> memref<128x64xf32, #tpu.memory_space<vmem>>
      %dma_start3A_561 = arith.constant 0 : i32
      %dma_start3A_562 = tpu.memref_slice %arg16[%add3A_545, %dma_start3A_561] : memref<10112x64xf32, #tpu.memory_space<vmem_shared>> -> memref<128x64xf32, #tpu.memory_space<vmem_shared>>
      tpu.enqueue_dma source(%dma_start3A_562 : memref<128x64xf32, #tpu.memory_space<vmem_shared>>) target(%dma_start3A_560 : memref<128x64xf32, #tpu.memory_space<vmem>>) target_semaphore(%run_scoped3A_552 : memref<!tpu.dma_semaphore, #tpu.memory_space<semaphore_mem>>)
      %dma_wait3A_563 = arith.constant 0 : i32
      %dma_wait3A_564 = arith.constant 0 : i32
      %dma_wait3A_565 = tpu.memref_slice %arg15[%dma_wait3A_563, %dma_wait3A_564] : memref<128x128xf32, #tpu.memory_space<vmem>> -> memref<128x64xf32, #tpu.memory_space<vmem>>
      %dma_wait3A_566 = arith.constant 0 : i32
      %dma_wait3A_567 = tpu.memref_slice %arg16[%add3A_545, %dma_wait3A_566] : memref<10112x64xf32, #tpu.memory_space<vmem_shared>> -> memref<128x64xf32, #tpu.memory_space<vmem_shared>>
      %dma_wait3A_568 = arith.constant 0 : i32
      %dma_wait3A_569 = arith.constant 0 : i32
      %dma_wait3A_570 = tpu.memref_slice %arg15[%dma_wait3A_568, %dma_wait3A_569] : memref<128x128xf32, #tpu.memory_space<vmem>> -> memref<128x64xf32, #tpu.memory_space<vmem>>
      %dma_wait3A_571 = arith.constant 0 : i32
      %dma_wait3A_572 = tpu.memref_slice %arg16[%add3A_545, %dma_wait3A_571] : memref<10112x64xf32, #tpu.memory_space<vmem_shared>> -> memref<128x64xf32, #tpu.memory_space<vmem_shared>>
      tpu.wait_dma2 semaphore(%run_scoped3A_552 : memref<!tpu.dma_semaphore, #tpu.memory_space<semaphore_mem>>) src(%dma_wait3A_572 : memref<128x64xf32, #tpu.memory_space<vmem_shared>>) dst(%dma_wait3A_570 : memref<128x64xf32, #tpu.memory_space<vmem>>)
      tpu.yield
    }) : () -> ()
    %add3A_546 = arith.constant 384 : i32
    %add3A_547 = arith.addi %mul3A_169, %add3A_546 : i32
    "tpu.region"() ({
      %run_scoped3A_552 = tpu.sem_alloc : memref<!tpu.dma_semaphore, #tpu.memory_space<semaphore_mem>>
      %dma_start3A_553 = arith.constant 0 : i32
      %dma_start3A_554 = tpu.memref_slice %arg4[%arg0, %add3A_547, %dma_start3A_553] : memref<2x10112x128xf32, #tpu.memory_space<hbm>> -> memref<1x128x128xf32, #tpu.memory_space<hbm>>
      %dma_start3A_555 = tpu.memref_squeeze %dma_start3A_554 : memref<1x128x128xf32, #tpu.memory_space<hbm>> -> memref<128x128xf32, #tpu.memory_space<hbm>>
      %dma_start3A_556 = arith.constant 0 : i32
      %dma_start3A_557 = tpu.memref_slice %arg4[%arg0, %add3A_547, %dma_start3A_556] : memref<2x10112x128xf32, #tpu.memory_space<hbm>> -> memref<1x128x128xf32, #tpu.memory_space<hbm>>
      %dma_start3A_558 = tpu.memref_squeeze %dma_start3A_557 : memref<1x128x128xf32, #tpu.memory_space<hbm>> -> memref<128x128xf32, #tpu.memory_space<hbm>>
      tpu.enqueue_dma source(%arg15 : memref<128x128xf32, #tpu.memory_space<vmem>>) target(%dma_start3A_558 : memref<128x128xf32, #tpu.memory_space<hbm>>) target_semaphore(%run_scoped3A_552 : memref<!tpu.dma_semaphore, #tpu.memory_space<semaphore_mem>>)
      %dma_wait3A_559 = arith.constant 0 : i32
      %dma_wait3A_560 = tpu.memref_slice %arg4[%arg0, %add3A_547, %dma_wait3A_559] : memref<2x10112x128xf32, #tpu.memory_space<hbm>> -> memref<1x128x128xf32, #tpu.memory_space<hbm>>
      %dma_wait3A_561 = tpu.memref_squeeze %dma_wait3A_560 : memref<1x128x128xf32, #tpu.memory_space<hbm>> -> memref<128x128xf32, #tpu.memory_space<hbm>>
      %dma_wait3A_562 = arith.constant 0 : i32
      %dma_wait3A_563 = tpu.memref_slice %arg4[%arg0, %add3A_547, %dma_wait3A_562] : memref<2x10112x128xf32, #tpu.memory_space<hbm>> -> memref<1x128x128xf32, #tpu.memory_space<hbm>>
      %dma_wait3A_564 = tpu.memref_squeeze %dma_wait3A_563 : memref<1x128x128xf32, #tpu.memory_space<hbm>> -> memref<128x128xf32, #tpu.memory_space<hbm>>
      tpu.wait_dma2 semaphore(%run_scoped3A_552 : memref<!tpu.dma_semaphore, #tpu.memory_space<semaphore_mem>>) src(%arg15 : memref<128x128xf32, #tpu.memory_space<vmem>>) dst(%dma_wait3A_564 : memref<128x128xf32, #tpu.memory_space<hbm>>)
      tpu.yield
    }) : () -> ()
    %add3A_548 = arith.constant 512 : i32
    %add3A_549 = arith.addi %mul3A_169, %add3A_548 : i32
    "tpu.region"() ({
      %run_scoped3A_552 = tpu.sem_alloc : memref<!tpu.dma_semaphore, #tpu.memory_space<semaphore_mem>>
      %dma_start3A_553 = arith.constant 0 : i32
      %dma_start3A_554 = arith.constant 0 : i32
      %dma_start3A_555 = tpu.memref_slice %arg15[%dma_start3A_553, %dma_start3A_554] : memref<128x128xf32, #tpu.memory_space<vmem>> -> memref<120x64xf32, #tpu.memory_space<vmem>>
      %dma_start3A_556 = arith.constant 0 : i32
      %dma_start3A_557 = tpu.memref_slice %arg16[%add3A_549, %dma_start3A_556] : memref<10112x64xf32, #tpu.memory_space<vmem_shared>> -> memref<120x64xf32, #tpu.memory_space<vmem_shared>>
      %dma_start3A_558 = arith.constant 0 : i32
      %dma_start3A_559 = arith.constant 0 : i32
      %dma_start3A_560 = tpu.memref_slice %arg15[%dma_start3A_558, %dma_start3A_559] : memref<128x128xf32, #tpu.memory_space<vmem>> -> memref<120x64xf32, #tpu.memory_space<vmem>>
      %dma_start3A_561 = arith.constant 0 : i32
      %dma_start3A_562 = tpu.memref_slice %arg16[%add3A_549, %dma_start3A_561] : memref<10112x64xf32, #tpu.memory_space<vmem_shared>> -> memref<120x64xf32, #tpu.memory_space<vmem_shared>>
      tpu.enqueue_dma source(%dma_start3A_562 : memref<120x64xf32, #tpu.memory_space<vmem_shared>>) target(%dma_start3A_560 : memref<120x64xf32, #tpu.memory_space<vmem>>) target_semaphore(%run_scoped3A_552 : memref<!tpu.dma_semaphore, #tpu.memory_space<semaphore_mem>>)
      %dma_wait3A_563 = arith.constant 0 : i32
      %dma_wait3A_564 = arith.constant 0 : i32
      %dma_wait3A_565 = tpu.memref_slice %arg15[%dma_wait3A_563, %dma_wait3A_564] : memref<128x128xf32, #tpu.memory_space<vmem>> -> memref<120x64xf32, #tpu.memory_space<vmem>>
      %dma_wait3A_566 = arith.constant 0 : i32
      %dma_wait3A_567 = tpu.memref_slice %arg16[%add3A_549, %dma_wait3A_566] : memref<10112x64xf32, #tpu.memory_space<vmem_shared>> -> memref<120x64xf32, #tpu.memory_space<vmem_shared>>
      %dma_wait3A_568 = arith.constant 0 : i32
      %dma_wait3A_569 = arith.constant 0 : i32
      %dma_wait3A_570 = tpu.memref_slice %arg15[%dma_wait3A_568, %dma_wait3A_569] : memref<128x128xf32, #tpu.memory_space<vmem>> -> memref<120x64xf32, #tpu.memory_space<vmem>>
      %dma_wait3A_571 = arith.constant 0 : i32
      %dma_wait3A_572 = tpu.memref_slice %arg16[%add3A_549, %dma_wait3A_571] : memref<10112x64xf32, #tpu.memory_space<vmem_shared>> -> memref<120x64xf32, #tpu.memory_space<vmem_shared>>
      tpu.wait_dma2 semaphore(%run_scoped3A_552 : memref<!tpu.dma_semaphore, #tpu.memory_space<semaphore_mem>>) src(%dma_wait3A_572 : memref<120x64xf32, #tpu.memory_space<vmem_shared>>) dst(%dma_wait3A_570 : memref<120x64xf32, #tpu.memory_space<vmem>>)
      tpu.yield
    }) : () -> ()
    %add3A_550 = arith.constant 512 : i32
    %add3A_551 = arith.addi %mul3A_169, %add3A_550 : i32
    "tpu.region"() ({
      %run_scoped3A_552 = tpu.sem_alloc : memref<!tpu.dma_semaphore, #tpu.memory_space<semaphore_mem>>
      %dma_start3A_553 = arith.constant 0 : i32
      %dma_start3A_554 = arith.constant 0 : i32
      %dma_start3A_555 = tpu.memref_slice %arg15[%dma_start3A_553, %dma_start3A_554] : memref<128x128xf32, #tpu.memory_space<vmem>> -> memref<120x128xf32, #tpu.memory_space<vmem>>
      %dma_start3A_556 = arith.constant 0 : i32
      %dma_start3A_557 = tpu.memref_slice %arg4[%arg0, %add3A_551, %dma_start3A_556] : memref<2x10112x128xf32, #tpu.memory_space<hbm>> -> memref<1x120x128xf32, #tpu.memory_space<hbm>>
      %dma_start3A_558 = tpu.memref_squeeze %dma_start3A_557 : memref<1x120x128xf32, #tpu.memory_space<hbm>> -> memref<120x128xf32, #tpu.memory_space<hbm>>
      %dma_start3A_559 = arith.constant 0 : i32
      %dma_start3A_560 = tpu.memref_slice %arg4[%arg0, %add3A_551, %dma_start3A_559] : memref<2x10112x128xf32, #tpu.memory_space<hbm>> -> memref<1x120x128xf32, #tpu.memory_space<hbm>>
      %dma_start3A_561 = tpu.memref_squeeze %dma_start3A_560 : memref<1x120x128xf32, #tpu.memory_space<hbm>> -> memref<120x128xf32, #tpu.memory_space<hbm>>
      %dma_start3A_562 = arith.constant 0 : i32
      %dma_start3A_563 = arith.constant 0 : i32
      %dma_start3A_564 = tpu.memref_slice %arg15[%dma_start3A_562, %dma_start3A_563] : memref<128x128xf32, #tpu.memory_space<vmem>> -> memref<120x128xf32, #tpu.memory_space<vmem>>
      tpu.enqueue_dma source(%dma_start3A_564 : memref<120x128xf32, #tpu.memory_space<vmem>>) target(%dma_start3A_561 : memref<120x128xf32, #tpu.memory_space<hbm>>) target_semaphore(%run_scoped3A_552 : memref<!tpu.dma_semaphore, #tpu.memory_space<semaphore_mem>>)
      %dma_wait3A_565 = arith.constant 0 : i32
      %dma_wait3A_566 = arith.constant 0 : i32
      %dma_wait3A_567 = tpu.memref_slice %arg15[%dma_wait3A_565, %dma_wait3A_566] : memref<128x128xf32, #tpu.memory_space<vmem>> -> memref<120x128xf32, #tpu.memory_space<vmem>>
      %dma_wait3A_568 = arith.constant 0 : i32
      %dma_wait3A_569 = tpu.memref_slice %arg4[%arg0, %add3A_551, %dma_wait3A_568] : memref<2x10112x128xf32, #tpu.memory_space<hbm>> -> memref<1x120x128xf32, #tpu.memory_space<hbm>>
      %dma_wait3A_570 = tpu.memref_squeeze %dma_wait3A_569 : memref<1x120x128xf32, #tpu.memory_space<hbm>> -> memref<120x128xf32, #tpu.memory_space<hbm>>
      %dma_wait3A_571 = arith.constant 0 : i32
      %dma_wait3A_572 = tpu.memref_slice %arg4[%arg0, %add3A_551, %dma_wait3A_571] : memref<2x10112x128xf32, #tpu.memory_space<hbm>> -> memref<1x120x128xf32, #tpu.memory_space<hbm>>
      %dma_wait3A_573 = tpu.memref_squeeze %dma_wait3A_572 : memref<1x120x128xf32, #tpu.memory_space<hbm>> -> memref<120x128xf32, #tpu.memory_space<hbm>>
      %dma_wait3A_574 = arith.constant 0 : i32
      %dma_wait3A_575 = arith.constant 0 : i32
      %dma_wait3A_576 = tpu.memref_slice %arg15[%dma_wait3A_574, %dma_wait3A_575] : memref<128x128xf32, #tpu.memory_space<vmem>> -> memref<120x128xf32, #tpu.memory_space<vmem>>
      tpu.wait_dma2 semaphore(%run_scoped3A_552 : memref<!tpu.dma_semaphore, #tpu.memory_space<semaphore_mem>>) src(%dma_wait3A_576 : memref<120x128xf32, #tpu.memory_space<vmem>>) dst(%dma_wait3A_573 : memref<120x128xf32, #tpu.memory_space<hbm>>)
      tpu.yield
    }) : () -> ()
    "tpu.region"() ({
      %run_scoped3A_552 = tpu.sem_alloc : memref<!tpu.dma_semaphore, #tpu.memory_space<semaphore_mem>>
      %dma_start3A_553 = arith.constant 0 : i32
      %dma_start3A_554 = tpu.memref_slice %arg17[%mul3A_171, %dma_start3A_553] : memref<640x16xf32, #tpu.memory_space<vmem_shared>> -> memref<40x16xf32, #tpu.memory_space<vmem_shared>>
      %dma_start3A_555 = arith.constant 0 : i32
      %dma_start3A_556 = tpu.memref_slice %arg17[%mul3A_171, %dma_start3A_555] : memref<640x16xf32, #tpu.memory_space<vmem_shared>> -> memref<40x16xf32, #tpu.memory_space<vmem_shared>>
      tpu.enqueue_dma source(%dma_start3A_556 : memref<40x16xf32, #tpu.memory_space<vmem_shared>>) target(%arg14 : memref<40x16xf32, #tpu.memory_space<vmem>>) target_semaphore(%run_scoped3A_552 : memref<!tpu.dma_semaphore, #tpu.memory_space<semaphore_mem>>)
      %dma_wait3A_557 = arith.constant 0 : i32
      %dma_wait3A_558 = tpu.memref_slice %arg17[%mul3A_171, %dma_wait3A_557] : memref<640x16xf32, #tpu.memory_space<vmem_shared>> -> memref<40x16xf32, #tpu.memory_space<vmem_shared>>
      %dma_wait3A_559 = arith.constant 0 : i32
      %dma_wait3A_560 = tpu.memref_slice %arg17[%mul3A_171, %dma_wait3A_559] : memref<640x16xf32, #tpu.memory_space<vmem_shared>> -> memref<40x16xf32, #tpu.memory_space<vmem_shared>>
      tpu.wait_dma2 semaphore(%run_scoped3A_552 : memref<!tpu.dma_semaphore, #tpu.memory_space<semaphore_mem>>) src(%dma_wait3A_560 : memref<40x16xf32, #tpu.memory_space<vmem_shared>>) dst(%arg14 : memref<40x16xf32, #tpu.memory_space<vmem>>)
      tpu.yield
    }) : () -> ()
    "tpu.region"() ({
      %run_scoped3A_552 = tpu.sem_alloc : memref<!tpu.dma_semaphore, #tpu.memory_space<semaphore_mem>>
      %dma_start3A_553 = arith.constant 0 : i32
      %dma_start3A_554 = tpu.memref_slice %arg5[%arg0, %mul3A_171, %dma_start3A_553] : memref<2x640x16xf32, #tpu.memory_space<hbm>> -> memref<1x40x16xf32, #tpu.memory_space<hbm>>
      %dma_start3A_555 = tpu.memref_squeeze %dma_start3A_554 : memref<1x40x16xf32, #tpu.memory_space<hbm>> -> memref<40x16xf32, #tpu.memory_space<hbm>>
      %dma_start3A_556 = arith.constant 0 : i32
      %dma_start3A_557 = tpu.memref_slice %arg5[%arg0, %mul3A_171, %dma_start3A_556] : memref<2x640x16xf32, #tpu.memory_space<hbm>> -> memref<1x40x16xf32, #tpu.memory_space<hbm>>
      %dma_start3A_558 = tpu.memref_squeeze %dma_start3A_557 : memref<1x40x16xf32, #tpu.memory_space<hbm>> -> memref<40x16xf32, #tpu.memory_space<hbm>>
      tpu.enqueue_dma source(%arg14 : memref<40x16xf32, #tpu.memory_space<vmem>>) target(%dma_start3A_558 : memref<40x16xf32, #tpu.memory_space<hbm>>) target_semaphore(%run_scoped3A_552 : memref<!tpu.dma_semaphore, #tpu.memory_space<semaphore_mem>>)
      %dma_wait3A_559 = arith.constant 0 : i32
      %dma_wait3A_560 = tpu.memref_slice %arg5[%arg0, %mul3A_171, %dma_wait3A_559] : memref<2x640x16xf32, #tpu.memory_space<hbm>> -> memref<1x40x16xf32, #tpu.memory_space<hbm>>
      %dma_wait3A_561 = tpu.memref_squeeze %dma_wait3A_560 : memref<1x40x16xf32, #tpu.memory_space<hbm>> -> memref<40x16xf32, #tpu.memory_space<hbm>>
      %dma_wait3A_562 = arith.constant 0 : i32
      %dma_wait3A_563 = tpu.memref_slice %arg5[%arg0, %mul3A_171, %dma_wait3A_562] : memref<2x640x16xf32, #tpu.memory_space<hbm>> -> memref<1x40x16xf32, #tpu.memory_space<hbm>>
      %dma_wait3A_564 = tpu.memref_squeeze %dma_wait3A_563 : memref<1x40x16xf32, #tpu.memory_space<hbm>> -> memref<40x16xf32, #tpu.memory_space<hbm>>
      tpu.wait_dma2 semaphore(%run_scoped3A_552 : memref<!tpu.dma_semaphore, #tpu.memory_space<semaphore_mem>>) src(%arg14 : memref<40x16xf32, #tpu.memory_space<vmem>>) dst(%dma_wait3A_564 : memref<40x16xf32, #tpu.memory_space<hbm>>)
      tpu.yield
    }) : () -> ()
    return
  }
}

module attributes {stable_mosaic.version = 14 : i64} {
  func.func @_msg_body(%arg0: memref<10000x128xf32, #tpu.memory_space<vmem>>, %arg1: memref<128x64xf32, #tpu.memory_space<vmem>>, %arg2: memref<1x64xf32, #tpu.memory_space<vmem>>, %arg3: memref<64x64xf32, #tpu.memory_space<vmem>>, %arg4: memref<1x64xf32, #tpu.memory_space<vmem>>, %arg5: memref<10000x64xf32, #tpu.memory_space<vmem>>) attributes {dimension_semantics = [], scalar_prefetch = 0 : i64, scratch_operands = 0 : i64, tpu.core_type = #tpu.core_type<tc>} {
    %get3A = arith.constant 0 : index
    %get3A_0 = arith.constant 0 : index
    %get3A_1 = vector.load %arg0[%get3A, %get3A_0] : memref<10000x128xf32, #tpu.memory_space<vmem>>, vector<10000x128xf32>
    %get3A_2 = arith.constant 0 : index
    %get3A_3 = arith.constant 0 : index
    %get3A_4 = vector.load %arg1[%get3A_2, %get3A_3] : memref<128x64xf32, #tpu.memory_space<vmem>>, vector<128x64xf32>
    %dot_general3A = arith.constant dense<0.000000e+00> : vector<10000x64xf32>
    %dot_general3A_5 = tpu.matmul %get3A_1, %get3A_4, %dot_general3A {dimension_numbers = #tpu.dot_dimension_numbers<[1], [0], [0], [1], [0, 0, 1, 1], [], []>, transpose_lhs_hint = false} : vector<10000x128xf32>, vector<128x64xf32>, vector<10000x64xf32> -> vector<10000x64xf32>
    %get3A_6 = arith.constant 0 : index
    %get3A_7 = arith.constant 0 : index
    %get3A_8 = vector.load %arg2[%get3A_6, %get3A_7] : memref<1x64xf32, #tpu.memory_space<vmem>>, vector<1x64xf32>
    %add3A = vector.broadcast %get3A_8 : vector<1x64xf32> to vector<10000x64xf32>
    %add3A_9 = arith.addf %dot_general3A_5, %add3A : vector<10000x64xf32>
    %max3A = arith.constant 0.000000e+00 : f32
    %max3A_10 = vector.broadcast %max3A : f32 to vector<10000x64xf32>
    %max3A_11 = arith.maximumf %add3A_9, %max3A_10 : vector<10000x64xf32>
    %get3A_12 = arith.constant 0 : index
    %get3A_13 = arith.constant 0 : index
    %get3A_14 = vector.load %arg3[%get3A_12, %get3A_13] : memref<64x64xf32, #tpu.memory_space<vmem>>, vector<64x64xf32>
    %dot_general3A_15 = arith.constant dense<0.000000e+00> : vector<10000x64xf32>
    %dot_general3A_16 = tpu.matmul %max3A_11, %get3A_14, %dot_general3A_15 {dimension_numbers = #tpu.dot_dimension_numbers<[1], [0], [0], [1], [0, 0, 1, 1], [], []>, transpose_lhs_hint = false} : vector<10000x64xf32>, vector<64x64xf32>, vector<10000x64xf32> -> vector<10000x64xf32>
    %get3A_17 = arith.constant 0 : index
    %get3A_18 = arith.constant 0 : index
    %get3A_19 = vector.load %arg4[%get3A_17, %get3A_18] : memref<1x64xf32, #tpu.memory_space<vmem>>, vector<1x64xf32>
    %add3A_20 = vector.broadcast %get3A_19 : vector<1x64xf32> to vector<10000x64xf32>
    %add3A_21 = arith.addf %dot_general3A_16, %add3A_20 : vector<10000x64xf32>
    %max3A_22 = arith.constant 0.000000e+00 : f32
    %max3A_23 = vector.broadcast %max3A_22 : f32 to vector<10000x64xf32>
    %max3A_24 = arith.maximumf %add3A_21, %max3A_23 : vector<10000x64xf32>
    %swap3A = arith.constant 0 : index
    %swap3A_25 = arith.constant 0 : index
    %swap3A_26 = vector.load %arg5[%swap3A, %swap3A_25] : memref<10000x64xf32, #tpu.memory_space<vmem>>, vector<10000x64xf32>
    tpu.vector_store %arg5[%swap3A, %swap3A_25], %max3A_24 {strides = array<i32>} : memref<10000x64xf32, #tpu.memory_space<vmem>>, vector<10000x64xf32>,
    return
  }
}

module attributes {stable_mosaic.version = 14 : i64} {
  func.func @_upd_body(%arg0: memref<10000x128xf32, #tpu.memory_space<vmem>>, %arg1: memref<2x10112x128xf32, #tpu.memory_space<vmem>>, %arg2: memref<10000x1xf32, #tpu.memory_space<vmem>>, %arg3: memref<10000x1xf32, #tpu.memory_space<vmem>>, %arg4: memref<128x64xf32, #tpu.memory_space<vmem>>, %arg5: memref<64x64xf32, #tpu.memory_space<vmem>>, %arg6: memref<1x64xf32, #tpu.memory_space<vmem>>, %arg7: memref<64x2xf32, #tpu.memory_space<vmem>>, %arg8: memref<1x2xf32, #tpu.memory_space<vmem>>, %arg9: memref<10000x2xf32, #tpu.memory_space<vmem>>) attributes {dimension_semantics = [], scalar_prefetch = 0 : i64, scratch_operands = 0 : i64, tpu.core_type = #tpu.core_type<tc>} {
    %get3A = arith.constant 0 : index
    %get3A_0 = arith.constant 0 : index
    %get3A_1 = arith.constant 0 : index
    %get3A_2 = vector.load %arg1[%get3A, %get3A_0, %get3A_1] : memref<2x10112x128xf32, #tpu.memory_space<vmem>>, vector<1x10000x64xf32>
    %get3A_3 = vector.shape_cast %get3A_2 : vector<1x10000x64xf32> to vector<10000x64xf32>
    %get3A_4 = arith.constant 1 : index
    %get3A_5 = arith.constant 0 : index
    %get3A_6 = arith.constant 0 : index
    %get3A_7 = vector.load %arg1[%get3A_4, %get3A_5, %get3A_6] : memref<2x10112x128xf32, #tpu.memory_space<vmem>>, vector<1x10000x64xf32>
    %get3A_8 = vector.shape_cast %get3A_7 : vector<1x10000x64xf32> to vector<10000x64xf32>
    %add3A = arith.addf %get3A_3, %get3A_8 : vector<10000x64xf32>
    %get3A_9 = arith.constant 0 : index
    %get3A_10 = arith.constant 0 : index
    %get3A_11 = vector.load %arg2[%get3A_9, %get3A_10] : memref<10000x1xf32, #tpu.memory_space<vmem>>, vector<10000x1xf32>
    %get3A_12 = arith.constant 0 : index
    %get3A_13 = arith.constant 0 : index
    %get3A_14 = vector.load %arg3[%get3A_12, %get3A_13] : memref<10000x1xf32, #tpu.memory_space<vmem>>, vector<10000x1xf32>
    %add3A_15 = arith.addf %get3A_11, %get3A_14 : vector<10000x1xf32>
    %max3A = arith.constant 1.000000e+00 : f32
    %max3A_16 = vector.broadcast %max3A : f32 to vector<10000x1xf32>
    %max3A_17 = arith.maximumf %add3A_15, %max3A_16 : vector<10000x1xf32>
    %div3A = vector.broadcast %max3A_17 : vector<10000x1xf32> to vector<10000x64xf32>
    %div3A_18 = arith.divf %add3A, %div3A : vector<10000x64xf32>
    %get3A_19 = arith.constant 0 : index
    %get3A_20 = arith.constant 0 : index
    %get3A_21 = vector.load %arg0[%get3A_19, %get3A_20] : memref<10000x128xf32, #tpu.memory_space<vmem>>, vector<10000x128xf32>
    %get3A_22 = arith.constant 0 : index
    %get3A_23 = arith.constant 0 : index
    %get3A_24 = vector.load %arg4[%get3A_22, %get3A_23] : memref<128x64xf32, #tpu.memory_space<vmem>>, vector<128x64xf32>
    %dot_general3A = arith.constant dense<0.000000e+00> : vector<10000x64xf32>
    %dot_general3A_25 = tpu.matmul %get3A_21, %get3A_24, %dot_general3A {dimension_numbers = #tpu.dot_dimension_numbers<[1], [0], [0], [1], [0, 0, 1, 1], [], []>, transpose_lhs_hint = false} : vector<10000x128xf32>, vector<128x64xf32>, vector<10000x64xf32> -> vector<10000x64xf32>
    %get3A_26 = arith.constant 0 : index
    %get3A_27 = arith.constant 0 : index
    %get3A_28 = vector.load %arg5[%get3A_26, %get3A_27] : memref<64x64xf32, #tpu.memory_space<vmem>>, vector<64x64xf32>
    %dot_general3A_29 = arith.constant dense<0.000000e+00> : vector<10000x64xf32>
    %dot_general3A_30 = tpu.matmul %div3A_18, %get3A_28, %dot_general3A_29 {dimension_numbers = #tpu.dot_dimension_numbers<[1], [0], [0], [1], [0, 0, 1, 1], [], []>, transpose_lhs_hint = false} : vector<10000x64xf32>, vector<64x64xf32>, vector<10000x64xf32> -> vector<10000x64xf32>
    %add3A_31 = arith.addf %dot_general3A_25, %dot_general3A_30 : vector<10000x64xf32>
    %get3A_32 = arith.constant 0 : index
    %get3A_33 = arith.constant 0 : index
    %get3A_34 = vector.load %arg6[%get3A_32, %get3A_33] : memref<1x64xf32, #tpu.memory_space<vmem>>, vector<1x64xf32>
    %add3A_35 = vector.broadcast %get3A_34 : vector<1x64xf32> to vector<10000x64xf32>
    %add3A_36 = arith.addf %add3A_31, %add3A_35 : vector<10000x64xf32>
    %max3A_37 = arith.constant 0.000000e+00 : f32
    %max3A_38 = vector.broadcast %max3A_37 : f32 to vector<10000x64xf32>
    %max3A_39 = arith.maximumf %add3A_36, %max3A_38 : vector<10000x64xf32>
    %get3A_40 = arith.constant 0 : index
    %get3A_41 = arith.constant 0 : index
    %get3A_42 = vector.load %arg7[%get3A_40, %get3A_41] : memref<64x2xf32, #tpu.memory_space<vmem>>, vector<64x2xf32>
    %dot_general3A_43 = arith.constant dense<0.000000e+00> : vector<10000x2xf32>
    %dot_general3A_44 = tpu.matmul %max3A_39, %get3A_42, %dot_general3A_43 {dimension_numbers = #tpu.dot_dimension_numbers<[1], [0], [0], [1], [0, 0, 1, 1], [], []>, transpose_lhs_hint = false} : vector<10000x64xf32>, vector<64x2xf32>, vector<10000x2xf32> -> vector<10000x2xf32>
    %get3A_45 = arith.constant 0 : index
    %get3A_46 = arith.constant 0 : index
    %get3A_47 = vector.load %arg8[%get3A_45, %get3A_46] : memref<1x2xf32, #tpu.memory_space<vmem>>, vector<1x2xf32>
    %add3A_48 = vector.broadcast %get3A_47 : vector<1x2xf32> to vector<10000x2xf32>
    %add3A_49 = arith.addf %dot_general3A_44, %add3A_48 : vector<10000x2xf32>
    %swap3A = arith.constant 0 : index
    %swap3A_50 = arith.constant 0 : index
    %swap3A_51 = vector.load %arg9[%swap3A, %swap3A_50] : memref<10000x2xf32, #tpu.memory_space<vmem>>, vector<10000x2xf32>
    tpu.vector_store %arg9[%swap3A, %swap3A_50], %add3A_49 {strides = array<i32>} : memref<10000x2xf32, #tpu.memory_space<vmem>>, vector<10000x2xf32>,
    return
  }
}

</mosaic_0001>

<sc_bundles>
// kernel: kernel.5.cloned.1.call-start
scs
__scs_entry_jumppad:
0x0: {  	(pc) =	sbr.rel $0x88, $3  }
0x1: {  	(tag) =	ssettag $0x0;
	lr =	simm.s32 $0x1  }
0x2: {  	[smem:$0x3F97] =	sst lr;
	_ =	strace $0xD0000000  }
0x3: {  	_ = 	snop  }
0x4: {  	_ = 	snop  }
0x5: {  	_ = 	snop  }
0x6: {  	_ = 	snop  }
0x7: {  	_ = 	snop  }
__scs_overlays_trampoline_lowered:
0x8: {  	[smem:$0x3FA6] =	sst s0  }
0x9: {  	[smem:$0x3FA7] =	sst s1  }
0xa: {  	[smem:$0x3FA8] =	sst s2  }
0xb: {  	[smem:$0x3FA9] =	sst s3  }
0xc: {  	[smem:$0x3FAA] =	sst s4  }
0xd: {  	[smem:$0x3FAB] =	sst s5  }
0xe: {  	[smem:$0x3FAC] =	sst s6  }
0xf: {  	[smem:$0x3FAD] =	sst s7  }
0x10: {  	[smem:$0x3FAE] =	sst s8  }
0x11: {  	[smem:$0x3FAF] =	sst s9;
	s0 =	simm.s32 @!p0 $0x0  }
0x12: {  	s1 =	sld [smem:$0x3F95];
	s0 =	simm.s32 @p0 $0x1  }
0x13: {  	[smem:$0x3FB0] =	sst s0;
	s0 =	simm.s32 @!p1 $0x0  }
0x14: {  	s2 =	sld [smem:$0x3F94];
	s0 =	simm.s32 @p1 $0x1  }
0x15: {  	[smem:$0x3FB1] =	sst s0;
	s0 =	simm.s32 @!p2 $0x0  }
0x16: {  	s3 =	sld [smem:$0x3FDB];
	s0 =	simm.s32 @p2 $0x1  }
0x17: {  	s4 =	simm.s32 $0x1BF5;
	[smem:$0x3FB3] =	sst s0  }
0x18: {  	s0 =	sld [smem:$0x3F96];
	_ =	swait.ge [sflag:s4], $0x0  }
0x19: {  	s7 =	sld [smem:$0x3F97]  }
0x1a: {  	s8 =	sadd.s32 $0xFFFFE003, lr  }
0x1b: {  	s9 =	sadd.s32 $0xFFFFFEF7, lr;
	s5 =	simm.s32 $0xFFFFFFFF;
	p2 =	slt.u32 s8, $0xFFFFF086  }
0x1c: {  	p1 =	slt.u32 s9, $0xF7A;
	s5 =	simm.s32 @!p2 $0x0  }
0x1d: {  	s5 =	simm.s32 @p1 $0x1;
	p0 =	seq.s32 s7, s2  }
0x1e: {  	s7 =	smul.u32 @!p0 $0xF7A, s2;
	p2 =	seq.s32 @!p0 s5, $0x0  }
0x1f: {  	s9 =	smul.u32 $0xF7A, s1;
	s8 =	simm.s32 @!p0 $0x1BF5;
	p2 =	por !p2, p0  }
0x20: {  	[sflag:s8] =	ssyncset.s32 @!p0 $0xFFFFF086;
	s6 =	sadd.s32 @!p0 s3, s7;
	s7 =	simm.s32 @!p0 $0x108  }
0x21: {  	s3 =	sadd.s32 s3, s9;
	s6 =	sadd.s32 @!p0 $0x88, s6;
	s7 =	simm.s32 @p2 $0x1082  }
0x22: {  	[simem:s7], [sflag:s8] =	dma.local @!p0 [hbm:s6], $0xF7A  }
0x23: {  	s9 =	sor.u32 $0xD0000000, s2;
	s6 =	simm.s32 $0x108;
	_ =	swait.ge @!p0 [sflag:s8], $0x0  }
0x24: {  	s3 =	sadd.s32 $0x88, s3;
	s6 =	simm.s32 @!p1 $0x1082;
	[sflag:s4] =	ssyncset.s32 $0xFFFFF086  }
0x25: {  	[simem:s6], [sflag:s4] =	dma.local [hbm:s3], $0xF7A  }
0x26: {  	[smem:$0x3F97] =	sst s1;
	(tag) =	ssettag s2;
	_ =	strace s9  }
0x27: {  	s1 =	sld [smem:$0x3FA7]  }
0x28: {  	s2 =	sld [smem:$0x3FA8]  }
0x29: {  	s4 =	sld [smem:$0x3FAA]  }
0x2a: {  	p0 =	seq.s32 s5, $0x0;
	s5 =	sld [smem:$0x3FAB]  }
0x2b: {  	s6 =	sld [smem:$0x3FAC]  }
0x2c: {  	s7 =	sld [smem:$0x3FAD]  }
0x2d: {  	s3 =	simm.s32 $0x108;
	s8 =	sld [smem:$0x3FAE]  }
0x2e: {  	s3 =	simm.s32 @!p0 $0x1082;
	s9 =	sld [smem:$0x3FAF]  }
0x2f: {  	lr =	sadd.s32 s0, s3;
	s0 =	sld [smem:$0x3FA6]  }
0x30: {  	s3 =	sld [smem:$0x3FA9]  }
0x31: {  	[smem:$0x3FB2] =	sst s10  }
0x32: {  	s10 =	sld [smem:$0x3FB0];
	_ =	sdelay $0x3  }
0x33: {  	p0 =	seq.s32 s10, $0x1;
	s10 =	sld [smem:$0x3FB2];
	_ =	sdelay $0x3  }
0x34: {  	[smem:$0x3FB2] =	sst s10  }
0x35: {  	s10 =	sld [smem:$0x3FB1];
	_ =	sdelay $0x3  }
0x36: {  	p1 =	seq.s32 s10, $0x1;
	s10 =	sld [smem:$0x3FB2];
	_ =	sdelay $0x3  }
0x37: {  	[smem:$0x3FB2] =	sst s10  }
0x38: {  	s10 =	sld [smem:$0x3FB3]  }
0x39: {  	_ = 	snop;
	(pc) =	sbr.ind lr, $3  }
0x3a: {  	_ = 	snop  }
0x3b: {  	_ = 	snop  }
0x3c: {  	p2 =	seq.s32 s10, $0x1;
	s10 =	sld [smem:$0x3FB2]  }
0x3d: {  	_ =	shalt  }
0x3e: {  	_ =	shalt  }
0x3f: {  	_ =	shalt  }
0x40: {  	_ =	shalt  }
0x41: {  	_ =	shalt  }
0x42: {  	_ =	shalt  }
0x43: {  	_ =	shalt  }
0x44: {  	_ =	shalt  }
0x45: {  	_ =	shalt  }
0x46: {  	_ =	shalt  }
0x47: {  	_ =	shalt  }
0x48: {  	_ =	shalt  }
0x49: {  	_ =	shalt  }
0x4a: {  	_ =	shalt  }
0x4b: {  	_ =	shalt  }
0x4c: {  	_ =	shalt  }
0x4d: {  	_ =	shalt  }
0x4e: {  	_ =	shalt  }
0x4f: {  	_ =	shalt  }
0x50: {  	_ =	shalt  }
0x51: {  	_ =	shalt  }
0x52: {  	_ =	shalt  }
0x53: {  	_ =	shalt  }
0x54: {  	_ =	shalt  }
0x55: {  	_ =	shalt  }
0x56: {  	_ =	shalt  }
0x57: {  	_ =	shalt  }
0x58: {  	_ =	shalt  }
0x59: {  	_ =	shalt  }
0x5a: {  	_ =	shalt  }
0x5b: {  	_ =	shalt  }
0x5c: {  	_ =	shalt  }
0x5d: {  	_ =	shalt  }
0x5e: {  	_ =	shalt  }
0x5f: {  	_ =	shalt  }
0x60: {  	_ =	shalt  }
0x61: {  	_ =	shalt  }
0x62: {  	_ =	shalt  }
0x63: {  	_ =	shalt  }
0x64: {  	_ =	shalt  }
0x65: {  	_ =	shalt  }
0x66: {  	_ =	shalt  }
0x67: {  	_ =	shalt  }
0x68: {  	_ =	shalt  }
0x69: {  	_ =	shalt  }
0x6a: {  	_ =	shalt  }
0x6b: {  	_ =	shalt  }
0x6c: {  	_ =	shalt  }
0x6d: {  	_ =	shalt  }
0x6e: {  	_ =	shalt  }
0x6f: {  	_ =	shalt  }
0x70: {  	_ =	shalt  }
0x71: {  	_ =	shalt  }
0x72: {  	_ =	shalt  }
0x73: {  	_ =	shalt  }
0x74: {  	_ =	shalt  }
0x75: {  	_ =	shalt  }
0x76: {  	_ =	shalt  }
0x77: {  	_ =	shalt  }
0x78: {  	_ =	shalt  }
0x79: {  	_ =	shalt  }
0x7a: {  	_ =	shalt  }
0x7b: {  	_ =	shalt  }
0x7c: {  	_ =	shalt  }
0x7d: {  	_ =	shalt  }
0x7e: {  	_ =	shalt  }
0x7f: {  	_ =	shalt  }
0x80: {  	_ =	shalt  }
0x81: {  	_ =	shalt  }
0x82: {  	_ =	shalt  }
0x83: {  	_ =	shalt  }
0x84: {  	_ =	shalt  }
0x85: {  	_ =	shalt  }
0x86: {  	_ =	shalt  }
0x87: {  	_ =	shalt  }
.Lfunc_end0:
.L_simem_size_0:
called_computation_lowered:
.L_overlay_start_0:
0x88: {  	s2 =	sld [smem:$0x3FD9]  }
0x89: {  	s3 =	sld [smem:$0x3FFE];
	_ =	sdelay $0x1  }
0x8a: {  	s1 =	srdreg.scid  }
0x8b: {  	s0 =	sand.u32 $0x1, s1  }
0x8c: {  	s17 =	sshll.u32 s0, $0xA;
	s2 =	sadd.s32 s3, s2  }
0x8d: {  	s2 =	sadd.s32 s2, s17  }
0x8e: {  	[smem:$0x3FBE] =	sst s2  }
0x8f: {  	_ = 	snop  }
0x90: {  	s2 =	sld [smem:$0x3FC8];
	(tm) =	ssettm $0x1  }
0x91: {  	s18 =	sld [smem:$0x3FFB];
	_ =	sdelay $0x3  }
0x92: {  	_ =	strace s18  }
0x93: {  	s3 =	sld [smem:$0x3FFC];
	_ =	sdelay $0x3  }
0x94: {  	_ =	strace s3  }
0x95: {  	s3 =	sld [smem:$0x3FFD];
	_ =	sdelay $0x3  }
0x96: {  	_ =	strace s3  }
0x97: {  	_ =	strace $0x8FFFFFFF  }
0x98: {  	s19 =	sld [smem:$0x3FDB];
	_ =	sdelay $0x1  }
0x99: {  	s4 =	simm.s32 $_scs_section_size  }
0x9a: {  	s5 =	simm.s32 $_size__tile_overlayer_lowered;
	s6 =	simm.s32 $_tile_overlayer_lowered  }
0x9b: {  	s22 =	simm.s32 $0x1BFF;
	s21 =	sshll.u32 s6, $0x1;
	s3 =	sadd.s32 s4, s19  }
0x9c: {  	s7 =	simm.s32 $0x0;
	s20 =	sshll.u32 s5, $0x1;
	s5 =	sadd.s32 s21, s3  }
0x9d: {  	[timem:s7], [sflag:s22] =	dma.local [hbm:s5], s20  }
0x9e: {  	_ =	swait.ge [sflag:s22], s20  }
0x9f: {  	s4 =	ssub.s32 $0x0, s20;
	[sflag:s22] =	ssyncset.done $0x0  }
0xa0: {  	[sflag:s22] =	ssyncadd.s32 s4;
	_ =	sdelay $0x1  }
0xa1: {  	s23 =	simm.s32 $0x1B8B  }
0xa2: {  	_ =	swait.ge [sflag:s23], $0x1  }
0xa3: {  	[sflag:s23] =	ssyncset.done $0x0  }
0xa4: {  	s25 =	simm.s32 $0x1B8E;
	s24 =	sld [smem:$0x3FFE];
	[sflag:s23] =	ssyncadd.s32 $0xFFFFFFFF  }
0xa5: {  	s26 =	simm.s32 $execute0_lowered;
	[smem:$0x3FD2] =	sst s25  }
0xa6: {  	s5 =	sshll.u32 s26, $0x1;
	_ =	strace $0x80000046;
	[dreg:$0x1] =	wrdreg $0xFFFFFFFF  }
0xa7: {  	s28 =	simm.s32 $_size_execute0_lowered;
	s3 =	sadd.s32 s3, s5;
	[dreg:$0x0] =	wrdreg $0x0  }
0xa8: {  	s5 =	sshll.u32 s28, $0x1;
	[dreg:$0x2] =	wrdreg s3  }
0xa9: {  	[dreg:$0x3] =	wrdreg s5  }
0xaa: {  	[dreg:$0x4] =	wrdreg $0xC0  }
0xab: {  	_ =	task [dreg:s7], $0x5FFFF  }
0xac: {  	[dreg:$0x1] =	wrdreg $0xFFFFFFFF  }
0xad: {  	[dreg:$0x0] =	wrdreg $0x60  }
0xae: {  	[dreg:$0x2] =	wrdreg s24  }
0xaf: {  	[dreg:$0x3] =	wrdreg s2  }
0xb0: {  	[dreg:$0x4] =	wrdreg $0x15D000  }
0xb1: {  	[dreg:$0x5] =	wrdreg $0x1FB000  }
0xb2: {  	[dreg:$0x6] =	wrdreg $0x9  }
0xb3: {  	_ =	task.clear_ibuf [dreg:s7], $0x7FFFF;
	_ =	strace $0x90000046  }
0xb4: {  	s29 =	simm.s32 $0x9;
	_ =	strace $0x80000048  }
0xb5: {  	_ =	swait.ge [sflag:s29], $0x1  }
0xb6: {  	[sflag:s29] =	ssyncadd.s32 $0xFFFFFFFF  }
0xb7: {  	_ =	strace $0x90000048  }
0xb8: {  	_ =	sfence  }
0xb9: {  	s30 =	sld [smem:$0x0];
	_ =	sdelay $0x2  }
0xba: {  	s31 =	sshll.u32 s1, $0xD;
	s1 =	sshrl.u32 s1, $0x2  }
0xbb: {  	s3 =	sand.u32 $0x4000, s31;
	s1 =	sadd.s32 s1, s30  }
0xbc: {  	s0 =	sor.u32 s3, s0;
	s1 =	sshll.u32 s1, $0x11  }
0xbd: {  	s0 =	sor.u32 s1, s0  }
0xbe: {  	s0 =	sadd.s32 $0x8F2B, s0  }
0xbf: {  	[sflag:s0] =	ssyncadd.remote.s32 $0x1  }
0xc0: {  	_ =	sfence.sel $0xFFFF  }
0xc1: {  	[dreg:$0x0] =	wrdreg $0xFFFFFFFF;
	(pc) =	sbr.abs _section_cstart, $3  }
0xc2: {  	[dreg:$0x1] =	wrdreg $0xFFFFFFFF  }
0xc3: {  	_ =	task.clear_ibuf [dreg:s7], $0x2FFFF;
	_ =	strace $0x9FFFFFFF  }
0xc4: {  	(tm) =	ssettm $0x7FFFFFFF  }
0xc5: {  	_ =	shalt  }
tec
execute0_lowered:
.L_overlay_start_1:
0x0: {  	(tag) =	ssettag $0x1  }
0x1: {  	s7 =	rddreg [dreg:$0x0]  }
0x2: {  	s1 =	rddreg [dreg:$0x1]  }
0x3: {  	s2 =	rddreg [dreg:$0x2]  }
0x4: {  	s4 =	srdreg.scid;
	s3 =	stileid.u32  }
0x5: {  	s29 =	rddreg [dreg:$0x3];
	s6 =	simm.s32 $0x0;
	s0 =	simm.s32 $0x0  }
0x6: {  	s31 =	simm.s32 $0xB000;
	s28 =	simm.s32 $0x6;
	s11 =	smul.u32 $0x280, s3  }
0x7: {  	s30 =	simm.s32 $0x3;
	s4 =	sand.u32 $0x1, s4;
	s9 =	smul.u32 $0x278, s3  }
0x8: {  	[smem:$0x7FF] =	sst s6;
	s12 =	sadd.s32 $0x16400, s7;
	s10 =	smul.u32 $0x27800, s3  }
0x9: {  	s8 =	sshll.u32 s3, $0x1;
	s5 =	smul.u32 $0x2800, s4;
	s15 =	ssub.s32 $0x2, s4  }
0xa: {  	_ =	strace $0x80000047;
	s16 =	sshrl.u32 s15, $0x1;
	s17 =	sshrl.u32 s10, $0x2  }
0xb: {  	s14 =	sadd.s32 s11, s5;
	s5 =	sadd.s32 $0x2000, s7;
	s13 =	ssub.s32 s15, s16  }
0xc: {  	s15 =	sadd.s32 $0x80, s9;
	s16 =	sadd.s32 $0x100, s9;
	s6 =	sshrl.u32 s14, $0x3  }
0xd: {  	s14 =	sor.u32 s4, s8;
	s18 =	sshll.u32 s15, $0x6;
	s19 =	sshll.u32 s16, $0x6  }
0xe: {  	s4 =	smul.u32 $0x13C000, s4;
	s23 =	sshll.u32 s15, $0x7;
	s21 =	sadd.s32 s6, s7  }
0xf: {  	s6 =	sadd.s32 s17, s2;
	s7 =	sadd.s32 s18, s2;
	s8 =	sadd.s32 s19, s2  }
0x10: {  	s17 =	sadd.s32 $0x180, s9;
	s18 =	smul.u32 $0xA00, s14;
	s19 =	sadd.s32 $0x200, s9  }
0x11: {  	p0 =	seq.s32 s14, $0x1F;
	s14 =	simm.s32 $0x4;
	s20 =	sshll.u32 s17, $0x6  }
0x12: {  	s22 =	sshll.u32 s19, $0x6;
	s9 =	sadd.s32 s20, s2;
	s20 =	smul.u32 $0x13C00, s3  }
0x13: {  	s10 =	sadd.s32 s22, s2;
	s3 =	sadd.s32 s11, s29;
	s24 =	sadd.s32 s1, s18  }
0x14: {  	s11 =	sadd.s32 s4, s23;
	s1 =	sadd.s32 $0x13600, s1;
	s18 =	sshll.u32 s16, $0x7  }
0x15: {  	v0 =	vlaneseq.u32;
	v1 =	vimm.f32 $0.0e+00;
	v41 =	vimm.f32 $1.000000000e+00;
	s22 =	sshll.u32 s19, $0x7;
	s16 =	simm.s32 $0x5;
	[dreg:$0x6] =	wrdreg s24  }
0x16: {  	v42 =	vor.u32 $0x10, v0;
	v3 =	vor.u32 $0x20, v0;
	v4 =	vor.u32 $0x30, v0;
	[dreg:$0x7] =	wrdreg s1;
	s11 =	sshrl.u32 s11, $0x3;
	s19 =	smov.u32 s3  }
0x17: {  	v5 =	vor.u32 $0x40, v0;
	v6 =	vor.u32 $0x50, v0;
	v7 =	vor.u32 $0x60, v0;
	s25 =	sadd.s32 s20, s4;
	s15 =	sadd.s32 s12, s11;
	s20 =	sshll.u32 s17, $0x7  }
0x18: {  	v8 =	vor.u32 $0x70, v0;
	v9 =	vor.u32 $0x80, v0;
	v10 =	vor.u32 $0x90, v0;
	s17 =	simm.s32 $0x9;
	[dreg:$0x5] =	wrdreg s19;
	s26 =	sshrl.u32 s25, $0x3  }
0x19: {  	v11 =	vor.u32 $0xA0, v0;
	v12 =	vor.u32 $0xB0, v0;
	v13 =	vor.u32 $0xC0, v0;
	[dreg:$0x9] =	wrdreg s15;
	s11 =	sadd.s32 s4, s20;
	s25 =	sadd.s32 $0x15A00, s21  }
0x1a: {  	v14 =	vor.u32 $0xD0, v0;
	v15 =	vor.u32 $0xE0, v0;
	v16 =	vor.u32 $0xF0, v0;
	s21 =	simm.s32 $0x5000;
	s20 =	simm.s32 $0x11A80;
	s15 =	simm.s32 $0x8  }
0x1b: {  	v17 =	vor.u32 $0x100, v0;
	v18 =	vor.u32 $0x110, v0;
	v19 =	vor.u32 $0x120, v0;
	s1 =	sadd.s32 s12, s26;
	s23 =	sshrl.u32 s11, $0x3;
	[dreg:$0xd] =	wrdreg s25  }
0x1c: {  	v20 =	vor.u32 $0x130, v0;
	v21 =	vor.u32 $0x140, v0;
	v22 =	vor.u32 $0x150, v0;
	s26 =	smax.u32 s13, $0x1;
	s13 =	simm.s32 $0xF000;
	s25 =	simm.s32 $0x2  }
0x1d: {  	v23 =	vor.u32 $0x160, v0;
	v24 =	vor.u32 $0x170, v0;
	v25 =	vor.u32 $0x180, v0;
	[dreg:$0x8] =	wrdreg s1;
	s1 =	sadd.s32 s4, s18;
	s4 =	sadd.s32 s4, s22  }
0x1e: {  	v26 =	vor.u32 $0x190, v0;
	v27 =	vor.u32 $0x1A0, v0;
	v28 =	vor.u32 $0x1B0, v0;
	[dreg:$0xe] =	wrdreg s26;
	s22 =	simm.s32 $0xB;
	s1 =	sshrl.u32 s1, $0x3  }
0x1f: {  	v29 =	vor.u32 $0x1C0, v0;
	v30 =	vor.u32 $0x1D0, v0;
	v31 =	vor.u32 $0x1E0, v0;
	s26 =	simm.s32 $0x7000;
	s4 =	sshrl.u32 s4, $0x3;
	s1 =	sadd.s32 s12, s1  }
0x20: {  	v32 =	vor.u32 $0x1F0, v0;
	v33 =	vor.u32 $0x200, v0;
	v34 =	vor.u32 $0x210, v0;
	s24 =	sadd.s32 s12, s4;
	s4 =	simm.s32 $0x0;
	[dreg:$0xa] =	wrdreg s1  }
0x21: {  	v35 =	vor.u32 $0x220, v0;
	v36 =	vor.u32 $0x230, v0;
	v40 =	vor.u32 $0x270, v0;
	s1 =	sadd.s32 s12, s23;
	[dreg:$0xc] =	wrdreg s24;
	s24 =	simm.s32 $0x80  }
0x22: {  	v37 =	vor.u32 $0x240, v0;
	v38 =	vor.u32 $0x250, v0;
	v39 =	vor.u32 $0x260, v0;
	[tilespmem:$0x1FFF0] =	vst v40;
	s12 =	simm.s32 $0x1;
	[dreg:$0xb] =	wrdreg s1;
	s1 =	simm.s32 $0x7  }
.LBB2_1:
0x23: {  	[tilespmem:$0x11A80] =	vst v1  }
0x24: {  	[tilespmem:$0x11A90] =	vst v1  }
0x25: {  	[tilespmem:$0x11AA0] =	vst v1  }
0x26: {  	[tilespmem:$0x11AB0] =	vst v1  }
0x27: {  	[tilespmem:$0x11AC0] =	vst v1  }
0x28: {  	[tilespmem:$0x11AD0] =	vst v1  }
0x29: {  	[tilespmem:$0x11AE0] =	vst v1  }
0x2a: {  	[tilespmem:$0x11AF0] =	vst v1  }
0x2b: {  	[tilespmem:$0x11B00] =	vst v1  }
0x2c: {  	[tilespmem:$0x11B10] =	vst v1  }
0x2d: {  	[tilespmem:$0x11B20] =	vst v1  }
0x2e: {  	[tilespmem:$0x11B30] =	vst v1  }
0x2f: {  	[tilespmem:$0x11B40] =	vst v1  }
0x30: {  	[tilespmem:$0x11B50] =	vst v1  }
0x31: {  	[tilespmem:$0x11B60] =	vst v1  }
0x32: {  	[tilespmem:$0x11B70] =	vst v1  }
0x33: {  	[tilespmem:$0x11B80] =	vst v1  }
0x34: {  	[tilespmem:$0x11B90] =	vst v1  }
0x35: {  	[tilespmem:$0x11BA0] =	vst v1  }
0x36: {  	[tilespmem:$0x11BB0] =	vst v1  }
0x37: {  	[tilespmem:$0x11BC0] =	vst v1  }
0x38: {  	[tilespmem:$0x11BD0] =	vst v1  }
0x39: {  	[tilespmem:$0x11BE0] =	vst v1  }
0x3a: {  	[tilespmem:$0x11BF0] =	vst v1  }
0x3b: {  	[tilespmem:$0x11C00] =	vst v1  }
0x3c: {  	[tilespmem:$0x11C10] =	vst v1  }
0x3d: {  	[tilespmem:$0x11C20] =	vst v1  }
0x3e: {  	[tilespmem:$0x11C30] =	vst v1  }
0x3f: {  	[tilespmem:$0x11C40] =	vst v1  }
0x40: {  	[tilespmem:$0x11C50] =	vst v1  }
0x41: {  	[tilespmem:$0x11C60] =	vst v1  }
0x42: {  	[tilespmem:$0x11C70] =	vst v1  }
0x43: {  	[tilespmem:$0x11C80] =	vst v1  }
0x44: {  	[tilespmem:$0x11C90] =	vst v1  }
0x45: {  	[tilespmem:$0x11CA0] =	vst v1  }
0x46: {  	[tilespmem:$0x11CB0] =	vst v1  }
0x47: {  	[tilespmem:$0x11CC0] =	vst v1  }
0x48: {  	[tilespmem:$0x11CD0] =	vst v1  }
0x49: {  	[tilespmem:$0x11CE0] =	vst v1  }
0x4a: {  	[tilespmem:$0x11CF0] =	vst v1;
	s11 =	simm.s32 $0x0  }
0x4b: {  	[tilespmem:s11+$0x5000] =	vst v1  }
0x4c: {  	[tilespmem:s11+$0x5010] =	vst v1  }
0x4d: {  	[tilespmem:s11+$0x5020] =	vst v1  }
0x4e: {  	[dreg:$0xf] =	wrdreg s4;
	s4 =	simm.s32 $0x11D40;
	[tilespmem:s11+$0x5030] =	vst v1;
	s11 =	simm.s32 $0x100  }
.LBB2_2:
0x4f: {  	p1 =	sne.s32 s11, $0x7F00;
	[tilespmem:s4+$0x30] =	vst v1  }
0x50: {  	[tilespmem:s4+$0xFFFFFFE0] =	vst v1  }
0x51: {  	[tilespmem:s4+$0x10] =	vst v1  }
0x52: {  	[tilespmem:s4+$0x20] =	vst v1  }
0x53: {  	[tilespmem:s4+$0x0] =	vst v1  }
0x54: {  	[tilespmem:s4+$0xFFFFFFF0] =	vst v1  }
0x55: {  	[tilespmem:s4+$0xFFFFFFD0] =	vst v1  }
.Ltmp0:
0x56: {  	s18 =	sshra.s32 s11, $0x2;
	[tilespmem:s4+$0xFFFFFFC0] =	vst v1;
	(pc) =	sbr.rel @p1 .LBB2_2-.Ltmp0, $4  }
0x57: {  	[tilespmem:s18+$0x5000] =	vst v1  }
0x58: {  	[tilespmem:s18+$0x5010] =	vst v1  }
0x59: {  	[tilespmem:s18+$0x5020] =	vst v1  }
0x5a: {  	s11 =	sadd.s32 $0x100, s11;
	s4 =	sadd.s32 $0x80, s4;
	[tilespmem:s18+$0x5030] =	vst v1  }
0x5b: {  	[tilespmem:s4+$0x30] =	vst v1  }
0x5c: {  	[tilespmem:s4+$0xFFFFFFE0] =	vst v1  }
0x5d: {  	[tilespmem:s4+$0x10] =	vst v1  }
0x5e: {  	[tilespmem:s4+$0x20] =	vst v1  }
0x5f: {  	[tilespmem:s4+$0x0] =	vst v1  }
0x60: {  	[tilespmem:s4+$0xFFFFFFF0] =	vst v1  }
0x61: {  	[tilespmem:s4+$0xFFFFFFD0] =	vst v1  }
0x62: {  	[tilespmem:s4+$0xFFFFFFC0] =	vst v1  }
0x63: {  	[spmem:s6] =	stream.linear.scatter [tilespmem:s21], [sflag:$0xB], $0x2000, $0x38;
	[tilespmem:$0x1FD80] =	vst v63  }
0x64: {  	_ =	swait.ge [sflag:s22], $0x2000  }
0x65: {  	[sflag:s22] =	ssyncset.done $0x0  }
0x66: {  	[sflag:s22] =	ssyncadd.s32 $0xFFFFE000  }
0x67: {  	[spmem:s7] =	stream.linear.scatter [tilespmem:s21], [sflag:$0xB], $0x2000, $0x38;
	[tilespmem:$0x1FD80] =	vst v63  }
0x68: {  	_ =	swait.ge [sflag:s22], $0x2000  }
0x69: {  	[sflag:s22] =	ssyncset.done $0x0  }
0x6a: {  	[sflag:s22] =	ssyncadd.s32 $0xFFFFE000  }
0x6b: {  	[spmem:s8] =	stream.linear.scatter [tilespmem:s21], [sflag:$0xB], $0x2000, $0x38;
	[tilespmem:$0x1FD80] =	vst v63  }
0x6c: {  	_ =	swait.ge [sflag:s22], $0x2000  }
0x6d: {  	[sflag:s22] =	ssyncset.done $0x0  }
0x6e: {  	[sflag:s22] =	ssyncadd.s32 $0xFFFFE000  }
0x6f: {  	[spmem:s9] =	stream.linear.scatter [tilespmem:s21], [sflag:$0xB], $0x2000, $0x38;
	[tilespmem:$0x1FD80] =	vst v63  }
0x70: {  	_ =	swait.ge [sflag:s22], $0x2000  }
0x71: {  	[sflag:s22] =	ssyncset.done $0x0  }
0x72: {  	[sflag:s22] =	ssyncadd.s32 $0xFFFFE000  }
0x73: {  	[spmem:s10] =	stream.linear.scatter [tilespmem:s21], [sflag:$0xB], $0x1E00, $0x38;
	[tilespmem:$0x1FD80] =	vst v63  }
0x74: {  	_ =	swait.ge [sflag:s22], $0x1E00  }
0x75: {  	[sflag:s22] =	ssyncset.done $0x0  }
.Ltmp1:
0x76: {  	[sflag:s22] =	ssyncadd.s32 $0xFFFFE200;
	(pc) =	sbr.rel @!p0 .LBB2_4-.Ltmp1, $4  }
0x77: {  	[spmem:s19] =	stream.linear.scatter [tilespmem:s20], [sflag:$0xB], $0x280, $0x38;
	[tilespmem:$0x1FD80] =	vst v63  }
0x78: {  	_ =	swait.ge [sflag:s22], $0x280  }
0x79: {  	[sflag:s22] =	ssyncset.done $0x0  }
0x7a: {  	[sflag:s22] =	ssyncadd.s32 $0xFFFFFD80  }
0x7b: {  	v40 =	vmovc v39;
	v39 =	vmov v38;
	v38 =	vmov v37;
	v37 =	vmov v36  }
0x7c: {  	v36 =	vmovc v35;
	v35 =	vmovc v34;
	v34 =	vmov v33;
	v33 =	vmov v32;
	v32 =	vmov v31  }
0x7d: {  	v31 =	vmovc v30;
	v30 =	vmovc v29;
	v29 =	vmov v28;
	v28 =	vmov v27;
	v27 =	vmov v26  }
0x7e: {  	v26 =	vmovc v25;
	v25 =	vmovc v24;
	v24 =	vmov v23;
	v23 =	vmov v22;
	v22 =	vmov v21  }
0x7f: {  	v21 =	vmovc v20;
	v20 =	vmovc v19;
	v19 =	vmov v18;
	v18 =	vmov v17;
	v17 =	vmov v16  }
0x80: {  	v16 =	vmovc v15;
	v15 =	vmovc v14;
	v14 =	vmov v13;
	v13 =	vmov v12;
	v12 =	vmov v11  }
0x81: {  	v11 =	vmovc v10;
	v10 =	vmovc v9;
	v9 =	vmov v8;
	v8 =	vmov v7;
	v7 =	vmov v6;
	s4 =	simm.s32 $0xA00  }
0x82: {  	v6 =	vmovc v5;
	v5 =	vmovc v4;
	v4 =	vmov v3;
	v3 =	vmov v42;
	s11 =	simm.s32 $0xA10;
	v42 =	vor.u32 s4, v0  }
0x83: {  	s18 =	simm.s32 $0xA20;
	v43 =	vor.u32 s11, v0;
	v44 =	vmulhi.u32 $0xD1B71759, v42  }
0x84: {  	s20 =	simm.s32 $0xA30;
	v46 =	vor.u32 s18, v0;
	v45 =	vmulhi.u32 $0xD1B71759, v43  }
0x85: {  	s23 =	simm.s32 $0xA40;
	v48 =	vor.u32 s20, v0;
	v47 =	vmulhi.u32 $0xD1B71759, v46  }
0x86: {  	s19 =	simm.s32 $0xA50;
	v50 =	vor.u32 s23, v0;
	v49 =	vmulhi.u32 $0xD1B71759, v48  }
0x87: {  	s3 =	simm.s32 $0xA70;
	s29 =	simm.s32 $0xA60;
	v52 =	vor.u32 s19, v0;
	v51 =	vmulhi.u32 $0xD1B71759, v50  }
0x88: {  	v53 =	vmov s3;
	v63 =	vor.u32 s29, v0;
	v55 =	vmulhi.u32 $0xD1B71759, v52  }
0x89: {  	v54 =	vmov s4;
	v53 =	vshrl.u32 v53, $0x4;
	v2 =	vmulhi.u32 $0xD1B71759, v63  }
0x8a: {  	v56 =	vmov s11;
	v54 =	vshrl.u32 v54, $0x4;
	v53 =	vmulhi.u32 $0x24924925, v53  }
0x8b: {  	v57 =	vmov s18;
	v56 =	vshrl.u32 v56, $0x4;
	v54 =	vmulhi.u32 $0x24924925, v54  }
0x8c: {  	v58 =	vmov s20;
	v57 =	vshrl.u32 v57, $0x4;
	v56 =	vmulhi.u32 $0x24924925, v56  }
0x8d: {  	v59 =	vmov s23;
	v58 =	vshrl.u32 v58, $0x4;
	v57 =	vmulhi.u32 $0x24924925, v57  }
0x8e: {  	v60 =	vmov s29;
	v59 =	vshrl.u32 v59, $0x4;
	v58 =	vmulhi.u32 $0x24924925, v58  }
0x8f: {  	v61 =	vmov s19;
	v60 =	vshrl.u32 v60, $0x4;
	v59 =	vmulhi.u32 $0x24924925, v59  }
0x90: {  	v61 =	vshrl.u32 v61, $0x4;
	v60 =	vmulhi.u32 $0x24924925, v60  }
0x91: {  	v62 =	vor.u32 s3, v0;
	v61 =	vmulhi.u32 $0x24924925, v61;
	v44 =	vshrl.u32 v44, $0xD  }
0x92: {  	v45 =	vshrl.u32 v45, $0xD;
	v2 =	vshrl.u32 v2, $0xD;
	v47 =	vshrl.u32 v47, $0xD  }
0x93: {  	v49 =	vshrl.u32 v49, $0xD;
	v54 =	vmul.u32 $0x70, v54;
	v60 =	vmul.u32 $0x70, v60  }
0x94: {  	v56 =	vmul.u32 $0x70, v56;
	v57 =	vmul.u32 $0x70, v57;
	v58 =	vmul.u32 $0x70, v58  }
0x95: {  	s4 =	rddreg [dreg:$0x7];
	v59 =	vmul.u32 $0x70, v59;
	v2 =	vmul.u32 $0x2710, v2;
	v61 =	vmul.u32 $0x70, v61  }
0x96: {  	[tilespmem:s0], [sflag:$0xB] =	stream.linear.gather [hbm4b:s4+s0], $0x1400, $0x38;
	v44 =	vmul.u32 $0x2710, v44;
	v45 =	vmul.u32 $0x2710, v45;
	v47 =	vmul.u32 $0x2710, v47;
	[tilespmem:$0x1FD80] =	vst v63  }
0x97: {  	_ =	swait.ge [sflag:s22], $0x1400;
	v49 =	vmul.u32 $0x2710, v49;
	v60 =	vsub.s32 v63, v60;
	v54 =	vsub.s32 v42, v54  }
0x98: {  	[sflag:s22] =	ssyncset.done $0x0;
	v56 =	vsub.s32 v43, v56;
	v57 =	vsub.s32 v46, v57;
	v58 =	vsub.s32 v48, v58  }
0x99: {  	s20 =	simm.s32 $0x14F0;
	[sflag:s22] =	ssyncadd.s32 $0xFFFFEC00;
	v59 =	vsub.s32 v50, v59;
	v2 =	vsub.s32 v63, v2;
	v44 =	vsub.s32 v42, v44  }
0x9a: {  	s11 =	simm.s32 $0xA80;
	v61 =	vsub.s32 v52, v61;
	v45 =	vsub.s32 v43, v45;
	v46 =	vsub.s32 v46, v47;
	[tilespmem:s20+$0xFFFFFF90] =	vst v44  }
0x9b: {  	v48 =	vsub.s32 v48, v49;
	v42 =	vor.u32 s11, v0;
	v63 =	vmul.u32 $0x70, v53;
	[tilespmem:s20+$0xFFFFFFA0] =	vst v45  }
0x9c: {  	v60 =	vadd.s32 $0x2710, v60;
	v54 =	vadd.s32 $0x2710, v54;
	v56 =	vadd.s32 $0x2710, v56;
	[tilespmem:s20+$0xFFFFFFB0] =	vst v46  }
0x9d: {  	s23 =	simm.s32 $0xAA0;
	s3 =	simm.s32 $0xAB0;
	v57 =	vadd.s32 $0x2710, v57;
	v58 =	vadd.s32 $0x2710, v58;
	v59 =	vadd.s32 $0x2710, v59;
	[tilespmem:s20+$0xFFFFFFC0] =	vst v48  }
0x9e: {  	s29 =	simm.s32 $0xAC0;
	v53 =	vmulhi.u32 $0xD1B71759, v42;
	v44 =	vor.u32 s23, v0;
	v45 =	vor.u32 s3, v0;
	[tilespmem:s20+$0xFFFFFF70] =	vst v60  }
0x9f: {  	v46 =	vor.u32 s29, v0;
	v60 =	vadd.s32 $0x2710, v61;
	[tilespmem:s20+$0xFFFFFF10] =	vst v54;
	v61 =	vmulhi.u32 $0xD1B71759, v62  }
0xa0: {  	s4 =	simm.s32 $0xAF0;
	[tilespmem:s20+$0xFFFFFF20] =	vst v56;
	v54 =	vshrl.u32 v51, $0xD;
	v56 =	vshrl.u32 v55, $0xD;
	v49 =	vmulhi.u32 $0xD1B71759, v46  }
0xa1: {  	[tilespmem:s20+$0xFFFFFF50] =	vst v59;
	v59 =	vmov s4;
	v43 =	vmul.u32 $0x2710, v54;
	v47 =	vmul.u32 $0x2710, v56  }
0xa2: {  	s19 =	simm.s32 $0xA90;
	[tilespmem:s20+$0xFFFFFF60] =	vst v60;
	v48 =	vshrl.u32 v59, $0x4;
	v60 =	vshrl.u32 v61, $0xD;
	v61 =	vsub.s32 v62, v63  }
0xa3: {  	v48 =	vmulhi.u32 $0x24924925, v48;
	v55 =	vsub.s32 v50, v43;
	v43 =	vor.u32 s19, v0  }
0xa4: {  	[tilespmem:s20+$0xFFFFFFF0] =	vst v2;
	v56 =	vsub.s32 v52, v47;
	v47 =	vmul.u32 $0x2710, v60;
	v50 =	vmulhi.u32 $0xD1B71759, v44  }
0xa5: {  	[tilespmem:s20+$0xFFFFFF30] =	vst v57;
	v63 =	vadd.s32 $0x2710, v61;
	v52 =	vmulhi.u32 $0xD1B71759, v45;
	v60 =	vmov s11  }
0xa6: {  	v61 =	vmov s19;
	v54 =	vmulhi.u32 $0xD1B71759, v43;
	[tilespmem:s20+$0xFFFFFFD0] =	vst v55;
	v55 =	vshrl.u32 v60, $0x4  }
0xa7: {  	s18 =	simm.s32 $0xAD0;
	[tilespmem:s20+$0xFFFFFF40] =	vst v58;
	v2 =	vshrl.u32 v61, $0x4;
	v58 =	vsub.s32 v62, v47;
	v55 =	vmulhi.u32 $0x24924925, v55  }
0xa8: {  	[tilespmem:s20+$0xFFFFFFE0] =	vst v56;
	v47 =	vor.u32 s18, v0;
	v62 =	vmov s23;
	v56 =	vmulhi.u32 $0x24924925, v2  }
0xa9: {  	[tilespmem:s20+$0xFFFFFF80] =	vst v63;
	v63 =	vmov s3;
	v51 =	vmulhi.u32 $0xD1B71759, v47;
	v2 =	vshrl.u32 v62, $0x4  }
0xaa: {  	s11 =	simm.s32 $0xAE0;
	v59 =	vshrl.u32 v63, $0x4;
	s23 =	simm.s32 $0xB70;
	[tilespmem:s20+$0x0] =	vst v58;
	v58 =	vmov s29;
	v57 =	vmulhi.u32 $0x24924925, v2  }
.LBB2_6:
0xab: {  	p1 =	sne.s32 s23, $0x27F0;
	v2 =	vmulhi.u32 $0x24924925, v59;
	v58 =	vshrl.u32 v58, $0x4;
	v59 =	vmov s11  }
0xac: {  	v60 =	vmov s18;
	v58 =	vmulhi.u32 $0x24924925, v58;
	v59 =	vshrl.u32 v59, $0x4  }
0xad: {  	v60 =	vshrl.u32 v60, $0x4;
	v59 =	vmulhi.u32 $0x24924925, v59  }
0xae: {  	v53 =	vshrl.u32 v53, $0xD;
	v61 =	vor.u32 s4, v0;
	s4 =	smov.u32 s23;
	v60 =	vmulhi.u32 $0x24924925, v60  }
0xaf: {  	v55 =	vmul.u32 $0x70, v55;
	v54 =	vshrl.u32 v54, $0xD;
	v59 =	vmul.u32 $0x70, v59  }
0xb0: {  	v56 =	vmul.u32 $0x70, v56;
	v62 =	vor.u32 s11, v0;
	v57 =	vmul.u32 $0x70, v57  }
0xb1: {  	v63 =	vmulhi.u32 $0xD1B71759, v62;
	v2 =	vmul.u32 $0x70, v2;
	v59 =	vsub.s32 v62, v59  }
0xb2: {  	s20 =	sadd.s32 $0x100, s20;
	v55 =	vsub.s32 v42, v55;
	v58 =	vmul.u32 $0x70, v58;
	v59 =	vadd.s32 $0x2710, v59  }
0xb3: {  	v56 =	vsub.s32 v43, v56;
	v55 =	vadd.s32 $0x2710, v55;
	[tilespmem:s20+$0xFFFFFF70] =	vst v59;
	v59 =	vshrl.u32 v63, $0xD  }
0xb4: {  	[tilespmem:s20+$0xFFFFFF10] =	vst v55;
	v55 =	vadd.s32 $0x2710, v56;
	v56 =	vsub.s32 v44, v57;
	v57 =	vmul.u32 $0x2710, v59  }
0xb5: {  	v2 =	vsub.s32 v45, v2;
	[tilespmem:s20+$0xFFFFFF20] =	vst v55;
	v55 =	vadd.s32 $0x2710, v56;
	v56 =	vmul.u32 $0x70, v60  }
0xb6: {  	v2 =	vadd.s32 $0x2710, v2;
	[tilespmem:s20+$0xFFFFFF30] =	vst v55;
	v55 =	vsub.s32 v46, v58;
	v57 =	vsub.s32 v62, v57  }
0xb7: {  	v53 =	vmul.u32 $0x2710, v53;
	[tilespmem:s20+$0xFFFFFF40] =	vst v2;
	v2 =	vadd.s32 $0x2710, v55;
	v55 =	vsub.s32 v47, v56  }
0xb8: {  	v50 =	vshrl.u32 v50, $0xD;
	v54 =	vmul.u32 $0x2710, v54;
	[tilespmem:s20+$0xFFFFFF50] =	vst v2;
	v2 =	vadd.s32 $0x2710, v55  }
0xb9: {  	v52 =	vshrl.u32 v52, $0xD;
	v50 =	vmul.u32 $0x2710, v50;
	v42 =	vsub.s32 v42, v53;
	[tilespmem:s20+$0xFFFFFF60] =	vst v2  }
0xba: {  	v2 =	vsub.s32 v43, v54;
	v43 =	vshrl.u32 v49, $0xD;
	[tilespmem:s20+$0xFFFFFF90] =	vst v42;
	v42 =	vmul.u32 $0x2710, v52  }
0xbb: {  	v43 =	vmul.u32 $0x2710, v43;
	[tilespmem:s20+$0xFFFFFFA0] =	vst v2;
	v2 =	vsub.s32 v44, v50;
	v44 =	vshrl.u32 v51, $0xD  }
0xbc: {  	s3 =	sadd.s32 $0xFFFFFF90, s23;
	[tilespmem:s20+$0xFFFFFFB0] =	vst v2;
	v2 =	vsub.s32 v45, v42;
	v44 =	vmul.u32 $0x2710, v44;
	v45 =	vmulhi.u32 $0xD1B71759, v61  }
0xbd: {  	s11 =	sadd.s32 $0xFFFFFFA0, s23;
	v42 =	vor.u32 s3, v0;
	[tilespmem:s20+$0xFFFFFFC0] =	vst v2;
	v2 =	vsub.s32 v46, v43;
	v46 =	vmul.u32 $0x70, v48  }
0xbe: {  	v43 =	vor.u32 s11, v0;
	[tilespmem:s20+$0xFFFFFFD0] =	vst v2;
	v2 =	vsub.s32 v47, v44;
	v44 =	vshrl.u32 v45, $0xD  }
0xbf: {  	s19 =	sadd.s32 $0xFFFFFFB0, s23;
	v53 =	vmulhi.u32 $0xD1B71759, v42;
	[tilespmem:s20+$0xFFFFFFE0] =	vst v2;
	v2 =	vsub.s32 v61, v46;
	v46 =	vmul.u32 $0x2710, v44  }
0xc0: {  	s29 =	sadd.s32 $0xFFFFFFC0, s23;
	v54 =	vmulhi.u32 $0xD1B71759, v43;
	v44 =	vor.u32 s19, v0;
	[tilespmem:s20+$0xFFFFFFF0] =	vst v57;
	v2 =	vadd.s32 $0x2710, v2  }
0xc1: {  	s0 =	sadd.s32 $0xFFFFFFD0, s23;
	v45 =	vor.u32 s29, v0;
	v50 =	vmulhi.u32 $0xD1B71759, v44;
	[tilespmem:s20+$0xFFFFFF80] =	vst v2;
	v2 =	vsub.s32 v61, v46  }
0xc2: {  	s18 =	sadd.s32 $0xFFFFFFE0, s23;
	v52 =	vmulhi.u32 $0xD1B71759, v45;
	v46 =	vor.u32 s0, v0;
	[tilespmem:s20+$0x0] =	vst v2  }
0xc3: {  	v47 =	vor.u32 s18, v0;
	v49 =	vmulhi.u32 $0xD1B71759, v46;
	v2 =	vmov s23  }
.Ltmp2:
0xc4: {  	v48 =	vmov s3;
	v51 =	vmulhi.u32 $0xD1B71759, v47;
	v2 =	vshrl.u32 v2, $0x4;
	(pc) =	sbr.rel @p1 .LBB2_6-.Ltmp2, $4  }
0xc5: {  	v56 =	vmov s11;
	v55 =	vshrl.u32 v48, $0x4;
	v48 =	vmulhi.u32 $0x24924925, v2  }
0xc6: {  	v55 =	vmulhi.u32 $0x24924925, v55;
	v57 =	vmov s19;
	v2 =	vshrl.u32 v56, $0x4  }
0xc7: {  	v58 =	vmov s29;
	v56 =	vmulhi.u32 $0x24924925, v2;
	v2 =	vshrl.u32 v57, $0x4  }
0xc8: {  	v59 =	vshrl.u32 v58, $0x4;
	v58 =	vmov s0;
	s11 =	sadd.s32 $0xFFFFFFF0, s4;
	s23 =	sadd.s32 $0x80, s23;
	v57 =	vmulhi.u32 $0x24924925, v2  }
0xc9: {  	v2 =	vmov s11  }
0xca: {  	v59 =	vmulhi.u32 $0x24924925, v59;
	v58 =	vshrl.u32 v58, $0x4;
	v60 =	vmov s18  }
0xcb: {  	v53 =	vshrl.u32 v53, $0xD;
	v61 =	vor.u32 s4, v0;
	v55 =	vmul.u32 $0x70, v55  }
0xcc: {  	v54 =	vshrl.u32 v54, $0xD;
	v62 =	vor.u32 s11, v0;
	v2 =	vshrl.u32 v2, $0x4  }
0xcd: {  	v56 =	vmul.u32 $0x70, v56;
	v50 =	vshrl.u32 v50, $0xD;
	v2 =	vmulhi.u32 $0x24924925, v2  }
0xce: {  	v52 =	vshrl.u32 v52, $0xD;
	v58 =	vmulhi.u32 $0x24924925, v58;
	v60 =	vshrl.u32 v60, $0x4  }
0xcf: {  	v57 =	vmul.u32 $0x70, v57;
	v63 =	vmulhi.u32 $0xD1B71759, v62;
	v2 =	vmul.u32 $0x70, v2  }
0xd0: {  	v53 =	vmul.u32 $0x2710, v53;
	v54 =	vmul.u32 $0x2710, v54;
	v55 =	vsub.s32 v42, v55  }
0xd1: {  	s0 =	sadd.s32 $0x100, s20;
	v60 =	vmulhi.u32 $0x24924925, v60;
	v55 =	vadd.s32 $0x2710, v55;
	v2 =	vsub.s32 v62, v2  }
0xd2: {  	v59 =	vmul.u32 $0x70, v59;
	v56 =	vsub.s32 v43, v56;
	[tilespmem:s0+$0xFFFFFF10] =	vst v55;
	v2 =	vadd.s32 $0x2710, v2  }
0xd3: {  	v55 =	vadd.s32 $0x2710, v56;
	v56 =	vsub.s32 v44, v57;
	[tilespmem:s0+$0xFFFFFF70] =	vst v2;
	v2 =	vmul.u32 $0x70, v58  }
0xd4: {  	v60 =	vmul.u32 $0x70, v60;
	[tilespmem:s0+$0xFFFFFF20] =	vst v55;
	v55 =	vadd.s32 $0x2710, v56;
	v56 =	vsub.s32 v45, v59  }
0xd5: {  	v50 =	vmul.u32 $0x2710, v50;
	[tilespmem:s0+$0xFFFFFF30] =	vst v55;
	v59 =	vadd.s32 $0x2710, v56;
	v2 =	vsub.s32 v46, v2  }
0xd6: {  	v57 =	vmulhi.u32 $0xD1B71759, v61;
	v60 =	vsub.s32 v47, v60;
	[tilespmem:s0+$0xFFFFFF40] =	vst v59;
	v2 =	vadd.s32 $0x2710, v2  }
0xd7: {  	v58 =	vshrl.u32 v63, $0xD;
	v63 =	vsub.s32 v42, v53;
	[tilespmem:s0+$0xFFFFFF50] =	vst v2;
	v2 =	vadd.s32 $0x2710, v60  }
0xd8: {  	v53 =	vmul.u32 $0x2710, v52;
	[tilespmem:s0+$0xFFFFFF60] =	vst v2;
	v2 =	vsub.s32 v43, v54;
	v54 =	vshrl.u32 v49, $0xD  }
0xd9: {  	v55 =	vshrl.u32 v51, $0xD;
	[tilespmem:s0+$0xFFFFFFA0] =	vst v2;
	v2 =	vsub.s32 v44, v50;
	v43 =	vmul.u32 $0x2710, v54  }
0xda: {  	v56 =	vmul.u32 $0x2710, v55;
	v60 =	vshrl.u32 v57, $0xD;
	[tilespmem:s0+$0xFFFFFFB0] =	vst v2;
	v2 =	vsub.s32 v45, v53  }
0xdb: {  	v59 =	vmul.u32 $0x70, v48;
	v42 =	vmul.u32 $0x2710, v60;
	[tilespmem:s0+$0xFFFFFFC0] =	vst v2;
	v2 =	vsub.s32 v46, v43  }
0xdc: {  	v58 =	vmul.u32 $0x2710, v58;
	[tilespmem:s0+$0xFFFFFFD0] =	vst v2;
	v2 =	vsub.s32 v47, v56  }
0xdd: {  	[tilespmem:s0+$0xFFFFFFE0] =	vst v2;
	v2 =	vsub.s32 v61, v59  }
0xde: {  	[tilespmem:s0+$0xFFFFFF90] =	vst v63;
	v63 =	vsub.s32 v62, v58;
	v2 =	vadd.s32 $0x2710, v2  }
0xdf: {  	[tilespmem:s0+$0xFFFFFF80] =	vst v2;
	v2 =	vsub.s32 v61, v42;
	v42 =	vmovc v3;
	v3 =	vmov v4;
	v4 =	vmov v5  }
0xe0: {  	v5 =	vmovc v6;
	v6 =	vmovc v7;
	v7 =	vmov v8;
	v8 =	vmov v9;
	v9 =	vmov v10  }
0xe1: {  	v10 =	vmovc v11;
	v11 =	vmovc v12;
	v12 =	vmov v13;
	v13 =	vmov v14;
	v14 =	vmov v15  }
.Ltmp3:
0xe2: {  	v15 =	vmovc v16;
	v16 =	vmovc v17;
	v17 =	vmov v18;
	v18 =	vmov v19;
	v19 =	vmov v20;
	(pc) =	sbr.rel .LBB2_8-.Ltmp3, $4  }
0xe3: {  	v20 =	vmovc v21;
	v21 =	vmovc v22;
	v22 =	vmov v23;
	v23 =	vmov v24;
	v24 =	vmov v25  }
0xe4: {  	v25 =	vmovc v26;
	v26 =	vmovc v27;
	v27 =	vmov v28;
	v28 =	vmov v29;
	v29 =	vmov v30  }
0xe5: {  	s29 =	rddreg [dreg:$0x3];
	[tilespmem:s0+$0xFFFFFFF0] =	vst v63;
	v30 =	vmovc v31;
	v31 =	vmovc v32;
	v32 =	vmov v33;
	v33 =	vmov v34;
	v34 =	vmov v35  }
0xe6: {  	s19 =	rddreg [dreg:$0x5];
	v35 =	vmovc v36;
	v36 =	vmovc v37;
	v37 =	vmov v38;
	v38 =	vmov v39;
	v39 =	vmov v40;
	v40 =	vld [tilespmem:$0x1FFF0];
	[tilespmem:s0+$0x0] =	vst v2  }
.LBB2_4:
0xe7: {  	s3 =	rddreg [dreg:$0x6]  }
0xe8: {  	[tilespmem:s0], [sflag:$0xB] =	stream.linear.gather [hbm4b:s3+s0], $0x5000, $0x38;
	[tilespmem:$0x1FD80] =	vst v63  }
0xe9: {  	_ =	swait.ge [sflag:s22], $0x5000  }
0xea: {  	[sflag:s22] =	ssyncset.done $0x0  }
0xeb: {  	[sflag:s22] =	ssyncadd.s32 $0xFFFFB000  }
.LBB2_8:
0xec: {  	s4 =	simm.s32 $0x40;
	s11 =	simm.s32 $0x0  }
.LBB2_9:
0xed: {  	p1 =	sne.s32 s4, $0x9FC0;
	[tilespmem:s11+$0xF000] =	vst v1;
	s0 =	smov.u32 s4;
	s4 =	sadd.s32 $0x40, s4  }
.Ltmp4:
0xee: {  	(pc) =	sbr.rel @p1 .LBB2_9-.Ltmp4, $2  }
0xef: {  	_ =	sdelay $0x2  }
0xf0: {  	s11 =	sshra.s32 s0, $0x2  }
0xf1: {  	[tilespmem:s11+$0xF000] =	vst v1  }
0xf2: {  	[tilespmem:$0x11800] =	vst v0  }
0xf3: {  	[tilespmem:$0x11810] =	vst v42  }
0xf4: {  	[tilespmem:$0x11820] =	vst v3  }
0xf5: {  	[tilespmem:$0x11830] =	vst v4  }
0xf6: {  	[tilespmem:$0x11840] =	vst v5  }
0xf7: {  	[tilespmem:$0x11850] =	vst v6  }
0xf8: {  	[tilespmem:$0x11860] =	vst v7  }
0xf9: {  	[tilespmem:$0x11870] =	vst v8  }
0xfa: {  	[tilespmem:$0x11880] =	vst v9  }
0xfb: {  	[tilespmem:$0x11890] =	vst v10  }
0xfc: {  	[tilespmem:$0x118A0] =	vst v11  }
0xfd: {  	[tilespmem:$0x118B0] =	vst v12  }
0xfe: {  	[tilespmem:$0x118C0] =	vst v13  }
0xff: {  	[tilespmem:$0x118D0] =	vst v14  }
0x100: {  	[tilespmem:$0x118E0] =	vst v15  }
0x101: {  	[tilespmem:$0x118F0] =	vst v16  }
0x102: {  	[tilespmem:$0x11900] =	vst v17  }
0x103: {  	[tilespmem:$0x11910] =	vst v18  }
0x104: {  	[tilespmem:$0x11920] =	vst v19  }
0x105: {  	[tilespmem:$0x11930] =	vst v20  }
0x106: {  	[tilespmem:$0x11940] =	vst v21  }
0x107: {  	[tilespmem:$0x11950] =	vst v22  }
0x108: {  	[tilespmem:$0x11960] =	vst v23  }
0x109: {  	[tilespmem:$0x11970] =	vst v24  }
0x10a: {  	[tilespmem:$0x11980] =	vst v25  }
0x10b: {  	[tilespmem:$0x11990] =	vst v26  }
0x10c: {  	[tilespmem:$0x119A0] =	vst v27  }
0x10d: {  	[tilespmem:$0x119B0] =	vst v28  }
0x10e: {  	[tilespmem:$0x119C0] =	vst v29  }
0x10f: {  	[tilespmem:$0x119D0] =	vst v30  }
0x110: {  	[tilespmem:$0x119E0] =	vst v31  }
0x111: {  	[tilespmem:$0x119F0] =	vst v32  }
0x112: {  	[tilespmem:$0x11A00] =	vst v33  }
0x113: {  	[tilespmem:$0x11A10] =	vst v34  }
0x114: {  	[tilespmem:$0x11A20] =	vst v35  }
0x115: {  	[tilespmem:$0x11A30] =	vst v36  }
0x116: {  	[tilespmem:$0x11A40] =	vst v37  }
0x117: {  	[tilespmem:$0x11A50] =	vst v38  }
0x118: {  	[tilespmem:$0x11A60] =	vst v39  }
0x119: {  	[tilespmem:$0x11A70] =	vst v40  }
0x11a: {  	[bflag:$0x0] =	sbarrier.arrive $0xFFFF  }
0x11b: {  	[tilespmem:s21], [sflag:$0x1] =	stream.indirect.gather [hbm4b:s5+s24], $0x40, s24, s24, $0xb8;
	[tilespmem:$0x1FD80] =	vst v63  }
0x11c: {  	s0 =	simm.s32 $0x180  }
0x11d: {  	[tilespmem:s26], [sflag:$0x2] =	stream.indirect.gather [hbm4b:s5+s24], $0x40, s0, s24, $0xb8;
	[tilespmem:$0x1FD80] =	vst v63  }
0x11e: {  	s11 =	simm.s32 $0x280;
	s3 =	simm.s32 $0x9000  }
0x11f: {  	[tilespmem:s3], [sflag:$0x3] =	stream.indirect.gather [hbm4b:s5+s24], $0x40, s11, s24, $0xb8;
	[tilespmem:$0x1FD80] =	vst v63  }
0x120: {  	s18 =	simm.s32 $0x380  }
0x121: {  	[tilespmem:s31], [sflag:$0x4] =	stream.indirect.gather [hbm4b:s5+s24], $0x40, s18, s24, $0xb8;
	[tilespmem:$0x1FD80] =	vst v63  }
0x122: {  	s20 =	simm.s32 $0x480;
	s23 =	simm.s32 $0xD000  }
0x123: {  	[tilespmem:s23], [sflag:$0x5] =	stream.indirect.gather [hbm4b:s5+s24], $0x40, s20, s24, $0xb8;
	[tilespmem:$0x1FD80] =	vst v63  }
0x124: {  	s4 =	simm.s32 $0x0;
	s20 =	simm.s32 $0x400  }
.LBB2_11:
0x125: {  	_ =	swait.ge [sflag:s12], $0x2000  }
0x126: {  	[sflag:s12] =	ssyncset.done $0x0  }
0x127: {  	s23 =	sshra.s32 s4, $0x2;
	[sflag:s12] =	ssyncadd.s32 $0xFFFFE000  }
0x128: {  	[spmem:s2] =	stream.indirect.scatter.add.f32 [tilespmem:s21], [sflag:$0x6], $0x40, s23, s24, $0xb8;
	[tilespmem:$0x1FD80] =	vst v63  }
0x129: {  	v2 =	vld [tilespmem:s23+$0x0];
	_ =	sdelay $0x7  }
0x12a: {  	[tilespmem:v2+s13+$0x0] =	vst.idx.add.f32.msk $0xffff, v41  }
0x12b: {  	v2 =	vld [tilespmem:s23+$0x10];
	_ =	sdelay $0x7  }
0x12c: {  	[tilespmem:v2+s13+$0x0] =	vst.idx.add.f32.msk $0xffff, v41  }
0x12d: {  	v2 =	vld [tilespmem:s23+$0x20];
	_ =	sdelay $0x7  }
0x12e: {  	[tilespmem:v2+s13+$0x0] =	vst.idx.add.f32.msk $0xffff, v41  }
0x12f: {  	v2 =	vld [tilespmem:s23+$0x30];
	_ =	sdelay $0x7  }
0x130: {  	[tilespmem:v2+s13+$0x0] =	vst.idx.add.f32.msk $0xffff, v41  }
0x131: {  	v2 =	vld [tilespmem:s23+$0x40];
	_ =	sdelay $0x7  }
0x132: {  	[tilespmem:v2+s13+$0x0] =	vst.idx.add.f32.msk $0xffff, v41  }
0x133: {  	v2 =	vld [tilespmem:s23+$0x50];
	_ =	sdelay $0x7  }
0x134: {  	[tilespmem:v2+s13+$0x0] =	vst.idx.add.f32.msk $0xffff, v41  }
0x135: {  	v2 =	vld [tilespmem:s23+$0x60];
	_ =	sdelay $0x7  }
0x136: {  	[tilespmem:v2+s13+$0x0] =	vst.idx.add.f32.msk $0xffff, v41  }
0x137: {  	v2 =	vld [tilespmem:s23+$0x70];
	_ =	sdelay $0x6  }
0x138: {  	p1 =	seq.s32 s4, $0x0  }
0x139: {  	s0 =	simm.s32 @!p1 $0xA;
	[tilespmem:v2+s13+$0x0] =	vst.idx.add.f32.msk $0xffff, v41  }
0x13a: {  	_ =	swait.ge @!p1 [sflag:s0], $0x2000  }
0x13b: {  	[sflag:s0] =	ssyncset.done @!p1 $0x0  }
0x13c: {  	[sflag:s0] =	ssyncadd.s32 @!p1 $0xFFFFE000;
	s0 =	sshra.s32 @!p1 s4, $0x2  }
0x13d: {  	s3 =	simm.s32 @!p1 $0x80;
	s11 =	simm.s32 @!p1 $0xD000;
	s0 =	sadd.s32 @!p1 $0x480, s0  }
0x13e: {  	[tilespmem:s11], [sflag:$0x5] =	stream.indirect.gather @!p1 [hbm4b:s5+s3], $0x40, s0, s3, $0xb8;
	[tilespmem:$0x1FD80] =	vst v63  }
0x13f: {  	_ =	swait.ge [sflag:s25], $0x2000  }
0x140: {  	[sflag:s25] =	ssyncset.done $0x0  }
0x141: {  	s11 =	sadd.s32 $0x100, s23;
	[sflag:s25] =	ssyncadd.s32 $0xFFFFE000  }
0x142: {  	[spmem:s2] =	stream.indirect.scatter.add.f32 [tilespmem:s26], [sflag:$0x7], $0x40, s11, s24, $0xb8;
	[tilespmem:$0x1FD80] =	vst v63  }
0x143: {  	v2 =	vld [tilespmem:s23+$0x100];
	_ =	sdelay $0x7  }
0x144: {  	[tilespmem:v2+s13+$0x0] =	vst.idx.add.f32.msk $0xffff, v41  }
0x145: {  	v2 =	vld [tilespmem:s23+$0x110];
	_ =	sdelay $0x7  }
0x146: {  	[tilespmem:v2+s13+$0x0] =	vst.idx.add.f32.msk $0xffff, v41  }
0x147: {  	v2 =	vld [tilespmem:s23+$0x120];
	_ =	sdelay $0x7  }
0x148: {  	[tilespmem:v2+s13+$0x0] =	vst.idx.add.f32.msk $0xffff, v41  }
0x149: {  	v2 =	vld [tilespmem:s23+$0x130];
	_ =	sdelay $0x7  }
0x14a: {  	[tilespmem:v2+s13+$0x0] =	vst.idx.add.f32.msk $0xffff, v41  }
0x14b: {  	v2 =	vld [tilespmem:s23+$0x140];
	_ =	sdelay $0x7  }
0x14c: {  	[tilespmem:v2+s13+$0x0] =	vst.idx.add.f32.msk $0xffff, v41  }
0x14d: {  	v2 =	vld [tilespmem:s23+$0x150];
	_ =	sdelay $0x7  }
0x14e: {  	[tilespmem:v2+s13+$0x0] =	vst.idx.add.f32.msk $0xffff, v41  }
0x14f: {  	v2 =	vld [tilespmem:s23+$0x160];
	_ =	sdelay $0x7  }
0x150: {  	[tilespmem:v2+s13+$0x0] =	vst.idx.add.f32.msk $0xffff, v41  }
0x151: {  	v2 =	vld [tilespmem:s23+$0x170];
	_ =	sdelay $0x7  }
0x152: {  	[tilespmem:v2+s13+$0x0] =	vst.idx.add.f32.msk $0xffff, v41  }
0x153: {  	p2 =	seq.s32 s4, $0x12C00;
	_ =	swait.ge [sflag:s28], $0x2000  }
0x154: {  	s18 =	simm.s32 @!p2 $0x5000;
	s0 =	sshra.s32 @!p2 s4, $0x2;
	[sflag:s28] =	ssyncset.done $0x0  }
0x155: {  	s3 =	sadd.s32 @!p2 $0x580, s0;
	s11 =	simm.s32 @!p2 $0x80;
	[sflag:s28] =	ssyncadd.s32 $0xFFFFE000  }
0x156: {  	[tilespmem:s18], [sflag:$0x1] =	stream.indirect.gather @!p2 [hbm4b:s5+s11], $0x40, s3, s11, $0xb8;
	[tilespmem:$0x1FD80] =	vst v63  }
0x157: {  	_ =	swait.ge [sflag:s30], $0x2000  }
0x158: {  	[sflag:s30] =	ssyncset.done $0x0  }
0x159: {  	s3 =	sadd.s32 $0x200, s23;
	s18 =	simm.s32 $0x9000;
	[sflag:s30] =	ssyncadd.s32 $0xFFFFE000  }
0x15a: {  	[spmem:s2] =	stream.indirect.scatter.add.f32 [tilespmem:s18], [sflag:$0x8], $0x40, s3, s24, $0xb8;
	[tilespmem:$0x1FD80] =	vst v63  }
0x15b: {  	v2 =	vld [tilespmem:s23+$0x200];
	_ =	sdelay $0x7  }
0x15c: {  	[tilespmem:v2+s13+$0x0] =	vst.idx.add.f32.msk $0xffff, v41  }
0x15d: {  	v2 =	vld [tilespmem:s23+$0x210];
	_ =	sdelay $0x7  }
0x15e: {  	[tilespmem:v2+s13+$0x0] =	vst.idx.add.f32.msk $0xffff, v41  }
0x15f: {  	v2 =	vld [tilespmem:s23+$0x220];
	_ =	sdelay $0x7  }
0x160: {  	[tilespmem:v2+s13+$0x0] =	vst.idx.add.f32.msk $0xffff, v41  }
0x161: {  	v2 =	vld [tilespmem:s23+$0x230];
	_ =	sdelay $0x7  }
0x162: {  	[tilespmem:v2+s13+$0x0] =	vst.idx.add.f32.msk $0xffff, v41  }
0x163: {  	v2 =	vld [tilespmem:s23+$0x240];
	_ =	sdelay $0x7  }
0x164: {  	[tilespmem:v2+s13+$0x0] =	vst.idx.add.f32.msk $0xffff, v41  }
0x165: {  	v2 =	vld [tilespmem:s23+$0x250];
	_ =	sdelay $0x7  }
0x166: {  	[tilespmem:v2+s13+$0x0] =	vst.idx.add.f32.msk $0xffff, v41  }
0x167: {  	v2 =	vld [tilespmem:s23+$0x260];
	_ =	sdelay $0x7  }
0x168: {  	[tilespmem:v2+s13+$0x0] =	vst.idx.add.f32.msk $0xffff, v41  }
0x169: {  	v2 =	vld [tilespmem:s23+$0x270];
	_ =	sdelay $0x7  }
0x16a: {  	[tilespmem:v2+s13+$0x0] =	vst.idx.add.f32.msk $0xffff, v41  }
0x16b: {  	_ =	swait.ge [sflag:s1], $0x2000  }
0x16c: {  	[sflag:s1] =	ssyncset.done $0x0  }
0x16d: {  	s3 =	sadd.s32 @!p2 $0x680, s0;
	s18 =	simm.s32 @!p2 $0x7000;
	[sflag:s1] =	ssyncadd.s32 $0xFFFFE000  }
0x16e: {  	[tilespmem:s18], [sflag:$0x2] =	stream.indirect.gather @!p2 [hbm4b:s5+s11], $0x40, s3, s11, $0xb8;
	[tilespmem:$0x1FD80] =	vst v63  }
0x16f: {  	_ =	swait.ge [sflag:s14], $0x2000  }
0x170: {  	[sflag:s14] =	ssyncset.done $0x0  }
0x171: {  	s18 =	sadd.s32 $0x300, s23;
	[sflag:s14] =	ssyncadd.s32 $0xFFFFE000  }
0x172: {  	[spmem:s2] =	stream.indirect.scatter.add.f32 [tilespmem:s31], [sflag:$0x9], $0x40, s18, s24, $0xb8;
	[tilespmem:$0x1FD80] =	vst v63  }
0x173: {  	v2 =	vld [tilespmem:s23+$0x300];
	_ =	sdelay $0x7  }
0x174: {  	[tilespmem:v2+s13+$0x0] =	vst.idx.add.f32.msk $0xffff, v41  }
0x175: {  	v2 =	vld [tilespmem:s23+$0x310];
	_ =	sdelay $0x7  }
0x176: {  	[tilespmem:v2+s13+$0x0] =	vst.idx.add.f32.msk $0xffff, v41  }
0x177: {  	v2 =	vld [tilespmem:s23+$0x320];
	_ =	sdelay $0x7  }
0x178: {  	[tilespmem:v2+s13+$0x0] =	vst.idx.add.f32.msk $0xffff, v41  }
0x179: {  	v2 =	vld [tilespmem:s23+$0x330];
	_ =	sdelay $0x7  }
0x17a: {  	[tilespmem:v2+s13+$0x0] =	vst.idx.add.f32.msk $0xffff, v41  }
0x17b: {  	v2 =	vld [tilespmem:s23+$0x340];
	_ =	sdelay $0x7  }
0x17c: {  	[tilespmem:v2+s13+$0x0] =	vst.idx.add.f32.msk $0xffff, v41  }
0x17d: {  	v2 =	vld [tilespmem:s23+$0x350];
	_ =	sdelay $0x7  }
0x17e: {  	[tilespmem:v2+s13+$0x0] =	vst.idx.add.f32.msk $0xffff, v41  }
0x17f: {  	v2 =	vld [tilespmem:s23+$0x360];
	_ =	sdelay $0x7  }
0x180: {  	[tilespmem:v2+s13+$0x0] =	vst.idx.add.f32.msk $0xffff, v41  }
0x181: {  	v2 =	vld [tilespmem:s23+$0x370];
	_ =	sdelay $0x7  }
0x182: {  	[tilespmem:v2+s13+$0x0] =	vst.idx.add.f32.msk $0xffff, v41  }
0x183: {  	_ =	swait.ge [sflag:s15], $0x2000  }
0x184: {  	[sflag:s15] =	ssyncset.done $0x0  }
0x185: {  	s0 =	sadd.s32 @!p2 $0x780, s0;
	s3 =	simm.s32 @!p2 $0x9000;
	[sflag:s15] =	ssyncadd.s32 $0xFFFFE000  }
0x186: {  	[tilespmem:s3], [sflag:$0x3] =	stream.indirect.gather @!p2 [hbm4b:s5+s11], $0x40, s0, s11, $0xb8;
	[tilespmem:$0x1FD80] =	vst v63  }
0x187: {  	_ =	swait.ge [sflag:s16], $0x2000  }
0x188: {  	s0 =	smov.u32 s20;
	[sflag:s16] =	ssyncset.done $0x0  }
0x189: {  	s18 =	simm.s32 $0xD000;
	s0 =	simm.s32 @p1 $0x400;
	[sflag:s16] =	ssyncadd.s32 $0xFFFFE000  }
0x18a: {  	[spmem:s2] =	stream.indirect.scatter.add.f32 [tilespmem:s18], [sflag:$0xA], $0x40, s0, s24, $0xb8;
	[tilespmem:$0x1FD80] =	vst v63  }
0x18b: {  	v2 =	vld [tilespmem:s0+$0x0];
	_ =	sdelay $0x7  }
0x18c: {  	[tilespmem:v2+s13+$0x0] =	vst.idx.add.f32.msk $0xffff, v41  }
0x18d: {  	v2 =	vld [tilespmem:s0+$0x10];
	_ =	sdelay $0x7  }
0x18e: {  	[tilespmem:v2+s13+$0x0] =	vst.idx.add.f32.msk $0xffff, v41  }
0x18f: {  	v2 =	vld [tilespmem:s0+$0x20];
	_ =	sdelay $0x7  }
0x190: {  	[tilespmem:v2+s13+$0x0] =	vst.idx.add.f32.msk $0xffff, v41  }
0x191: {  	v2 =	vld [tilespmem:s0+$0x30];
	_ =	sdelay $0x7  }
0x192: {  	[tilespmem:v2+s13+$0x0] =	vst.idx.add.f32.msk $0xffff, v41  }
0x193: {  	v2 =	vld [tilespmem:s0+$0x40];
	_ =	sdelay $0x7  }
0x194: {  	[tilespmem:v2+s13+$0x0] =	vst.idx.add.f32.msk $0xffff, v41  }
0x195: {  	v2 =	vld [tilespmem:s0+$0x50];
	_ =	sdelay $0x7  }
0x196: {  	[tilespmem:v2+s13+$0x0] =	vst.idx.add.f32.msk $0xffff, v41  }
0x197: {  	v2 =	vld [tilespmem:s0+$0x60];
	_ =	sdelay $0x7  }
0x198: {  	[tilespmem:v2+s13+$0x0] =	vst.idx.add.f32.msk $0xffff, v41  }
0x199: {  	v2 =	vld [tilespmem:s0+$0x70];
	_ =	sdelay $0x6  }
.Ltmp5:
0x19a: {  	_ = 	snop;
	(pc) =	sbr.rel @p2 .LBB2_13-.Ltmp5, $4  }
0x19b: {  	[tilespmem:v2+s13+$0x0] =	vst.idx.add.f32.msk $0xffff, v41  }
0x19c: {  	_ =	swait.ge [sflag:s17], $0x2000  }
0x19d: {  	[sflag:s17] =	ssyncset.done $0x0  }
0x19e: {  	[sflag:s17] =	ssyncadd.s32 $0xFFFFE000  }
.Ltmp6:
0x19f: {  	(pc) =	sbr.rel .LBB2_11-.Ltmp6, $3  }
0x1a0: {  	_ =	sdelay $0x1  }
0x1a1: {  	s0 =	sadd.s32 $0x880, s23;
	s4 =	sadd.s32 $0x1400, s4;
	s20 =	sadd.s32 $0x500, s20  }
0x1a2: {  	[tilespmem:s31], [sflag:$0x4] =	stream.indirect.gather [hbm4b:s5+s24], $0x40, s0, s24, $0xb8;
	[tilespmem:$0x1FD80] =	vst v63  }
.LBB2_13:
0x1a3: {  	s0 =	simm.s32 $0xA  }
0x1a4: {  	_ =	swait.ge [sflag:s0], $0x2000  }
0x1a5: {  	[sflag:s0] =	ssyncset.done $0x0  }
0x1a6: {  	s11 =	simm.s32 $0x11800;
	[sflag:s0] =	ssyncadd.s32 $0xFFFFE000  }
0x1a7: {  	[spmem:s29] =	stream.indirect.scatter.add.f32 [tilespmem:s13], [sflag:$0xB], $0x10, s11, s24, $0xb8;
	[tilespmem:$0x1FD80] =	vst v63  }
0x1a8: {  	_ =	swait.ge [sflag:s22], $0x800  }
0x1a9: {  	[sflag:s22] =	ssyncset.done $0x0  }
0x1aa: {  	s18 =	simm.s32 $0x11880;
	s3 =	simm.s32 $0xF800;
	[sflag:s22] =	ssyncadd.s32 $0xFFFFF800  }
0x1ab: {  	[spmem:s29] =	stream.indirect.scatter.add.f32 [tilespmem:s3], [sflag:$0xB], $0x10, s18, s24, $0xb8;
	[tilespmem:$0x1FD80] =	vst v63  }
0x1ac: {  	_ =	swait.ge [sflag:s22], $0x800  }
0x1ad: {  	[sflag:s22] =	ssyncset.done $0x0  }
0x1ae: {  	s20 =	simm.s32 $0x11900;
	s23 =	simm.s32 $0x10000;
	[sflag:s22] =	ssyncadd.s32 $0xFFFFF800  }
0x1af: {  	[spmem:s29] =	stream.indirect.scatter.add.f32 [tilespmem:s23], [sflag:$0xB], $0x10, s20, s24, $0xb8;
	[tilespmem:$0x1FD80] =	vst v63  }
0x1b0: {  	_ =	swait.ge [sflag:s22], $0x800  }
0x1b1: {  	[sflag:s22] =	ssyncset.done $0x0  }
0x1b2: {  	s4 =	simm.s32 $0x11980;
	s11 =	simm.s32 $0x10800;
	[sflag:s22] =	ssyncadd.s32 $0xFFFFF800  }
0x1b3: {  	[spmem:s29] =	stream.indirect.scatter.add.f32 [tilespmem:s11], [sflag:$0xB], $0x10, s4, s24, $0xb8;
	[tilespmem:$0x1FD80] =	vst v63  }
0x1b4: {  	_ =	swait.ge [sflag:s22], $0x800  }
0x1b5: {  	[sflag:s22] =	ssyncset.done $0x0  }
0x1b6: {  	s18 =	simm.s32 $0x11A00;
	s20 =	simm.s32 $0x11000;
	[sflag:s22] =	ssyncadd.s32 $0xFFFFF800  }
0x1b7: {  	[spmem:s29] =	stream.indirect.scatter.add.f32 [tilespmem:s20], [sflag:$0xB], $0x10, s18, s24, $0xb8;
	[tilespmem:$0x1FD80] =	vst v63  }
0x1b8: {  	_ =	swait.ge [sflag:s22], $0x800  }
0x1b9: {  	[sflag:s22] =	ssyncset.done $0x0  }
0x1ba: {  	[sflag:s22] =	ssyncadd.s32 $0xFFFFF800  }
0x1bb: {  	[bflag:$0x0] =	sbarrier.arrive $0xFFFF  }
0x1bc: {  	[tilespmem:s26], [sflag:$0xB] =	stream.linear.gather [spmem:s6], $0x2000, $0x38;
	[tilespmem:$0x1FD80] =	vst v63  }
0x1bd: {  	_ =	swait.ge [sflag:s22], $0x2000  }
0x1be: {  	[sflag:s22] =	ssyncset.done $0x0  }
0x1bf: {  	[sflag:s22] =	ssyncadd.s32 $0xFFFFE000  }
0x1c0: {  	_ =	sdelay $0x7ff  }
0x1c1: {  	_ =	sdelay $0x7ff  }
0x1c2: {  	_ =	sdelay $0x7ff  }
0x1c3: {  	s23 =	sadd.s32 $0x0, s6;
	_ =	sdelay $0x484  }
0x1c4: {  	s4 =	simm.s32 $0x11D00;
	s11 =	simm.s32 $0x100;
	[bflag:$0x0] =	sbarrier.arrive $0xFFFF  }
0x1c5: {  	[tilespmem:s4], [sflag:$0xB] =	stream.linear.gather [spmem:s23], $0x40, $0x38;
	[tilespmem:$0x1FD80] =	vst v63  }
.LBB2_14:
0x1c6: {  	p1 =	sne.s32 s11, $0x7F00  }
.Ltmp7:
0x1c7: {  	_ = 	snop;
	(pc) =	sbr.rel @p1 .LBB2_14-.Ltmp7, $4  }
0x1c8: {  	_ = 	snop  }
0x1c9: {  	s0 =	sshra.s32 s11, $0x2;
	s11 =	sadd.s32 $0x100, s11  }
0x1ca: {  	s4 =	sadd.s32 $0x80, s4;
	s0 =	sadd.s32 s0, s6  }
0x1cb: {  	[tilespmem:s4], [sflag:$0xB] =	stream.linear.gather [spmem:s0], $0x40, $0x38;
	[tilespmem:$0x1FD80] =	vst v63  }
0x1cc: {  	_ =	swait.ge [sflag:s22], $0x2000  }
0x1cd: {  	s0 =	simm.s32 $0x0;
	[sflag:s22] =	ssyncset.done $0x0  }
0x1ce: {  	s4 =	simm.s32 $0x11D00;
	s3 =	rddreg [dreg:$0x8];
	[sflag:s22] =	ssyncadd.s32 $0xFFFFE000  }
0x1cf: {  	[hbm4b:s3+s0] =	stream.linear.scatter [tilespmem:s4], [sflag:$0xB], $0x4000, $0x38;
	[tilespmem:$0x1FD80] =	vst v63  }
0x1d0: {  	_ =	swait.ge [sflag:s22], $0x4000  }
0x1d1: {  	s23 =	sadd.s32 $0x0, s7;
	[sflag:s22] =	ssyncset.done $0x0  }
0x1d2: {  	s11 =	simm.s32 $0x100;
	s20 =	simm.s32 $0x11A80;
	[sflag:s22] =	ssyncadd.s32 $0xFFFFC000  }
0x1d3: {  	[tilespmem:s4], [sflag:$0xB] =	stream.linear.gather [spmem:s23], $0x40, $0x38;
	[tilespmem:$0x1FD80] =	vst v63  }
.LBB2_16:
0x1d4: {  	p1 =	sne.s32 s11, $0x7F00  }
.Ltmp8:
0x1d5: {  	_ = 	snop;
	(pc) =	sbr.rel @p1 .LBB2_16-.Ltmp8, $4  }
0x1d6: {  	_ = 	snop  }
0x1d7: {  	s0 =	sshra.s32 s11, $0x2;
	s11 =	sadd.s32 $0x100, s11  }
0x1d8: {  	s4 =	sadd.s32 $0x80, s4;
	s0 =	sadd.s32 s0, s7  }
0x1d9: {  	[tilespmem:s4], [sflag:$0xB] =	stream.linear.gather [spmem:s0], $0x40, $0x38;
	[tilespmem:$0x1FD80] =	vst v63  }
0x1da: {  	_ =	swait.ge [sflag:s22], $0x2000  }
0x1db: {  	s0 =	simm.s32 $0x0;
	[sflag:s22] =	ssyncset.done $0x0  }
0x1dc: {  	s4 =	simm.s32 $0x11D00;
	s3 =	rddreg [dreg:$0x9];
	[sflag:s22] =	ssyncadd.s32 $0xFFFFE000  }
0x1dd: {  	[hbm4b:s3+s0] =	stream.linear.scatter [tilespmem:s4], [sflag:$0xB], $0x4000, $0x38;
	[tilespmem:$0x1FD80] =	vst v63  }
0x1de: {  	_ =	swait.ge [sflag:s22], $0x4000  }
0x1df: {  	[sflag:s22] =	ssyncset.done $0x0  }
0x1e0: {  	s23 =	sadd.s32 $0x0, s8;
	s11 =	simm.s32 $0x100;
	[sflag:s22] =	ssyncadd.s32 $0xFFFFC000  }
0x1e1: {  	[tilespmem:s4], [sflag:$0xB] =	stream.linear.gather [spmem:s23], $0x40, $0x38;
	[tilespmem:$0x1FD80] =	vst v63  }
.LBB2_18:
0x1e2: {  	p1 =	sne.s32 s11, $0x7F00  }
.Ltmp9:
0x1e3: {  	_ = 	snop;
	(pc) =	sbr.rel @p1 .LBB2_18-.Ltmp9, $4  }
0x1e4: {  	_ = 	snop  }
0x1e5: {  	s0 =	sshra.s32 s11, $0x2;
	s11 =	sadd.s32 $0x100, s11  }
0x1e6: {  	s4 =	sadd.s32 $0x80, s4;
	s0 =	sadd.s32 s0, s8  }
0x1e7: {  	[tilespmem:s4], [sflag:$0xB] =	stream.linear.gather [spmem:s0], $0x40, $0x38;
	[tilespmem:$0x1FD80] =	vst v63  }
0x1e8: {  	_ =	swait.ge [sflag:s22], $0x2000  }
0x1e9: {  	s0 =	simm.s32 $0x0;
	[sflag:s22] =	ssyncset.done $0x0  }
0x1ea: {  	s4 =	simm.s32 $0x11D00;
	s3 =	rddreg [dreg:$0xa];
	[sflag:s22] =	ssyncadd.s32 $0xFFFFE000  }
0x1eb: {  	[hbm4b:s3+s0] =	stream.linear.scatter [tilespmem:s4], [sflag:$0xB], $0x4000, $0x38;
	[tilespmem:$0x1FD80] =	vst v63  }
0x1ec: {  	_ =	swait.ge [sflag:s22], $0x4000  }
0x1ed: {  	[sflag:s22] =	ssyncset.done $0x0  }
0x1ee: {  	s23 =	sadd.s32 $0x0, s9;
	s11 =	simm.s32 $0x100;
	[sflag:s22] =	ssyncadd.s32 $0xFFFFC000  }
0x1ef: {  	[tilespmem:s4], [sflag:$0xB] =	stream.linear.gather [spmem:s23], $0x40, $0x38;
	[tilespmem:$0x1FD80] =	vst v63  }
.LBB2_20:
0x1f0: {  	p1 =	sne.s32 s11, $0x7F00  }
.Ltmp10:
0x1f1: {  	_ = 	snop;
	(pc) =	sbr.rel @p1 .LBB2_20-.Ltmp10, $4  }
0x1f2: {  	_ = 	snop  }
0x1f3: {  	s0 =	sshra.s32 s11, $0x2;
	s11 =	sadd.s32 $0x100, s11  }
0x1f4: {  	s4 =	sadd.s32 $0x80, s4;
	s0 =	sadd.s32 s0, s9  }
0x1f5: {  	[tilespmem:s4], [sflag:$0xB] =	stream.linear.gather [spmem:s0], $0x40, $0x38;
	[tilespmem:$0x1FD80] =	vst v63  }
0x1f6: {  	_ =	swait.ge [sflag:s22], $0x2000  }
0x1f7: {  	s0 =	simm.s32 $0x0;
	[sflag:s22] =	ssyncset.done $0x0  }
0x1f8: {  	s4 =	simm.s32 $0x11D00;
	s3 =	rddreg [dreg:$0xb];
	[sflag:s22] =	ssyncadd.s32 $0xFFFFE000  }
0x1f9: {  	[hbm4b:s3+s0] =	stream.linear.scatter [tilespmem:s4], [sflag:$0xB], $0x4000, $0x38;
	[tilespmem:$0x1FD80] =	vst v63  }
0x1fa: {  	_ =	swait.ge [sflag:s22], $0x4000  }
0x1fb: {  	[sflag:s22] =	ssyncset.done $0x0  }
0x1fc: {  	s23 =	sadd.s32 $0x0, s10;
	s11 =	simm.s32 $0x100;
	[sflag:s22] =	ssyncadd.s32 $0xFFFFC000  }
0x1fd: {  	[tilespmem:s4], [sflag:$0xB] =	stream.linear.gather [spmem:s23], $0x40, $0x38;
	[tilespmem:$0x1FD80] =	vst v63  }
.LBB2_22:
0x1fe: {  	p1 =	sne.s32 s11, $0x7700  }
.Ltmp11:
0x1ff: {  	_ = 	snop;
	(pc) =	sbr.rel @p1 .LBB2_22-.Ltmp11, $4  }
0x200: {  	_ = 	snop  }
0x201: {  	s0 =	sshra.s32 s11, $0x2;
	s11 =	sadd.s32 $0x100, s11  }
0x202: {  	s4 =	sadd.s32 $0x80, s4;
	s0 =	sadd.s32 s0, s10  }
0x203: {  	[tilespmem:s4], [sflag:$0xB] =	stream.linear.gather [spmem:s0], $0x40, $0x38;
	[tilespmem:$0x1FD80] =	vst v63  }
0x204: {  	_ =	swait.ge [sflag:s22], $0x1E00  }
0x205: {  	s3 =	simm.s32 $0x0;
	[sflag:s22] =	ssyncset.done $0x0  }
0x206: {  	s4 =	simm.s32 $0x11D00;
	s0 =	rddreg [dreg:$0xc];
	[sflag:s22] =	ssyncadd.s32 $0xFFFFE200  }
0x207: {  	[hbm4b:s0+s3] =	stream.linear.scatter [tilespmem:s4], [sflag:$0xB], $0x3C00, $0x38;
	[tilespmem:$0x1FD80] =	vst v63  }
0x208: {  	_ =	swait.ge [sflag:s22], $0x3C00  }
0x209: {  	[sflag:s22] =	ssyncset.done $0x0  }
0x20a: {  	[sflag:s22] =	ssyncadd.s32 $0xFFFFC400  }
0x20b: {  	[tilespmem:s20], [sflag:$0xB] =	stream.linear.gather [spmem:s19], $0x280, $0x38;
	[tilespmem:$0x1FD80] =	vst v63  }
0x20c: {  	_ =	swait.ge [sflag:s22], $0x280  }
0x20d: {  	[sflag:s22] =	ssyncset.done $0x0  }
0x20e: {  	s11 =	rddreg [dreg:$0xd];
	[sflag:s22] =	ssyncadd.s32 $0xFFFFFD80  }
0x20f: {  	[hbm4b:s11+s3] =	stream.linear.scatter [tilespmem:s20], [sflag:$0xB], $0x280, $0x38;
	[tilespmem:$0x1FD80] =	vst v63  }
0x210: {  	_ =	swait.ge [sflag:s22], $0x280  }
0x211: {  	s18 =	rddreg [dreg:$0xf]  }
0x212: {  	s23 =	rddreg [dreg:$0xe];
	s4 =	sadd.s32 $0x1, s18  }
0x213: {  	p1 =	sne.s32 s4, s23  }
.Ltmp12:
0x214: {  	_ = 	snop;
	(pc) =	sbr.rel @p1 .LBB2_1-.Ltmp12, $3  }
0x215: {  	_ =	sdelay $0x1  }
0x216: {  	[sflag:s22] =	ssyncset.done $0x0  }
0x217: {  	s0 =	simm.s32 $0x0;
	[sflag:s22] =	ssyncadd.s32 $0xFFFFFD80  }
0x218: {  	_ =	sfence.sel $0x180000  }
0x219: {  	[bflag:$0x0] =	sbarrier.arrive $0xFFFF  }
0x21a: {  	_ =	strace $0x90000047  }
0x21b: {  	s0 =	stileid.u32;
	[bflag:$0x2] =	sbarrier.arrive $0xFFFF  }
0x21c: {  	p0 =	sne.s32 s0, $0x0;
	s0 =	rddreg [dreg:$0x4]  }
0x21d: {  	s0 =	sadd.s32 @!p0 $0x100000, s0  }
0x21e: {  	[sflag:s0] =	ssyncadd.tile.s32 @!p0 $0x1;
	_ =	shalt  }
.Lfunc_end2:
_tile_overlayer_lowered:
.L_overlay_start_2:
0x21f: {  	(tag) =	ssettag $0x2  }
0x220: {  	s0 =	rddreg [dreg:$0x0];
	s2 =	stileid.u32  }
0x221: {  	s1 =	rddreg [dreg:$0x1];
	p0 =	sne.s32 s2, $0x0  }
0x222: {  	s3 =	rddreg [dreg:$0x2];
	[bflag:$0x3] =	sbarrier.arrive $0xFFFF;
	s2 =	simm.s32 @!p0 $0x1C0B  }
0x223: {  	[timem:s3], [sflag:s2] =	dma.local @!p0 [hbm:s0], s1  }
0x224: {  	s0 =	simm.s32 @!p0 $0xB  }
0x225: {  	_ =	swait.ge @!p0 [sflag:s0], s1  }
0x226: {  	s1 =	ssub.s32 @!p0 $0x0, s1;
	[sflag:s0] =	ssyncset.done @!p0 $0x0  }
0x227: {  	[sflag:s0] =	ssyncadd.s32 @!p0 s1  }
0x228: {  	[bflag:$0x3] =	sbarrier.arrive $0xFFFF  }
0x229: {  	_ =	shalt  }

</sc_bundles>
